<compile_context>
chip_gen: v7x
topology: tpu7x:2x2x1
jax: 0.10.2.dev20260603
libtpu: 0.0.44.dev20260713+nightly
codegen_flags: <defaults>
</compile_context>

<pallas_src>
import functools

import jax
import jax.numpy as jnp
from jax import lax
from jax.experimental import pallas as pl
from jax.experimental.pallas import tpu as pltpu
from jax.experimental.pallas import tpu_sc as plsc

N = 10000
E = 320000
F_IN = 128
F_HID = 128
F_OUT = 40
F2 = 64

NP = 10240
TRASH = NP - 1

NC = 2
NS = 16
NW = NC * NS
EPT = E // NW
CHUNK = 80
NCHUNK = EPT // CHUNK

ROWS_PT = NP // NS
RB = 80

_MESH = plsc.VectorSubcoreMesh(core_axis_name="c", subcore_axis_name="s")
_SC_PARAMS = pltpu.CompilerParams(needs_layout_passes=False)


HR = NP // 128
HRT = 8
HTS = HR // HRT


def _deg_body(src_hbm, dst_hbm, deg_out, mdst_out, srcv, dstv, mdstv, histv,
              zb, idx80, accdeg):
    c = lax.axis_index("c")
    s = lax.axis_index("s")
    wid = c * NS + s
    base = wid * EPT
    pltpu.sync_copy(src_hbm.at[pl.ds(base, EPT)], srcv)
    pltpu.sync_copy(dst_hbm.at[pl.ds(base, EPT)], dstv)

    io16 = lax.iota(jnp.int32, 16)
    zi = io16 * 0
    zf = zi.astype(jnp.float32)

    for r in range(HRT):
        for k in range(8):
            zb[r, pl.ds(k * 16, 16)] = zf
    for k in range(HR // 16):
        idx80[pl.ds(k * 16, 16)] = io16 + k * 16

    def zero_row(r, _):
        for k in range(8):
            histv[r, pl.ds(k * 16, 16)] = zf
        return 0

    lax.fori_loop(0, HR, zero_row, 0)

    @pl.when(s < HTS)
    def _():
        pltpu.sync_copy(zb, accdeg.at[pl.ds(s * HRT, HRT)])
    plsc.subcore_barrier()

    trash = zi + TRASH

    def edge_vec(i, _):
        sv = srcv[pl.ds(i * 16, 16)]
        dv = dstv[pl.ds(i * 16, 16)]
        m = sv != dv
        plsc.addupdate_scatter(
            histv,
            [lax.shift_right_logical(sv, 7), lax.bitwise_and(sv, 127)],
            m.astype(jnp.float32))
        mdstv[pl.ds(i * 16, 16)] = jnp.where(m, dv, trash)
        return 0

    lax.fori_loop(0, EPT // 16, edge_vec, 0)

    pltpu.sync_copy(histv, accdeg.at[idx80], add=True)
    plsc.subcore_barrier()

    @pl.when(s < HTS)
    def _():
        pltpu.sync_copy(accdeg.at[pl.ds(s * HRT, HRT)], zb)
        pltpu.sync_copy(zb, deg_out.at[c, pl.ds(s * HRT, HRT)])

    pltpu.sync_copy(mdstv, mdst_out.at[pl.ds(base, EPT)])


_deg_kernel = functools.partial(
    pl.kernel,
    out_type=[
        jax.ShapeDtypeStruct((NC, HR, 128), jnp.float32),
        jax.ShapeDtypeStruct((E,), jnp.int32),
    ],
    mesh=_MESH,
    scratch_types=[
        pltpu.VMEM((EPT,), jnp.int32),
        pltpu.VMEM((EPT,), jnp.int32),
        pltpu.VMEM((EPT,), jnp.int32),
        pltpu.VMEM((HR, 128), jnp.float32),
        pltpu.VMEM((HRT, 128), jnp.float32),
        pltpu.VMEM((HR,), jnp.int32),
        pltpu.VMEM_SHARED((HR, 128), jnp.float32),
    ],
    compiler_params=_SC_PARAMS,
)(_deg_body)


def _prop_body(width, y_hbm, src_hbm, mdst_hbm, p_out, srcv, mdstv, rows,
               zbuf, acc, sem):
    c = lax.axis_index("c")
    s = lax.axis_index("s")
    wid = c * NS + s

    zf = (lax.iota(jnp.int32, 16) * 0).astype(jnp.float32)

    def zero_row(r, _):
        for k in range(width // 16):
            zbuf[r, pl.ds(k * 16, 16)] = zf
        return 0

    lax.fori_loop(0, RB, zero_row, 0)
    for k in range(ROWS_PT // RB):
        pltpu.sync_copy(zbuf, acc.at[pl.ds(s * ROWS_PT + k * RB, RB)])
    plsc.subcore_barrier()

    def chunk(ci, _):
        base = wid * EPT + ci * CHUNK
        pltpu.sync_copy(src_hbm.at[pl.ds(base, CHUNK)], srcv)
        pltpu.sync_copy(mdst_hbm.at[pl.ds(base, CHUNK)], mdstv)
        pltpu.async_copy(y_hbm.at[srcv], rows, sem).wait()
        pltpu.sync_copy(rows, acc.at[mdstv], add=True)
        return 0

    lax.fori_loop(0, NCHUNK, chunk, 0)
    plsc.subcore_barrier()

    for k in range(ROWS_PT // RB):
        r0 = s * ROWS_PT + k * RB
        pltpu.sync_copy(acc.at[pl.ds(r0, RB)], zbuf)
        pltpu.sync_copy(zbuf, p_out.at[c, pl.ds(r0, RB)])


def _make_prop(width):
    params = (_SC_PARAMS if width % 128 == 0 else
              pltpu.CompilerParams(needs_layout_passes=False,
                                   use_tc_tiling_on_sc=False))
    return functools.partial(
        pl.kernel,
        out_type=jax.ShapeDtypeStruct((NC, NP, width), jnp.float32),
        mesh=_MESH,
        scratch_types=[
            pltpu.VMEM((CHUNK,), jnp.int32),
            pltpu.VMEM((CHUNK,), jnp.int32),
            pltpu.VMEM((CHUNK, width), jnp.float32),
            pltpu.VMEM((RB, width), jnp.float32),
            pltpu.VMEM_SHARED((NP, width), jnp.float32),
            pltpu.SemaphoreType.DMA,
        ],
        compiler_params=params,
    )(functools.partial(_prop_body, width))


_prop128 = _make_prop(F_HID)
_prop64 = _make_prop(F2)


def _s1_body(x_ref, w0_ref, w1_ref, dp_ref, xw0_ref, y1_ref, dis_ref):
    deg = jnp.sum(dp_ref[...], axis=0)
    dis = jnp.where(deg > 0, lax.rsqrt(jnp.maximum(deg, 1e-12)), 0.0)
    xb = x_ref[...]
    xw0_ref[...] = jnp.dot(xb, w0_ref[...], preferred_element_type=jnp.float32)
    y1_ref[...] = dis * jnp.dot(xb, w1_ref[...],
                                preferred_element_type=jnp.float32)
    dis_ref[...] = dis


def _s2_body(xw0_ref, p_ref, dis_ref, b1_ref, w02_ref, w12_ref,
             hw0_ref, y2_ref):
    dis = dis_ref[...]
    h = jnp.maximum(
        xw0_ref[...] - dis * (p_ref[0] + p_ref[1]) + b1_ref[...], 0.0)
    hw0_ref[...] = jnp.dot(h, w02_ref[...], preferred_element_type=jnp.float32)
    y2_ref[...] = dis * jnp.dot(h, w12_ref[...],
                                preferred_element_type=jnp.float32)


def _s3_body(hw0_ref, q_ref, dis_ref, b2_ref, out_ref):
    out_ref[...] = (hw0_ref[:, :F_OUT]
                    - dis_ref[...] * (q_ref[0, :, :F_OUT] + q_ref[1, :, :F_OUT])
                    + b2_ref[...])


BR = 2048
BR3 = 2000


def _stage1(x_p, W0, W1, dp):
    return pl.pallas_call(
        _s1_body,
        grid=(NP // BR,),
        in_specs=[
            pl.BlockSpec((BR, F_IN), lambda i: (i, 0)),
            pl.BlockSpec((F_IN, F_HID), lambda i: (0, 0)),
            pl.BlockSpec((F_IN, F_HID), lambda i: (0, 0)),
            pl.BlockSpec((NC, BR, 1), lambda i: (0, i, 0)),
        ],
        out_specs=[
            pl.BlockSpec((BR, F_HID), lambda i: (i, 0)),
            pl.BlockSpec((BR, F_HID), lambda i: (i, 0)),
            pl.BlockSpec((BR, 1), lambda i: (i, 0)),
        ],
        out_shape=[
            jax.ShapeDtypeStruct((NP, F_HID), jnp.float32),
            jax.ShapeDtypeStruct((NP, F_HID), jnp.float32),
            jax.ShapeDtypeStruct((NP, 1), jnp.float32),
        ],
    )(x_p, W0, W1, dp)


def _stage2(xw0, p, dis, b1r, W02p, W12p):
    return pl.pallas_call(
        _s2_body,
        grid=(NP // BR,),
        in_specs=[
            pl.BlockSpec((BR, F_HID), lambda i: (i, 0)),
            pl.BlockSpec((NC, BR, F_HID), lambda i: (0, i, 0)),
            pl.BlockSpec((BR, 1), lambda i: (i, 0)),
            pl.BlockSpec((1, F_HID), lambda i: (0, 0)),
            pl.BlockSpec((F_HID, F2), lambda i: (0, 0)),
            pl.BlockSpec((F_HID, F2), lambda i: (0, 0)),
        ],
        out_specs=[
            pl.BlockSpec((BR, F2), lambda i: (i, 0)),
            pl.BlockSpec((BR, F2), lambda i: (i, 0)),
        ],
        out_shape=[
            jax.ShapeDtypeStruct((NP, F2), jnp.float32),
            jax.ShapeDtypeStruct((NP, F2), jnp.float32),
        ],
    )(xw0, p, dis, b1r, W02p, W12p)


def _stage3(hw0, q, dis, b2r):
    return pl.pallas_call(
        _s3_body,
        grid=(N // BR3,),
        in_specs=[
            pl.BlockSpec((BR3, F2), lambda i: (i, 0)),
            pl.BlockSpec((NC, BR3, F2), lambda i: (0, i, 0)),
            pl.BlockSpec((BR3, 1), lambda i: (i, 0)),
            pl.BlockSpec((1, F_OUT), lambda i: (0, 0)),
        ],
        out_specs=pl.BlockSpec((BR3, F_OUT), lambda i: (i, 0)),
        out_shape=jax.ShapeDtypeStruct((N, F_OUT), jnp.float32),
    )(hw0, q, dis, b2r)


def kernel(x, edge_index, W0_1, W1_1, b1, W0_2, W1_2, b2):
    src = edge_index[0]
    dst = edge_index[1]
    x_p = jnp.pad(x, ((0, NP - N), (0, 0)))
    W02p = jnp.pad(W0_2, ((0, 0), (0, F2 - F_OUT)))
    W12p = jnp.pad(W1_2, ((0, 0), (0, F2 - F_OUT)))
    b1r = b1.reshape(1, F_HID)
    b2r = b2.reshape(1, F_OUT)

    deg_part, mdst = _deg_kernel(src, dst)
    xw0, y1, dis = _stage1(x_p, W0_1, W1_1, deg_part.reshape(NC, NP, 1))
    p = _prop128(y1, src, mdst)
    hw0, y2 = _stage2(xw0, p, dis, b1r, W02p, W12p)
    q = _prop64(y2, src, mdst)
    out = _stage3(hw0, q, dis, b2r)
    return (out, edge_index)

# --- scband reference (transcript-rebuilt; emitter-appended) ---
"""Pipeline reference for scband-chebyshev-convolution-81140522156081 (READ-ONLY COPY).

The authoritative reference and input builder live on the scoring server;
editing this copy changes nothing except your own understanding.
"""

import jax, jax.numpy as jnp
import numpy as np

N = 10000
E = 320000
F_IN = 128
F_HID = 128
F_OUT = 40


def setup_inputs(seed: int = 0) -> dict:
    key = jax.random.key(seed)
    ks = jax.random.split(key, 8)
    x = jax.random.normal(ks[0], (N, F_IN), dtype=jnp.float32)
    # int32 used on the jax side (values < 2**31); torch side uses int64
    edge_index = jax.random.randint(ks[1], (2, E), 0, N, dtype=jnp.int32)
    # ChebConv K=2 params: lins[0], lins[1] (no per-lin bias) + one bias per conv.
    s1 = 1.0 / np.sqrt(F_IN)
    s2 = 1.0 / np.sqrt(F_HID)
    W0_1 = jax.random.uniform(ks[2], (F_IN, F_HID), jnp.float32, -s1, s1)
    W1_1 = jax.random.uniform(ks[3], (F_IN, F_HID), jnp.float32, -s1, s1)
    b1 = jnp.zeros((F_HID,), dtype=jnp.float32)
    W0_2 = jax.random.uniform(ks[4], (F_HID, F_OUT), jnp.float32, -s2, s2)
    W1_2 = jax.random.uniform(ks[5], (F_HID, F_OUT), jnp.float32, -s2, s2)
    b2 = jnp.zeros((F_OUT,), dtype=jnp.float32)
    return {"x": x, "edge_index": edge_index, "W0_1": W0_1, "W1_1": W1_1,
            "b1": b1, "W0_2": W0_2, "W1_2": W1_2, "b2": b2}


def _cheb_conv_k2(x, edge_index, W0, W1, b):
    # Faithful to PyG ChebConv(K=2), normalization='sym', lambda_max=2.0:
    # L_hat = (2/lambda_max)*(I - D^-1/2 A D^-1/2) - I = -D^-1/2 A D^-1/2
    # (diagonal entries: 1*(2/2) - 1 = 0, so self-loop/diag terms vanish)
    src, dst = edge_index[0], edge_index[1]
    n = x.shape[0]
    mask = (src != dst).astype(x.dtype)  # remove_self_loops
    deg = jax.ops.segment_sum(mask, src, num_segments=n)
    dis = jnp.where(deg > 0, 1.0 / jnp.sqrt(jnp.maximum(deg, 1e-12)), 0.0)
    w = -dis[src] * dis[dst] * mask  # scaled Laplacian edge weights
    Tx0 = x
    # propagate: out[i] = sum_{e:(j->i)} w_e * x[j]
    Tx1 = jax.ops.segment_sum(w[:, None] * x[src], dst, num_segments=n)
    return Tx0 @ W0 + Tx1 @ W1 + b


def reference(x, edge_index, W0_1, W1_1, b1, W0_2, W1_2, b2):
    h = jax.nn.relu(_cheb_conv_k2(x, edge_index, W0_1, W1_1, b1))
    # F.dropout(training=self.training) -> identity in eval mode
    out = _cheb_conv_k2(h, edge_index, W0_2, W1_2, b2)
    return (out, edge_index)

if __name__ == "__main__":
    import jax
    _d = setup_inputs()
    print(jax.jit(kernel)(*tuple(_d.values())))

</pallas_src>

<mosaic_0001>
#map = affine_map<(d0, d1) -> (0)>
#map1 = affine_map<(d0, d1) -> (0, 0, 0)>
module attributes {stable_mosaic.version = 14 : i64} {
  func.func @_deg_body(%arg0: i32, %arg1: i32, %arg2: memref<320000xi32, #tpu.memory_space<hbm>>, %arg3: memref<320000xi32, #tpu.memory_space<hbm>>, %arg4: memref<2x80x128xf32, #tpu.memory_space<hbm>>, %arg5: memref<320000xi32, #tpu.memory_space<hbm>>, %arg6: memref<10000xi32, #tpu.memory_space<vmem>>, %arg7: memref<10000xi32, #tpu.memory_space<vmem>>, %arg8: memref<10000xi32, #tpu.memory_space<vmem>>, %arg9: memref<80x128xf32, #tpu.memory_space<vmem>>, %arg10: memref<8x128xf32, #tpu.memory_space<vmem>>, %arg11: memref<80xi32, #tpu.memory_space<vmem>>, %arg12: memref<80x128xf32, #tpu.memory_space<vmem_shared>>) attributes {dimension_semantics = [#tpu.dimension_semantics<core_parallel>, #tpu.dimension_semantics<subcore_parallel>], iteration_bounds = array<i64: 2, 16>, scalar_prefetch = 0 : i64, scratch_operands = 7 : i64, tpu.core_type = #tpu.core_type<sc_vector_subcore>, window_params = [{transform_indices = #map}, {transform_indices = #map}, {transform_indices = #map1}, {transform_indices = #map}]} {
    %mul3A = arith.constant 16 : i32
    %mul3A_0 = arith.muli %arg0, %mul3A : i32
    %add3A = arith.addi %mul3A_0, %arg1 : i32
    %mul3A_1 = arith.constant 10000 : i32
    %mul3A_2 = arith.muli %add3A, %mul3A_1 : i32
    "tpu.region"() ({
      %run_scoped3A = tpu.sem_alloc : memref<!tpu.dma_semaphore, #tpu.memory_space<semaphore_mem>>
      %dma_start3A = tpu.memref_slice %arg2[%mul3A_2] : memref<320000xi32, #tpu.memory_space<hbm>> -> memref<10000xi32, #tpu.memory_space<hbm>>
      %dma_start3A_311 = tpu.memref_slice %arg2[%mul3A_2] : memref<320000xi32, #tpu.memory_space<hbm>> -> memref<10000xi32, #tpu.memory_space<hbm>>
      tpu.enqueue_dma source(%dma_start3A_311 : memref<10000xi32, #tpu.memory_space<hbm>>) target(%arg6 : memref<10000xi32, #tpu.memory_space<vmem>>) target_semaphore(%run_scoped3A : memref<!tpu.dma_semaphore, #tpu.memory_space<semaphore_mem>>)
      %dma_wait3A = tpu.memref_slice %arg2[%mul3A_2] : memref<320000xi32, #tpu.memory_space<hbm>> -> memref<10000xi32, #tpu.memory_space<hbm>>
      %dma_wait3A_312 = tpu.memref_slice %arg2[%mul3A_2] : memref<320000xi32, #tpu.memory_space<hbm>> -> memref<10000xi32, #tpu.memory_space<hbm>>
      tpu.wait_dma2 semaphore(%run_scoped3A : memref<!tpu.dma_semaphore, #tpu.memory_space<semaphore_mem>>) src(%dma_wait3A_312 : memref<10000xi32, #tpu.memory_space<hbm>>) dst(%arg6 : memref<10000xi32, #tpu.memory_space<vmem>>)
      tpu.yield
    }) : () -> ()
    "tpu.region"() ({
      %run_scoped3A = tpu.sem_alloc : memref<!tpu.dma_semaphore, #tpu.memory_space<semaphore_mem>>
      %dma_start3A = tpu.memref_slice %arg3[%mul3A_2] : memref<320000xi32, #tpu.memory_space<hbm>> -> memref<10000xi32, #tpu.memory_space<hbm>>
      %dma_start3A_311 = tpu.memref_slice %arg3[%mul3A_2] : memref<320000xi32, #tpu.memory_space<hbm>> -> memref<10000xi32, #tpu.memory_space<hbm>>
      tpu.enqueue_dma source(%dma_start3A_311 : memref<10000xi32, #tpu.memory_space<hbm>>) target(%arg7 : memref<10000xi32, #tpu.memory_space<vmem>>) target_semaphore(%run_scoped3A : memref<!tpu.dma_semaphore, #tpu.memory_space<semaphore_mem>>)
      %dma_wait3A = tpu.memref_slice %arg3[%mul3A_2] : memref<320000xi32, #tpu.memory_space<hbm>> -> memref<10000xi32, #tpu.memory_space<hbm>>
      %dma_wait3A_312 = tpu.memref_slice %arg3[%mul3A_2] : memref<320000xi32, #tpu.memory_space<hbm>> -> memref<10000xi32, #tpu.memory_space<hbm>>
      tpu.wait_dma2 semaphore(%run_scoped3A : memref<!tpu.dma_semaphore, #tpu.memory_space<semaphore_mem>>) src(%dma_wait3A_312 : memref<10000xi32, #tpu.memory_space<hbm>>) dst(%arg7 : memref<10000xi32, #tpu.memory_space<vmem>>)
      tpu.yield
    }) : () -> ()
    %iota3A = tpu.iota {dimensions = array<i32: 0>} : vector<16xi32>
    %mul3A_3 = arith.constant 0 : i32
    %mul3A_4 = vector.broadcast %mul3A_3 : i32 to vector<16xi32>
    %mul3A_5 = arith.muli %iota3A, %mul3A_4 : vector<16xi32>
    %convert_element_type3A = arith.sitofp %mul3A_5 : vector<16xi32> to vector<16xf32>
    %swap3A = arith.constant 0 : i32
    %swap3A_6 = arith.index_cast %swap3A : i32 to index
    %swap3A_7 = arith.constant 0 : index
    %swap3A_8 = tpu.vector_load %arg10[%swap3A_6, %swap3A_7] {strides = array<i32>} : memref<8x128xf32, #tpu.memory_space<vmem>>, vector<16xf32>,
    tpu.vector_store %arg10[%swap3A_6, %swap3A_7], %convert_element_type3A {strides = array<i32>} : memref<8x128xf32, #tpu.memory_space<vmem>>, vector<16xf32>,
    %swap3A_9 = arith.constant 0 : i32
    %swap3A_10 = arith.index_cast %swap3A_9 : i32 to index
    %swap3A_11 = arith.constant 16 : index
    %swap3A_12 = tpu.vector_load %arg10[%swap3A_10, %swap3A_11] {strides = array<i32>} : memref<8x128xf32, #tpu.memory_space<vmem>>, vector<16xf32>,
    tpu.vector_store %arg10[%swap3A_10, %swap3A_11], %convert_element_type3A {strides = array<i32>} : memref<8x128xf32, #tpu.memory_space<vmem>>, vector<16xf32>,
    %swap3A_13 = arith.constant 0 : i32
    %swap3A_14 = arith.index_cast %swap3A_13 : i32 to index
    %swap3A_15 = arith.constant 32 : index
    %swap3A_16 = tpu.vector_load %arg10[%swap3A_14, %swap3A_15] {strides = array<i32>} : memref<8x128xf32, #tpu.memory_space<vmem>>, vector<16xf32>,
    tpu.vector_store %arg10[%swap3A_14, %swap3A_15], %convert_element_type3A {strides = array<i32>} : memref<8x128xf32, #tpu.memory_space<vmem>>, vector<16xf32>,
    %swap3A_17 = arith.constant 0 : i32
    %swap3A_18 = arith.index_cast %swap3A_17 : i32 to index
    %swap3A_19 = arith.constant 48 : index
    %swap3A_20 = tpu.vector_load %arg10[%swap3A_18, %swap3A_19] {strides = array<i32>} : memref<8x128xf32, #tpu.memory_space<vmem>>, vector<16xf32>,
    tpu.vector_store %arg10[%swap3A_18, %swap3A_19], %convert_element_type3A {strides = array<i32>} : memref<8x128xf32, #tpu.memory_space<vmem>>, vector<16xf32>,
    %swap3A_21 = arith.constant 0 : i32
    %swap3A_22 = arith.index_cast %swap3A_21 : i32 to index
    %swap3A_23 = arith.constant 64 : index
    %swap3A_24 = tpu.vector_load %arg10[%swap3A_22, %swap3A_23] {strides = array<i32>} : memref<8x128xf32, #tpu.memory_space<vmem>>, vector<16xf32>,
    tpu.vector_store %arg10[%swap3A_22, %swap3A_23], %convert_element_type3A {strides = array<i32>} : memref<8x128xf32, #tpu.memory_space<vmem>>, vector<16xf32>,
    %swap3A_25 = arith.constant 0 : i32
    %swap3A_26 = arith.index_cast %swap3A_25 : i32 to index
    %swap3A_27 = arith.constant 80 : index
    %swap3A_28 = tpu.vector_load %arg10[%swap3A_26, %swap3A_27] {strides = array<i32>} : memref<8x128xf32, #tpu.memory_space<vmem>>, vector<16xf32>,
    tpu.vector_store %arg10[%swap3A_26, %swap3A_27], %convert_element_type3A {strides = array<i32>} : memref<8x128xf32, #tpu.memory_space<vmem>>, vector<16xf32>,
    %swap3A_29 = arith.constant 0 : i32
    %swap3A_30 = arith.index_cast %swap3A_29 : i32 to index
    %swap3A_31 = arith.constant 96 : index
    %swap3A_32 = tpu.vector_load %arg10[%swap3A_30, %swap3A_31] {strides = array<i32>} : memref<8x128xf32, #tpu.memory_space<vmem>>, vector<16xf32>,
    tpu.vector_store %arg10[%swap3A_30, %swap3A_31], %convert_element_type3A {strides = array<i32>} : memref<8x128xf32, #tpu.memory_space<vmem>>, vector<16xf32>,
    %swap3A_33 = arith.constant 0 : i32
    %swap3A_34 = arith.index_cast %swap3A_33 : i32 to index
    %swap3A_35 = arith.constant 112 : index
    %swap3A_36 = tpu.vector_load %arg10[%swap3A_34, %swap3A_35] {strides = array<i32>} : memref<8x128xf32, #tpu.memory_space<vmem>>, vector<16xf32>,
    tpu.vector_store %arg10[%swap3A_34, %swap3A_35], %convert_element_type3A {strides = array<i32>} : memref<8x128xf32, #tpu.memory_space<vmem>>, vector<16xf32>,
    %swap3A_37 = arith.constant 1 : i32
    %swap3A_38 = arith.index_cast %swap3A_37 : i32 to index
    %swap3A_39 = arith.constant 0 : index
    %swap3A_40 = tpu.vector_load %arg10[%swap3A_38, %swap3A_39] {strides = array<i32>} : memref<8x128xf32, #tpu.memory_space<vmem>>, vector<16xf32>,
    tpu.vector_store %arg10[%swap3A_38, %swap3A_39], %convert_element_type3A {strides = array<i32>} : memref<8x128xf32, #tpu.memory_space<vmem>>, vector<16xf32>,
    %swap3A_41 = arith.constant 1 : i32
    %swap3A_42 = arith.index_cast %swap3A_41 : i32 to index
    %swap3A_43 = arith.constant 16 : index
    %swap3A_44 = tpu.vector_load %arg10[%swap3A_42, %swap3A_43] {strides = array<i32>} : memref<8x128xf32, #tpu.memory_space<vmem>>, vector<16xf32>,
    tpu.vector_store %arg10[%swap3A_42, %swap3A_43], %convert_element_type3A {strides = array<i32>} : memref<8x128xf32, #tpu.memory_space<vmem>>, vector<16xf32>,
    %swap3A_45 = arith.constant 1 : i32
    %swap3A_46 = arith.index_cast %swap3A_45 : i32 to index
    %swap3A_47 = arith.constant 32 : index
    %swap3A_48 = tpu.vector_load %arg10[%swap3A_46, %swap3A_47] {strides = array<i32>} : memref<8x128xf32, #tpu.memory_space<vmem>>, vector<16xf32>,
    tpu.vector_store %arg10[%swap3A_46, %swap3A_47], %convert_element_type3A {strides = array<i32>} : memref<8x128xf32, #tpu.memory_space<vmem>>, vector<16xf32>,
    %swap3A_49 = arith.constant 1 : i32
    %swap3A_50 = arith.index_cast %swap3A_49 : i32 to index
    %swap3A_51 = arith.constant 48 : index
    %swap3A_52 = tpu.vector_load %arg10[%swap3A_50, %swap3A_51] {strides = array<i32>} : memref<8x128xf32, #tpu.memory_space<vmem>>, vector<16xf32>,
    tpu.vector_store %arg10[%swap3A_50, %swap3A_51], %convert_element_type3A {strides = array<i32>} : memref<8x128xf32, #tpu.memory_space<vmem>>, vector<16xf32>,
    %swap3A_53 = arith.constant 1 : i32
    %swap3A_54 = arith.index_cast %swap3A_53 : i32 to index
    %swap3A_55 = arith.constant 64 : index
    %swap3A_56 = tpu.vector_load %arg10[%swap3A_54, %swap3A_55] {strides = array<i32>} : memref<8x128xf32, #tpu.memory_space<vmem>>, vector<16xf32>,
    tpu.vector_store %arg10[%swap3A_54, %swap3A_55], %convert_element_type3A {strides = array<i32>} : memref<8x128xf32, #tpu.memory_space<vmem>>, vector<16xf32>,
    %swap3A_57 = arith.constant 1 : i32
    %swap3A_58 = arith.index_cast %swap3A_57 : i32 to index
    %swap3A_59 = arith.constant 80 : index
    %swap3A_60 = tpu.vector_load %arg10[%swap3A_58, %swap3A_59] {strides = array<i32>} : memref<8x128xf32, #tpu.memory_space<vmem>>, vector<16xf32>,
    tpu.vector_store %arg10[%swap3A_58, %swap3A_59], %convert_element_type3A {strides = array<i32>} : memref<8x128xf32, #tpu.memory_space<vmem>>, vector<16xf32>,
    %swap3A_61 = arith.constant 1 : i32
    %swap3A_62 = arith.index_cast %swap3A_61 : i32 to index
    %swap3A_63 = arith.constant 96 : index
    %swap3A_64 = tpu.vector_load %arg10[%swap3A_62, %swap3A_63] {strides = array<i32>} : memref<8x128xf32, #tpu.memory_space<vmem>>, vector<16xf32>,
    tpu.vector_store %arg10[%swap3A_62, %swap3A_63], %convert_element_type3A {strides = array<i32>} : memref<8x128xf32, #tpu.memory_space<vmem>>, vector<16xf32>,
    %swap3A_65 = arith.constant 1 : i32
    %swap3A_66 = arith.index_cast %swap3A_65 : i32 to index
    %swap3A_67 = arith.constant 112 : index
    %swap3A_68 = tpu.vector_load %arg10[%swap3A_66, %swap3A_67] {strides = array<i32>} : memref<8x128xf32, #tpu.memory_space<vmem>>, vector<16xf32>,
    tpu.vector_store %arg10[%swap3A_66, %swap3A_67], %convert_element_type3A {strides = array<i32>} : memref<8x128xf32, #tpu.memory_space<vmem>>, vector<16xf32>,
    %swap3A_69 = arith.constant 2 : i32
    %swap3A_70 = arith.index_cast %swap3A_69 : i32 to index
    %swap3A_71 = arith.constant 0 : index
    %swap3A_72 = tpu.vector_load %arg10[%swap3A_70, %swap3A_71] {strides = array<i32>} : memref<8x128xf32, #tpu.memory_space<vmem>>, vector<16xf32>,
    tpu.vector_store %arg10[%swap3A_70, %swap3A_71], %convert_element_type3A {strides = array<i32>} : memref<8x128xf32, #tpu.memory_space<vmem>>, vector<16xf32>,
    %swap3A_73 = arith.constant 2 : i32
    %swap3A_74 = arith.index_cast %swap3A_73 : i32 to index
    %swap3A_75 = arith.constant 16 : index
    %swap3A_76 = tpu.vector_load %arg10[%swap3A_74, %swap3A_75] {strides = array<i32>} : memref<8x128xf32, #tpu.memory_space<vmem>>, vector<16xf32>,
    tpu.vector_store %arg10[%swap3A_74, %swap3A_75], %convert_element_type3A {strides = array<i32>} : memref<8x128xf32, #tpu.memory_space<vmem>>, vector<16xf32>,
    %swap3A_77 = arith.constant 2 : i32
    %swap3A_78 = arith.index_cast %swap3A_77 : i32 to index
    %swap3A_79 = arith.constant 32 : index
    %swap3A_80 = tpu.vector_load %arg10[%swap3A_78, %swap3A_79] {strides = array<i32>} : memref<8x128xf32, #tpu.memory_space<vmem>>, vector<16xf32>,
    tpu.vector_store %arg10[%swap3A_78, %swap3A_79], %convert_element_type3A {strides = array<i32>} : memref<8x128xf32, #tpu.memory_space<vmem>>, vector<16xf32>,
    %swap3A_81 = arith.constant 2 : i32
    %swap3A_82 = arith.index_cast %swap3A_81 : i32 to index
    %swap3A_83 = arith.constant 48 : index
    %swap3A_84 = tpu.vector_load %arg10[%swap3A_82, %swap3A_83] {strides = array<i32>} : memref<8x128xf32, #tpu.memory_space<vmem>>, vector<16xf32>,
    tpu.vector_store %arg10[%swap3A_82, %swap3A_83], %convert_element_type3A {strides = array<i32>} : memref<8x128xf32, #tpu.memory_space<vmem>>, vector<16xf32>,
    %swap3A_85 = arith.constant 2 : i32
    %swap3A_86 = arith.index_cast %swap3A_85 : i32 to index
    %swap3A_87 = arith.constant 64 : index
    %swap3A_88 = tpu.vector_load %arg10[%swap3A_86, %swap3A_87] {strides = array<i32>} : memref<8x128xf32, #tpu.memory_space<vmem>>, vector<16xf32>,
    tpu.vector_store %arg10[%swap3A_86, %swap3A_87], %convert_element_type3A {strides = array<i32>} : memref<8x128xf32, #tpu.memory_space<vmem>>, vector<16xf32>,
    %swap3A_89 = arith.constant 2 : i32
    %swap3A_90 = arith.index_cast %swap3A_89 : i32 to index
    %swap3A_91 = arith.constant 80 : index
    %swap3A_92 = tpu.vector_load %arg10[%swap3A_90, %swap3A_91] {strides = array<i32>} : memref<8x128xf32, #tpu.memory_space<vmem>>, vector<16xf32>,
    tpu.vector_store %arg10[%swap3A_90, %swap3A_91], %convert_element_type3A {strides = array<i32>} : memref<8x128xf32, #tpu.memory_space<vmem>>, vector<16xf32>,
    %swap3A_93 = arith.constant 2 : i32
    %swap3A_94 = arith.index_cast %swap3A_93 : i32 to index
    %swap3A_95 = arith.constant 96 : index
    %swap3A_96 = tpu.vector_load %arg10[%swap3A_94, %swap3A_95] {strides = array<i32>} : memref<8x128xf32, #tpu.memory_space<vmem>>, vector<16xf32>,
    tpu.vector_store %arg10[%swap3A_94, %swap3A_95], %convert_element_type3A {strides = array<i32>} : memref<8x128xf32, #tpu.memory_space<vmem>>, vector<16xf32>,
    %swap3A_97 = arith.constant 2 : i32
    %swap3A_98 = arith.index_cast %swap3A_97 : i32 to index
    %swap3A_99 = arith.constant 112 : index
    %swap3A_100 = tpu.vector_load %arg10[%swap3A_98, %swap3A_99] {strides = array<i32>} : memref<8x128xf32, #tpu.memory_space<vmem>>, vector<16xf32>,
    tpu.vector_store %arg10[%swap3A_98, %swap3A_99], %convert_element_type3A {strides = array<i32>} : memref<8x128xf32, #tpu.memory_space<vmem>>, vector<16xf32>,
    %swap3A_101 = arith.constant 3 : i32
    %swap3A_102 = arith.index_cast %swap3A_101 : i32 to index
    %swap3A_103 = arith.constant 0 : index
    %swap3A_104 = tpu.vector_load %arg10[%swap3A_102, %swap3A_103] {strides = array<i32>} : memref<8x128xf32, #tpu.memory_space<vmem>>, vector<16xf32>,
    tpu.vector_store %arg10[%swap3A_102, %swap3A_103], %convert_element_type3A {strides = array<i32>} : memref<8x128xf32, #tpu.memory_space<vmem>>, vector<16xf32>,
    %swap3A_105 = arith.constant 3 : i32
    %swap3A_106 = arith.index_cast %swap3A_105 : i32 to index
    %swap3A_107 = arith.constant 16 : index
    %swap3A_108 = tpu.vector_load %arg10[%swap3A_106, %swap3A_107] {strides = array<i32>} : memref<8x128xf32, #tpu.memory_space<vmem>>, vector<16xf32>,
    tpu.vector_store %arg10[%swap3A_106, %swap3A_107], %convert_element_type3A {strides = array<i32>} : memref<8x128xf32, #tpu.memory_space<vmem>>, vector<16xf32>,
    %swap3A_109 = arith.constant 3 : i32
    %swap3A_110 = arith.index_cast %swap3A_109 : i32 to index
    %swap3A_111 = arith.constant 32 : index
    %swap3A_112 = tpu.vector_load %arg10[%swap3A_110, %swap3A_111] {strides = array<i32>} : memref<8x128xf32, #tpu.memory_space<vmem>>, vector<16xf32>,
    tpu.vector_store %arg10[%swap3A_110, %swap3A_111], %convert_element_type3A {strides = array<i32>} : memref<8x128xf32, #tpu.memory_space<vmem>>, vector<16xf32>,
    %swap3A_113 = arith.constant 3 : i32
    %swap3A_114 = arith.index_cast %swap3A_113 : i32 to index
    %swap3A_115 = arith.constant 48 : index
    %swap3A_116 = tpu.vector_load %arg10[%swap3A_114, %swap3A_115] {strides = array<i32>} : memref<8x128xf32, #tpu.memory_space<vmem>>, vector<16xf32>,
    tpu.vector_store %arg10[%swap3A_114, %swap3A_115], %convert_element_type3A {strides = array<i32>} : memref<8x128xf32, #tpu.memory_space<vmem>>, vector<16xf32>,
    %swap3A_117 = arith.constant 3 : i32
    %swap3A_118 = arith.index_cast %swap3A_117 : i32 to index
    %swap3A_119 = arith.constant 64 : index
    %swap3A_120 = tpu.vector_load %arg10[%swap3A_118, %swap3A_119] {strides = array<i32>} : memref<8x128xf32, #tpu.memory_space<vmem>>, vector<16xf32>,
    tpu.vector_store %arg10[%swap3A_118, %swap3A_119], %convert_element_type3A {strides = array<i32>} : memref<8x128xf32, #tpu.memory_space<vmem>>, vector<16xf32>,
    %swap3A_121 = arith.constant 3 : i32
    %swap3A_122 = arith.index_cast %swap3A_121 : i32 to index
    %swap3A_123 = arith.constant 80 : index
    %swap3A_124 = tpu.vector_load %arg10[%swap3A_122, %swap3A_123] {strides = array<i32>} : memref<8x128xf32, #tpu.memory_space<vmem>>, vector<16xf32>,
    tpu.vector_store %arg10[%swap3A_122, %swap3A_123], %convert_element_type3A {strides = array<i32>} : memref<8x128xf32, #tpu.memory_space<vmem>>, vector<16xf32>,
    %swap3A_125 = arith.constant 3 : i32
    %swap3A_126 = arith.index_cast %swap3A_125 : i32 to index
    %swap3A_127 = arith.constant 96 : index
    %swap3A_128 = tpu.vector_load %arg10[%swap3A_126, %swap3A_127] {strides = array<i32>} : memref<8x128xf32, #tpu.memory_space<vmem>>, vector<16xf32>,
    tpu.vector_store %arg10[%swap3A_126, %swap3A_127], %convert_element_type3A {strides = array<i32>} : memref<8x128xf32, #tpu.memory_space<vmem>>, vector<16xf32>,
    %swap3A_129 = arith.constant 3 : i32
    %swap3A_130 = arith.index_cast %swap3A_129 : i32 to index
    %swap3A_131 = arith.constant 112 : index
    %swap3A_132 = tpu.vector_load %arg10[%swap3A_130, %swap3A_131] {strides = array<i32>} : memref<8x128xf32, #tpu.memory_space<vmem>>, vector<16xf32>,
    tpu.vector_store %arg10[%swap3A_130, %swap3A_131], %convert_element_type3A {strides = array<i32>} : memref<8x128xf32, #tpu.memory_space<vmem>>, vector<16xf32>,
    %swap3A_133 = arith.constant 4 : i32
    %swap3A_134 = arith.index_cast %swap3A_133 : i32 to index
    %swap3A_135 = arith.constant 0 : index
    %swap3A_136 = tpu.vector_load %arg10[%swap3A_134, %swap3A_135] {strides = array<i32>} : memref<8x128xf32, #tpu.memory_space<vmem>>, vector<16xf32>,
    tpu.vector_store %arg10[%swap3A_134, %swap3A_135], %convert_element_type3A {strides = array<i32>} : memref<8x128xf32, #tpu.memory_space<vmem>>, vector<16xf32>,
    %swap3A_137 = arith.constant 4 : i32
    %swap3A_138 = arith.index_cast %swap3A_137 : i32 to index
    %swap3A_139 = arith.constant 16 : index
    %swap3A_140 = tpu.vector_load %arg10[%swap3A_138, %swap3A_139] {strides = array<i32>} : memref<8x128xf32, #tpu.memory_space<vmem>>, vector<16xf32>,
    tpu.vector_store %arg10[%swap3A_138, %swap3A_139], %convert_element_type3A {strides = array<i32>} : memref<8x128xf32, #tpu.memory_space<vmem>>, vector<16xf32>,
    %swap3A_141 = arith.constant 4 : i32
    %swap3A_142 = arith.index_cast %swap3A_141 : i32 to index
    %swap3A_143 = arith.constant 32 : index
    %swap3A_144 = tpu.vector_load %arg10[%swap3A_142, %swap3A_143] {strides = array<i32>} : memref<8x128xf32, #tpu.memory_space<vmem>>, vector<16xf32>,
    tpu.vector_store %arg10[%swap3A_142, %swap3A_143], %convert_element_type3A {strides = array<i32>} : memref<8x128xf32, #tpu.memory_space<vmem>>, vector<16xf32>,
    %swap3A_145 = arith.constant 4 : i32
    %swap3A_146 = arith.index_cast %swap3A_145 : i32 to index
    %swap3A_147 = arith.constant 48 : index
    %swap3A_148 = tpu.vector_load %arg10[%swap3A_146, %swap3A_147] {strides = array<i32>} : memref<8x128xf32, #tpu.memory_space<vmem>>, vector<16xf32>,
    tpu.vector_store %arg10[%swap3A_146, %swap3A_147], %convert_element_type3A {strides = array<i32>} : memref<8x128xf32, #tpu.memory_space<vmem>>, vector<16xf32>,
    %swap3A_149 = arith.constant 4 : i32
    %swap3A_150 = arith.index_cast %swap3A_149 : i32 to index
    %swap3A_151 = arith.constant 64 : index
    %swap3A_152 = tpu.vector_load %arg10[%swap3A_150, %swap3A_151] {strides = array<i32>} : memref<8x128xf32, #tpu.memory_space<vmem>>, vector<16xf32>,
    tpu.vector_store %arg10[%swap3A_150, %swap3A_151], %convert_element_type3A {strides = array<i32>} : memref<8x128xf32, #tpu.memory_space<vmem>>, vector<16xf32>,
    %swap3A_153 = arith.constant 4 : i32
    %swap3A_154 = arith.index_cast %swap3A_153 : i32 to index
    %swap3A_155 = arith.constant 80 : index
    %swap3A_156 = tpu.vector_load %arg10[%swap3A_154, %swap3A_155] {strides = array<i32>} : memref<8x128xf32, #tpu.memory_space<vmem>>, vector<16xf32>,
    tpu.vector_store %arg10[%swap3A_154, %swap3A_155], %convert_element_type3A {strides = array<i32>} : memref<8x128xf32, #tpu.memory_space<vmem>>, vector<16xf32>,
    %swap3A_157 = arith.constant 4 : i32
    %swap3A_158 = arith.index_cast %swap3A_157 : i32 to index
    %swap3A_159 = arith.constant 96 : index
    %swap3A_160 = tpu.vector_load %arg10[%swap3A_158, %swap3A_159] {strides = array<i32>} : memref<8x128xf32, #tpu.memory_space<vmem>>, vector<16xf32>,
    tpu.vector_store %arg10[%swap3A_158, %swap3A_159], %convert_element_type3A {strides = array<i32>} : memref<8x128xf32, #tpu.memory_space<vmem>>, vector<16xf32>,
    %swap3A_161 = arith.constant 4 : i32
    %swap3A_162 = arith.index_cast %swap3A_161 : i32 to index
    %swap3A_163 = arith.constant 112 : index
    %swap3A_164 = tpu.vector_load %arg10[%swap3A_162, %swap3A_163] {strides = array<i32>} : memref<8x128xf32, #tpu.memory_space<vmem>>, vector<16xf32>,
    tpu.vector_store %arg10[%swap3A_162, %swap3A_163], %convert_element_type3A {strides = array<i32>} : memref<8x128xf32, #tpu.memory_space<vmem>>, vector<16xf32>,
    %swap3A_165 = arith.constant 5 : i32
    %swap3A_166 = arith.index_cast %swap3A_165 : i32 to index
    %swap3A_167 = arith.constant 0 : index
    %swap3A_168 = tpu.vector_load %arg10[%swap3A_166, %swap3A_167] {strides = array<i32>} : memref<8x128xf32, #tpu.memory_space<vmem>>, vector<16xf32>,
    tpu.vector_store %arg10[%swap3A_166, %swap3A_167], %convert_element_type3A {strides = array<i32>} : memref<8x128xf32, #tpu.memory_space<vmem>>, vector<16xf32>,
    %swap3A_169 = arith.constant 5 : i32
    %swap3A_170 = arith.index_cast %swap3A_169 : i32 to index
    %swap3A_171 = arith.constant 16 : index
    %swap3A_172 = tpu.vector_load %arg10[%swap3A_170, %swap3A_171] {strides = array<i32>} : memref<8x128xf32, #tpu.memory_space<vmem>>, vector<16xf32>,
    tpu.vector_store %arg10[%swap3A_170, %swap3A_171], %convert_element_type3A {strides = array<i32>} : memref<8x128xf32, #tpu.memory_space<vmem>>, vector<16xf32>,
    %swap3A_173 = arith.constant 5 : i32
    %swap3A_174 = arith.index_cast %swap3A_173 : i32 to index
    %swap3A_175 = arith.constant 32 : index
    %swap3A_176 = tpu.vector_load %arg10[%swap3A_174, %swap3A_175] {strides = array<i32>} : memref<8x128xf32, #tpu.memory_space<vmem>>, vector<16xf32>,
    tpu.vector_store %arg10[%swap3A_174, %swap3A_175], %convert_element_type3A {strides = array<i32>} : memref<8x128xf32, #tpu.memory_space<vmem>>, vector<16xf32>,
    %swap3A_177 = arith.constant 5 : i32
    %swap3A_178 = arith.index_cast %swap3A_177 : i32 to index
    %swap3A_179 = arith.constant 48 : index
    %swap3A_180 = tpu.vector_load %arg10[%swap3A_178, %swap3A_179] {strides = array<i32>} : memref<8x128xf32, #tpu.memory_space<vmem>>, vector<16xf32>,
    tpu.vector_store %arg10[%swap3A_178, %swap3A_179], %convert_element_type3A {strides = array<i32>} : memref<8x128xf32, #tpu.memory_space<vmem>>, vector<16xf32>,
    %swap3A_181 = arith.constant 5 : i32
    %swap3A_182 = arith.index_cast %swap3A_181 : i32 to index
    %swap3A_183 = arith.constant 64 : index
    %swap3A_184 = tpu.vector_load %arg10[%swap3A_182, %swap3A_183] {strides = array<i32>} : memref<8x128xf32, #tpu.memory_space<vmem>>, vector<16xf32>,
    tpu.vector_store %arg10[%swap3A_182, %swap3A_183], %convert_element_type3A {strides = array<i32>} : memref<8x128xf32, #tpu.memory_space<vmem>>, vector<16xf32>,
    %swap3A_185 = arith.constant 5 : i32
    %swap3A_186 = arith.index_cast %swap3A_185 : i32 to index
    %swap3A_187 = arith.constant 80 : index
    %swap3A_188 = tpu.vector_load %arg10[%swap3A_186, %swap3A_187] {strides = array<i32>} : memref<8x128xf32, #tpu.memory_space<vmem>>, vector<16xf32>,
    tpu.vector_store %arg10[%swap3A_186, %swap3A_187], %convert_element_type3A {strides = array<i32>} : memref<8x128xf32, #tpu.memory_space<vmem>>, vector<16xf32>,
    %swap3A_189 = arith.constant 5 : i32
    %swap3A_190 = arith.index_cast %swap3A_189 : i32 to index
    %swap3A_191 = arith.constant 96 : index
    %swap3A_192 = tpu.vector_load %arg10[%swap3A_190, %swap3A_191] {strides = array<i32>} : memref<8x128xf32, #tpu.memory_space<vmem>>, vector<16xf32>,
    tpu.vector_store %arg10[%swap3A_190, %swap3A_191], %convert_element_type3A {strides = array<i32>} : memref<8x128xf32, #tpu.memory_space<vmem>>, vector<16xf32>,
    %swap3A_193 = arith.constant 5 : i32
    %swap3A_194 = arith.index_cast %swap3A_193 : i32 to index
    %swap3A_195 = arith.constant 112 : index
    %swap3A_196 = tpu.vector_load %arg10[%swap3A_194, %swap3A_195] {strides = array<i32>} : memref<8x128xf32, #tpu.memory_space<vmem>>, vector<16xf32>,
    tpu.vector_store %arg10[%swap3A_194, %swap3A_195], %convert_element_type3A {strides = array<i32>} : memref<8x128xf32, #tpu.memory_space<vmem>>, vector<16xf32>,
    %swap3A_197 = arith.constant 6 : i32
    %swap3A_198 = arith.index_cast %swap3A_197 : i32 to index
    %swap3A_199 = arith.constant 0 : index
    %swap3A_200 = tpu.vector_load %arg10[%swap3A_198, %swap3A_199] {strides = array<i32>} : memref<8x128xf32, #tpu.memory_space<vmem>>, vector<16xf32>,
    tpu.vector_store %arg10[%swap3A_198, %swap3A_199], %convert_element_type3A {strides = array<i32>} : memref<8x128xf32, #tpu.memory_space<vmem>>, vector<16xf32>,
    %swap3A_201 = arith.constant 6 : i32
    %swap3A_202 = arith.index_cast %swap3A_201 : i32 to index
    %swap3A_203 = arith.constant 16 : index
    %swap3A_204 = tpu.vector_load %arg10[%swap3A_202, %swap3A_203] {strides = array<i32>} : memref<8x128xf32, #tpu.memory_space<vmem>>, vector<16xf32>,
    tpu.vector_store %arg10[%swap3A_202, %swap3A_203], %convert_element_type3A {strides = array<i32>} : memref<8x128xf32, #tpu.memory_space<vmem>>, vector<16xf32>,
    %swap3A_205 = arith.constant 6 : i32
    %swap3A_206 = arith.index_cast %swap3A_205 : i32 to index
    %swap3A_207 = arith.constant 32 : index
    %swap3A_208 = tpu.vector_load %arg10[%swap3A_206, %swap3A_207] {strides = array<i32>} : memref<8x128xf32, #tpu.memory_space<vmem>>, vector<16xf32>,
    tpu.vector_store %arg10[%swap3A_206, %swap3A_207], %convert_element_type3A {strides = array<i32>} : memref<8x128xf32, #tpu.memory_space<vmem>>, vector<16xf32>,
    %swap3A_209 = arith.constant 6 : i32
    %swap3A_210 = arith.index_cast %swap3A_209 : i32 to index
    %swap3A_211 = arith.constant 48 : index
    %swap3A_212 = tpu.vector_load %arg10[%swap3A_210, %swap3A_211] {strides = array<i32>} : memref<8x128xf32, #tpu.memory_space<vmem>>, vector<16xf32>,
    tpu.vector_store %arg10[%swap3A_210, %swap3A_211], %convert_element_type3A {strides = array<i32>} : memref<8x128xf32, #tpu.memory_space<vmem>>, vector<16xf32>,
    %swap3A_213 = arith.constant 6 : i32
    %swap3A_214 = arith.index_cast %swap3A_213 : i32 to index
    %swap3A_215 = arith.constant 64 : index
    %swap3A_216 = tpu.vector_load %arg10[%swap3A_214, %swap3A_215] {strides = array<i32>} : memref<8x128xf32, #tpu.memory_space<vmem>>, vector<16xf32>,
    tpu.vector_store %arg10[%swap3A_214, %swap3A_215], %convert_element_type3A {strides = array<i32>} : memref<8x128xf32, #tpu.memory_space<vmem>>, vector<16xf32>,
    %swap3A_217 = arith.constant 6 : i32
    %swap3A_218 = arith.index_cast %swap3A_217 : i32 to index
    %swap3A_219 = arith.constant 80 : index
    %swap3A_220 = tpu.vector_load %arg10[%swap3A_218, %swap3A_219] {strides = array<i32>} : memref<8x128xf32, #tpu.memory_space<vmem>>, vector<16xf32>,
    tpu.vector_store %arg10[%swap3A_218, %swap3A_219], %convert_element_type3A {strides = array<i32>} : memref<8x128xf32, #tpu.memory_space<vmem>>, vector<16xf32>,
    %swap3A_221 = arith.constant 6 : i32
    %swap3A_222 = arith.index_cast %swap3A_221 : i32 to index
    %swap3A_223 = arith.constant 96 : index
    %swap3A_224 = tpu.vector_load %arg10[%swap3A_222, %swap3A_223] {strides = array<i32>} : memref<8x128xf32, #tpu.memory_space<vmem>>, vector<16xf32>,
    tpu.vector_store %arg10[%swap3A_222, %swap3A_223], %convert_element_type3A {strides = array<i32>} : memref<8x128xf32, #tpu.memory_space<vmem>>, vector<16xf32>,
    %swap3A_225 = arith.constant 6 : i32
    %swap3A_226 = arith.index_cast %swap3A_225 : i32 to index
    %swap3A_227 = arith.constant 112 : index
    %swap3A_228 = tpu.vector_load %arg10[%swap3A_226, %swap3A_227] {strides = array<i32>} : memref<8x128xf32, #tpu.memory_space<vmem>>, vector<16xf32>,
    tpu.vector_store %arg10[%swap3A_226, %swap3A_227], %convert_element_type3A {strides = array<i32>} : memref<8x128xf32, #tpu.memory_space<vmem>>, vector<16xf32>,
    %swap3A_229 = arith.constant 7 : i32
    %swap3A_230 = arith.index_cast %swap3A_229 : i32 to index
    %swap3A_231 = arith.constant 0 : index
    %swap3A_232 = tpu.vector_load %arg10[%swap3A_230, %swap3A_231] {strides = array<i32>} : memref<8x128xf32, #tpu.memory_space<vmem>>, vector<16xf32>,
    tpu.vector_store %arg10[%swap3A_230, %swap3A_231], %convert_element_type3A {strides = array<i32>} : memref<8x128xf32, #tpu.memory_space<vmem>>, vector<16xf32>,
    %swap3A_233 = arith.constant 7 : i32
    %swap3A_234 = arith.index_cast %swap3A_233 : i32 to index
    %swap3A_235 = arith.constant 16 : index
    %swap3A_236 = tpu.vector_load %arg10[%swap3A_234, %swap3A_235] {strides = array<i32>} : memref<8x128xf32, #tpu.memory_space<vmem>>, vector<16xf32>,
    tpu.vector_store %arg10[%swap3A_234, %swap3A_235], %convert_element_type3A {strides = array<i32>} : memref<8x128xf32, #tpu.memory_space<vmem>>, vector<16xf32>,
    %swap3A_237 = arith.constant 7 : i32
    %swap3A_238 = arith.index_cast %swap3A_237 : i32 to index
    %swap3A_239 = arith.constant 32 : index
    %swap3A_240 = tpu.vector_load %arg10[%swap3A_238, %swap3A_239] {strides = array<i32>} : memref<8x128xf32, #tpu.memory_space<vmem>>, vector<16xf32>,
    tpu.vector_store %arg10[%swap3A_238, %swap3A_239], %convert_element_type3A {strides = array<i32>} : memref<8x128xf32, #tpu.memory_space<vmem>>, vector<16xf32>,
    %swap3A_241 = arith.constant 7 : i32
    %swap3A_242 = arith.index_cast %swap3A_241 : i32 to index
    %swap3A_243 = arith.constant 48 : index
    %swap3A_244 = tpu.vector_load %arg10[%swap3A_242, %swap3A_243] {strides = array<i32>} : memref<8x128xf32, #tpu.memory_space<vmem>>, vector<16xf32>,
    tpu.vector_store %arg10[%swap3A_242, %swap3A_243], %convert_element_type3A {strides = array<i32>} : memref<8x128xf32, #tpu.memory_space<vmem>>, vector<16xf32>,
    %swap3A_245 = arith.constant 7 : i32
    %swap3A_246 = arith.index_cast %swap3A_245 : i32 to index
    %swap3A_247 = arith.constant 64 : index
    %swap3A_248 = tpu.vector_load %arg10[%swap3A_246, %swap3A_247] {strides = array<i32>} : memref<8x128xf32, #tpu.memory_space<vmem>>, vector<16xf32>,
    tpu.vector_store %arg10[%swap3A_246, %swap3A_247], %convert_element_type3A {strides = array<i32>} : memref<8x128xf32, #tpu.memory_space<vmem>>, vector<16xf32>,
    %swap3A_249 = arith.constant 7 : i32
    %swap3A_250 = arith.index_cast %swap3A_249 : i32 to index
    %swap3A_251 = arith.constant 80 : index
    %swap3A_252 = tpu.vector_load %arg10[%swap3A_250, %swap3A_251] {strides = array<i32>} : memref<8x128xf32, #tpu.memory_space<vmem>>, vector<16xf32>,
    tpu.vector_store %arg10[%swap3A_250, %swap3A_251], %convert_element_type3A {strides = array<i32>} : memref<8x128xf32, #tpu.memory_space<vmem>>, vector<16xf32>,
    %swap3A_253 = arith.constant 7 : i32
    %swap3A_254 = arith.index_cast %swap3A_253 : i32 to index
    %swap3A_255 = arith.constant 96 : index
    %swap3A_256 = tpu.vector_load %arg10[%swap3A_254, %swap3A_255] {strides = array<i32>} : memref<8x128xf32, #tpu.memory_space<vmem>>, vector<16xf32>,
    tpu.vector_store %arg10[%swap3A_254, %swap3A_255], %convert_element_type3A {strides = array<i32>} : memref<8x128xf32, #tpu.memory_space<vmem>>, vector<16xf32>,
    %swap3A_257 = arith.constant 7 : i32
    %swap3A_258 = arith.index_cast %swap3A_257 : i32 to index
    %swap3A_259 = arith.constant 112 : index
    %swap3A_260 = tpu.vector_load %arg10[%swap3A_258, %swap3A_259] {strides = array<i32>} : memref<8x128xf32, #tpu.memory_space<vmem>>, vector<16xf32>,
    tpu.vector_store %arg10[%swap3A_258, %swap3A_259], %convert_element_type3A {strides = array<i32>} : memref<8x128xf32, #tpu.memory_space<vmem>>, vector<16xf32>,
    %add3A_261 = arith.constant 0 : i32
    %add3A_262 = vector.broadcast %add3A_261 : i32 to vector<16xi32>
    %add3A_263 = arith.addi %iota3A, %add3A_262 : vector<16xi32>
    %swap3A_264 = arith.constant 0 : index
    %swap3A_265 = tpu.vector_load %arg11[%swap3A_264] {strides = array<i32>} : memref<80xi32, #tpu.memory_space<vmem>>, vector<16xi32>,
    tpu.vector_store %arg11[%swap3A_264], %add3A_263 {strides = array<i32>} : memref<80xi32, #tpu.memory_space<vmem>>, vector<16xi32>,
    %add3A_266 = arith.constant 16 : i32
    %add3A_267 = vector.broadcast %add3A_266 : i32 to vector<16xi32>
    %add3A_268 = arith.addi %iota3A, %add3A_267 : vector<16xi32>
    %swap3A_269 = arith.constant 16 : index
    %swap3A_270 = tpu.vector_load %arg11[%swap3A_269] {strides = array<i32>} : memref<80xi32, #tpu.memory_space<vmem>>, vector<16xi32>,
    tpu.vector_store %arg11[%swap3A_269], %add3A_268 {strides = array<i32>} : memref<80xi32, #tpu.memory_space<vmem>>, vector<16xi32>,
    %add3A_271 = arith.constant 32 : i32
    %add3A_272 = vector.broadcast %add3A_271 : i32 to vector<16xi32>
    %add3A_273 = arith.addi %iota3A, %add3A_272 : vector<16xi32>
    %swap3A_274 = arith.constant 32 : index
    %swap3A_275 = tpu.vector_load %arg11[%swap3A_274] {strides = array<i32>} : memref<80xi32, #tpu.memory_space<vmem>>, vector<16xi32>,
    tpu.vector_store %arg11[%swap3A_274], %add3A_273 {strides = array<i32>} : memref<80xi32, #tpu.memory_space<vmem>>, vector<16xi32>,
    %add3A_276 = arith.constant 48 : i32
    %add3A_277 = vector.broadcast %add3A_276 : i32 to vector<16xi32>
    %add3A_278 = arith.addi %iota3A, %add3A_277 : vector<16xi32>
    %swap3A_279 = arith.constant 48 : index
    %swap3A_280 = tpu.vector_load %arg11[%swap3A_279] {strides = array<i32>} : memref<80xi32, #tpu.memory_space<vmem>>, vector<16xi32>,
    tpu.vector_store %arg11[%swap3A_279], %add3A_278 {strides = array<i32>} : memref<80xi32, #tpu.memory_space<vmem>>, vector<16xi32>,
    %add3A_281 = arith.constant 64 : i32
    %add3A_282 = vector.broadcast %add3A_281 : i32 to vector<16xi32>
    %add3A_283 = arith.addi %iota3A, %add3A_282 : vector<16xi32>
    %swap3A_284 = arith.constant 64 : index
    %swap3A_285 = tpu.vector_load %arg11[%swap3A_284] {strides = array<i32>} : memref<80xi32, #tpu.memory_space<vmem>>, vector<16xi32>,
    tpu.vector_store %arg11[%swap3A_284], %add3A_283 {strides = array<i32>} : memref<80xi32, #tpu.memory_space<vmem>>, vector<16xi32>,
    %scan3A = arith.constant 0 : i32
    %scan3A_286 = arith.constant 0 : i32
    %scan3A_287 = arith.constant 80 : i32
    %scan3A_288 = arith.addi %scan3A_286, %scan3A_287 : i32
    %scan3A_289 = arith.constant 1 : i32
    %scan3A_290 = scf.for %scan3A_311 = %scan3A_286 to %scan3A_288 step %scan3A_289 iter_args(%scan3A_312 = %scan3A) -> (i32)  : i32 {
      %swap3A_313 = arith.index_cast %scan3A_311 : i32 to index
      %swap3A_314 = arith.constant 0 : index
      %swap3A_315 = tpu.vector_load %arg9[%swap3A_313, %swap3A_314] {strides = array<i32>} : memref<80x128xf32, #tpu.memory_space<vmem>>, vector<16xf32>,
      tpu.vector_store %arg9[%swap3A_313, %swap3A_314], %convert_element_type3A {strides = array<i32>} : memref<80x128xf32, #tpu.memory_space<vmem>>, vector<16xf32>,
      %swap3A_316 = arith.index_cast %scan3A_311 : i32 to index
      %swap3A_317 = arith.constant 16 : index
      %swap3A_318 = tpu.vector_load %arg9[%swap3A_316, %swap3A_317] {strides = array<i32>} : memref<80x128xf32, #tpu.memory_space<vmem>>, vector<16xf32>,
      tpu.vector_store %arg9[%swap3A_316, %swap3A_317], %convert_element_type3A {strides = array<i32>} : memref<80x128xf32, #tpu.memory_space<vmem>>, vector<16xf32>,
      %swap3A_319 = arith.index_cast %scan3A_311 : i32 to index
      %swap3A_320 = arith.constant 32 : index
      %swap3A_321 = tpu.vector_load %arg9[%swap3A_319, %swap3A_320] {strides = array<i32>} : memref<80x128xf32, #tpu.memory_space<vmem>>, vector<16xf32>,
      tpu.vector_store %arg9[%swap3A_319, %swap3A_320], %convert_element_type3A {strides = array<i32>} : memref<80x128xf32, #tpu.memory_space<vmem>>, vector<16xf32>,
      %swap3A_322 = arith.index_cast %scan3A_311 : i32 to index
      %swap3A_323 = arith.constant 48 : index
      %swap3A_324 = tpu.vector_load %arg9[%swap3A_322, %swap3A_323] {strides = array<i32>} : memref<80x128xf32, #tpu.memory_space<vmem>>, vector<16xf32>,
      tpu.vector_store %arg9[%swap3A_322, %swap3A_323], %convert_element_type3A {strides = array<i32>} : memref<80x128xf32, #tpu.memory_space<vmem>>, vector<16xf32>,
      %swap3A_325 = arith.index_cast %scan3A_311 : i32 to index
      %swap3A_326 = arith.constant 64 : index
      %swap3A_327 = tpu.vector_load %arg9[%swap3A_325, %swap3A_326] {strides = array<i32>} : memref<80x128xf32, #tpu.memory_space<vmem>>, vector<16xf32>,
      tpu.vector_store %arg9[%swap3A_325, %swap3A_326], %convert_element_type3A {strides = array<i32>} : memref<80x128xf32, #tpu.memory_space<vmem>>, vector<16xf32>,
      %swap3A_328 = arith.index_cast %scan3A_311 : i32 to index
      %swap3A_329 = arith.constant 80 : index
      %swap3A_330 = tpu.vector_load %arg9[%swap3A_328, %swap3A_329] {strides = array<i32>} : memref<80x128xf32, #tpu.memory_space<vmem>>, vector<16xf32>,
      tpu.vector_store %arg9[%swap3A_328, %swap3A_329], %convert_element_type3A {strides = array<i32>} : memref<80x128xf32, #tpu.memory_space<vmem>>, vector<16xf32>,
      %swap3A_331 = arith.index_cast %scan3A_311 : i32 to index
      %swap3A_332 = arith.constant 96 : index
      %swap3A_333 = tpu.vector_load %arg9[%swap3A_331, %swap3A_332] {strides = array<i32>} : memref<80x128xf32, #tpu.memory_space<vmem>>, vector<16xf32>,
      tpu.vector_store %arg9[%swap3A_331, %swap3A_332], %convert_element_type3A {strides = array<i32>} : memref<80x128xf32, #tpu.memory_space<vmem>>, vector<16xf32>,
      %swap3A_334 = arith.index_cast %scan3A_311 : i32 to index
      %swap3A_335 = arith.constant 112 : index
      %swap3A_336 = tpu.vector_load %arg9[%swap3A_334, %swap3A_335] {strides = array<i32>} : memref<80x128xf32, #tpu.memory_space<vmem>>, vector<16xf32>,
      tpu.vector_store %arg9[%swap3A_334, %swap3A_335], %convert_element_type3A {strides = array<i32>} : memref<80x128xf32, #tpu.memory_space<vmem>>, vector<16xf32>,
      %scan3A_337 = arith.constant 0 : i32
      scf.yield %scan3A_337 : i32
    }
    %scan3A_291 = arith.constant 80 : i32
    %lt3A = arith.constant 10 : i32
    %lt3A_292 = arith.cmpi slt, %arg1, %lt3A : i32
    %convert_element_type3A_293 = arith.extui %lt3A_292 : i1 to i32
    %cond3A = arith.constant 0 : i32
    %cond3A_294 = arith.cmpi ne, %convert_element_type3A_293, %cond3A : i32
    scf.if %cond3A_294 {
      %mul3A_311 = arith.constant 8 : i32
      %mul3A_312 = arith.muli %arg1, %mul3A_311 : i32
      "tpu.region"() ({
        %run_scoped3A = tpu.sem_alloc : memref<!tpu.dma_semaphore, #tpu.memory_space<semaphore_mem>>
        %dma_start3A = arith.constant 0 : i32
        %dma_start3A_313 = tpu.memref_slice %arg12[%mul3A_312, %dma_start3A] : memref<80x128xf32, #tpu.memory_space<vmem_shared>> -> memref<8x128xf32, #tpu.memory_space<vmem_shared>>
        %dma_start3A_314 = arith.constant 0 : i32
        %dma_start3A_315 = tpu.memref_slice %arg12[%mul3A_312, %dma_start3A_314] : memref<80x128xf32, #tpu.memory_space<vmem_shared>> -> memref<8x128xf32, #tpu.memory_space<vmem_shared>>
        tpu.enqueue_dma source(%arg10 : memref<8x128xf32, #tpu.memory_space<vmem>>) target(%dma_start3A_315 : memref<8x128xf32, #tpu.memory_space<vmem_shared>>) target_semaphore(%run_scoped3A : memref<!tpu.dma_semaphore, #tpu.memory_space<semaphore_mem>>)
        %dma_wait3A = arith.constant 0 : i32
        %dma_wait3A_316 = tpu.memref_slice %arg12[%mul3A_312, %dma_wait3A] : memref<80x128xf32, #tpu.memory_space<vmem_shared>> -> memref<8x128xf32, #tpu.memory_space<vmem_shared>>
        %dma_wait3A_317 = arith.constant 0 : i32
        %dma_wait3A_318 = tpu.memref_slice %arg12[%mul3A_312, %dma_wait3A_317] : memref<80x128xf32, #tpu.memory_space<vmem_shared>> -> memref<8x128xf32, #tpu.memory_space<vmem_shared>>
        tpu.wait_dma2 semaphore(%run_scoped3A : memref<!tpu.dma_semaphore, #tpu.memory_space<semaphore_mem>>) src(%arg10 : memref<8x128xf32, #tpu.memory_space<vmem>>) dst(%dma_wait3A_318 : memref<8x128xf32, #tpu.memory_space<vmem_shared>>)
        tpu.yield
      }) : () -> ()
    } else {
    }
    %barrier3A = arith.constant 0 : index
    tpu.barrier barrier_id(%barrier3A)
    %add3A_295 = arith.constant 10239 : i32
    %add3A_296 = vector.broadcast %add3A_295 : i32 to vector<16xi32>
    %add3A_297 = arith.addi %mul3A_5, %add3A_296 : vector<16xi32>
    %scan3A_298 = arith.constant 0 : i32
    %scan3A_299 = arith.constant 0 : i32
    %scan3A_300 = arith.constant 625 : i32
    %scan3A_301 = arith.addi %scan3A_299, %scan3A_300 : i32
    %scan3A_302 = arith.constant 1 : i32
    %scan3A_303 = scf.for %scan3A_311 = %scan3A_299 to %scan3A_301 step %scan3A_302 iter_args(%scan3A_312 = %scan3A_298) -> (i32)  : i32 {
      %mul3A_313 = arith.constant 16 : i32
      %mul3A_314 = arith.muli %scan3A_311, %mul3A_313 : i32
      %get3A = arith.index_cast %mul3A_314 : i32 to index
      %get3A_315 = tpu.vector_load %arg6[%get3A] {strides = array<i32>} : memref<10000xi32, #tpu.memory_space<vmem>>, vector<16xi32>,
      %mul3A_316 = arith.constant 16 : i32
      %mul3A_317 = arith.muli %scan3A_311, %mul3A_316 : i32
      %get3A_318 = arith.index_cast %mul3A_317 : i32 to index
      %get3A_319 = tpu.vector_load %arg7[%get3A_318] {strides = array<i32>} : memref<10000xi32, #tpu.memory_space<vmem>>, vector<16xi32>,
      %ne3A = arith.cmpi ne, %get3A_315, %get3A_319 : vector<16xi32>
      %shift_right_logical3A = arith.constant 7 : i32
      %shift_right_logical3A_320 = vector.broadcast %shift_right_logical3A : i32 to vector<16xi32>
      %shift_right_logical3A_321 = arith.shrui %get3A_315, %shift_right_logical3A_320 : vector<16xi32>
      %and3A = arith.constant 127 : i32
      %and3A_322 = vector.broadcast %and3A : i32 to vector<16xi32>
      %and3A_323 = arith.andi %get3A_315, %and3A_322 : vector<16xi32>
      %convert_element_type3A_324 = arith.extui %ne3A : vector<16xi1> to vector<16xi32>
      %convert_element_type3A_325 = arith.sitofp %convert_element_type3A_324 : vector<16xi32> to vector<16xf32>
      tpu.vector_store_idx %arg9[%shift_right_logical3A_321, %and3A_323], %convert_element_type3A_325 {add = true} : memref<80x128xf32, #tpu.memory_space<vmem>>[vector<16xi32>, vector<16xi32>], vector<16xf32>,
      %select_n3A = arith.select %ne3A, %get3A_319, %add3A_297 : vector<16xi1>, vector<16xi32>
      %mul3A_326 = arith.constant 16 : i32
      %mul3A_327 = arith.muli %scan3A_311, %mul3A_326 : i32
      %swap3A_328 = arith.index_cast %mul3A_327 : i32 to index
      %swap3A_329 = tpu.vector_load %arg8[%swap3A_328] {strides = array<i32>} : memref<10000xi32, #tpu.memory_space<vmem>>, vector<16xi32>,
      tpu.vector_store %arg8[%swap3A_328], %select_n3A {strides = array<i32>} : memref<10000xi32, #tpu.memory_space<vmem>>, vector<16xi32>,
      %scan3A_330 = arith.constant 0 : i32
      scf.yield %scan3A_330 : i32
    }
    %scan3A_304 = arith.constant 625 : i32
    "tpu.region"() ({
      %run_scoped3A = tpu.sem_alloc : memref<!tpu.dma_semaphore, #tpu.memory_space<semaphore_mem>>
      %dma_start3A = arith.constant 0 : i32
      %dma_start3A_311 = arith.constant 0 : i32
      %dma_start3A_312 = tpu.memref_slice %arg12[%dma_start3A, %dma_start3A_311] : memref<80x128xf32, #tpu.memory_space<vmem_shared>> -> memref<80x128xf32, #tpu.memory_space<vmem_shared>>
      tpu.enqueue_indirect_dma source(%arg9 : memref<80x128xf32, #tpu.memory_space<vmem>>) target(%dma_start3A_312 : memref<80x128xf32, #tpu.memory_space<vmem_shared>>) offsets(%arg11 : memref<80xi32, #tpu.memory_space<vmem>>) semaphore(%run_scoped3A : memref<!tpu.dma_semaphore, #tpu.memory_space<semaphore_mem>>) {add = true}
      %dma_wait3A = arith.constant 0 : i32
      %dma_wait3A_313 = arith.constant 0 : i32
      %dma_wait3A_314 = tpu.memref_slice %arg12[%dma_wait3A, %dma_wait3A_313] : memref<80x128xf32, #tpu.memory_space<vmem_shared>> -> memref<80x128xf32, #tpu.memory_space<vmem_shared>>
      tpu.wait_indirect_dma semaphore(%run_scoped3A : memref<!tpu.dma_semaphore, #tpu.memory_space<semaphore_mem>>) src(%arg9 : memref<80x128xf32, #tpu.memory_space<vmem>>) dst(%dma_wait3A_314 : memref<80x128xf32, #tpu.memory_space<vmem_shared>>)
      tpu.yield
    }) : () -> ()
    %barrier3A_305 = arith.constant 0 : index
    tpu.barrier barrier_id(%barrier3A_305)
    %lt3A_306 = arith.constant 10 : i32
    %lt3A_307 = arith.cmpi slt, %arg1, %lt3A_306 : i32
    %convert_element_type3A_308 = arith.extui %lt3A_307 : i1 to i32
    %cond3A_309 = arith.constant 0 : i32
    %cond3A_310 = arith.cmpi ne, %convert_element_type3A_308, %cond3A_309 : i32
    scf.if %cond3A_310 {
      %mul3A_311 = arith.constant 8 : i32
      %mul3A_312 = arith.muli %arg1, %mul3A_311 : i32
      "tpu.region"() ({
        %run_scoped3A = tpu.sem_alloc : memref<!tpu.dma_semaphore, #tpu.memory_space<semaphore_mem>>
        %dma_start3A = arith.constant 0 : i32
        %dma_start3A_315 = tpu.memref_slice %arg12[%mul3A_312, %dma_start3A] : memref<80x128xf32, #tpu.memory_space<vmem_shared>> -> memref<8x128xf32, #tpu.memory_space<vmem_shared>>
        %dma_start3A_316 = arith.constant 0 : i32
        %dma_start3A_317 = tpu.memref_slice %arg12[%mul3A_312, %dma_start3A_316] : memref<80x128xf32, #tpu.memory_space<vmem_shared>> -> memref<8x128xf32, #tpu.memory_space<vmem_shared>>
        tpu.enqueue_dma source(%dma_start3A_317 : memref<8x128xf32, #tpu.memory_space<vmem_shared>>) target(%arg10 : memref<8x128xf32, #tpu.memory_space<vmem>>) target_semaphore(%run_scoped3A : memref<!tpu.dma_semaphore, #tpu.memory_space<semaphore_mem>>)
        %dma_wait3A = arith.constant 0 : i32
        %dma_wait3A_318 = tpu.memref_slice %arg12[%mul3A_312, %dma_wait3A] : memref<80x128xf32, #tpu.memory_space<vmem_shared>> -> memref<8x128xf32, #tpu.memory_space<vmem_shared>>
        %dma_wait3A_319 = arith.constant 0 : i32
        %dma_wait3A_320 = tpu.memref_slice %arg12[%mul3A_312, %dma_wait3A_319] : memref<80x128xf32, #tpu.memory_space<vmem_shared>> -> memref<8x128xf32, #tpu.memory_space<vmem_shared>>
        tpu.wait_dma2 semaphore(%run_scoped3A : memref<!tpu.dma_semaphore, #tpu.memory_space<semaphore_mem>>) src(%dma_wait3A_320 : memref<8x128xf32, #tpu.memory_space<vmem_shared>>) dst(%arg10 : memref<8x128xf32, #tpu.memory_space<vmem>>)
        tpu.yield
      }) : () -> ()
      %mul3A_313 = arith.constant 8 : i32
      %mul3A_314 = arith.muli %arg1, %mul3A_313 : i32
      "tpu.region"() ({
        %run_scoped3A = tpu.sem_alloc : memref<!tpu.dma_semaphore, #tpu.memory_space<semaphore_mem>>
        %dma_start3A = arith.constant 0 : i32
        %dma_start3A_315 = tpu.memref_slice %arg4[%arg0, %mul3A_314, %dma_start3A] : memref<2x80x128xf32, #tpu.memory_space<hbm>> -> memref<1x8x128xf32, #tpu.memory_space<hbm>>
        %dma_start3A_316 = tpu.memref_squeeze %dma_start3A_315 : memref<1x8x128xf32, #tpu.memory_space<hbm>> -> memref<8x128xf32, #tpu.memory_space<hbm>>
        %dma_start3A_317 = arith.constant 0 : i32
        %dma_start3A_318 = tpu.memref_slice %arg4[%arg0, %mul3A_314, %dma_start3A_317] : memref<2x80x128xf32, #tpu.memory_space<hbm>> -> memref<1x8x128xf32, #tpu.memory_space<hbm>>
        %dma_start3A_319 = tpu.memref_squeeze %dma_start3A_318 : memref<1x8x128xf32, #tpu.memory_space<hbm>> -> memref<8x128xf32, #tpu.memory_space<hbm>>
        tpu.enqueue_dma source(%arg10 : memref<8x128xf32, #tpu.memory_space<vmem>>) target(%dma_start3A_319 : memref<8x128xf32, #tpu.memory_space<hbm>>) target_semaphore(%run_scoped3A : memref<!tpu.dma_semaphore, #tpu.memory_space<semaphore_mem>>)
        %dma_wait3A = arith.constant 0 : i32
        %dma_wait3A_320 = tpu.memref_slice %arg4[%arg0, %mul3A_314, %dma_wait3A] : memref<2x80x128xf32, #tpu.memory_space<hbm>> -> memref<1x8x128xf32, #tpu.memory_space<hbm>>
        %dma_wait3A_321 = tpu.memref_squeeze %dma_wait3A_320 : memref<1x8x128xf32, #tpu.memory_space<hbm>> -> memref<8x128xf32, #tpu.memory_space<hbm>>
        %dma_wait3A_322 = arith.constant 0 : i32
        %dma_wait3A_323 = tpu.memref_slice %arg4[%arg0, %mul3A_314, %dma_wait3A_322] : memref<2x80x128xf32, #tpu.memory_space<hbm>> -> memref<1x8x128xf32, #tpu.memory_space<hbm>>
        %dma_wait3A_324 = tpu.memref_squeeze %dma_wait3A_323 : memref<1x8x128xf32, #tpu.memory_space<hbm>> -> memref<8x128xf32, #tpu.memory_space<hbm>>
        tpu.wait_dma2 semaphore(%run_scoped3A : memref<!tpu.dma_semaphore, #tpu.memory_space<semaphore_mem>>) src(%arg10 : memref<8x128xf32, #tpu.memory_space<vmem>>) dst(%dma_wait3A_324 : memref<8x128xf32, #tpu.memory_space<hbm>>)
        tpu.yield
      }) : () -> ()
    } else {
    }
    "tpu.region"() ({
      %run_scoped3A = tpu.sem_alloc : memref<!tpu.dma_semaphore, #tpu.memory_space<semaphore_mem>>
      %dma_start3A = tpu.memref_slice %arg5[%mul3A_2] : memref<320000xi32, #tpu.memory_space<hbm>> -> memref<10000xi32, #tpu.memory_space<hbm>>
      %dma_start3A_311 = tpu.memref_slice %arg5[%mul3A_2] : memref<320000xi32, #tpu.memory_space<hbm>> -> memref<10000xi32, #tpu.memory_space<hbm>>
      tpu.enqueue_dma source(%arg8 : memref<10000xi32, #tpu.memory_space<vmem>>) target(%dma_start3A_311 : memref<10000xi32, #tpu.memory_space<hbm>>) target_semaphore(%run_scoped3A : memref<!tpu.dma_semaphore, #tpu.memory_space<semaphore_mem>>)
      %dma_wait3A = tpu.memref_slice %arg5[%mul3A_2] : memref<320000xi32, #tpu.memory_space<hbm>> -> memref<10000xi32, #tpu.memory_space<hbm>>
      %dma_wait3A_312 = tpu.memref_slice %arg5[%mul3A_2] : memref<320000xi32, #tpu.memory_space<hbm>> -> memref<10000xi32, #tpu.memory_space<hbm>>
      tpu.wait_dma2 semaphore(%run_scoped3A : memref<!tpu.dma_semaphore, #tpu.memory_space<semaphore_mem>>) src(%arg8 : memref<10000xi32, #tpu.memory_space<vmem>>) dst(%dma_wait3A_312 : memref<10000xi32, #tpu.memory_space<hbm>>)
      tpu.yield
    }) : () -> ()
    return
  }
}

#map = affine_map<(d0, d1) -> (0, 0)>
#map1 = affine_map<(d0, d1) -> (0)>
#map2 = affine_map<(d0, d1) -> (0, 0, 0)>
module attributes {stable_mosaic.version = 14 : i64} {
  func.func @_prop_body(%arg0: i32, %arg1: i32, %arg2: memref<10240x128xf32, #tpu.memory_space<hbm>>, %arg3: memref<320000xi32, #tpu.memory_space<hbm>>, %arg4: memref<320000xi32, #tpu.memory_space<hbm>>, %arg5: memref<2x10240x128xf32, #tpu.memory_space<hbm>>, %arg6: memref<80xi32, #tpu.memory_space<vmem>>, %arg7: memref<80xi32, #tpu.memory_space<vmem>>, %arg8: memref<80x128xf32, #tpu.memory_space<vmem>>, %arg9: memref<80x128xf32, #tpu.memory_space<vmem>>, %arg10: memref<10240x128xf32, #tpu.memory_space<vmem_shared>>, %arg11: memref<!tpu.dma_semaphore, #tpu.memory_space<semaphore_mem>>) attributes {dimension_semantics = [#tpu.dimension_semantics<core_parallel>, #tpu.dimension_semantics<subcore_parallel>], iteration_bounds = array<i64: 2, 16>, scalar_prefetch = 0 : i64, scratch_operands = 6 : i64, tpu.core_type = #tpu.core_type<sc_vector_subcore>, window_params = [{transform_indices = #map}, {transform_indices = #map1}, {transform_indices = #map1}, {transform_indices = #map2}]} {
    %mul3A = arith.constant 16 : i32
    %mul3A_0 = arith.muli %arg0, %mul3A : i32
    %add3A = arith.addi %mul3A_0, %arg1 : i32
    %iota3A = tpu.iota {dimensions = array<i32: 0>} : vector<16xi32>
    %mul3A_1 = arith.constant 0 : i32
    %mul3A_2 = vector.broadcast %mul3A_1 : i32 to vector<16xi32>
    %mul3A_3 = arith.muli %iota3A, %mul3A_2 : vector<16xi32>
    %convert_element_type3A = arith.sitofp %mul3A_3 : vector<16xi32> to vector<16xf32>
    %scan3A = arith.constant 0 : i32
    %scan3A_4 = arith.constant 0 : i32
    %scan3A_5 = arith.constant 80 : i32
    %scan3A_6 = arith.addi %scan3A_4, %scan3A_5 : i32
    %scan3A_7 = arith.constant 1 : i32
    %scan3A_8 = scf.for %scan3A_82 = %scan3A_4 to %scan3A_6 step %scan3A_7 iter_args(%scan3A_83 = %scan3A) -> (i32)  : i32 {
      %swap3A = arith.index_cast %scan3A_82 : i32 to index
      %swap3A_84 = arith.constant 0 : index
      %swap3A_85 = tpu.vector_load %arg9[%swap3A, %swap3A_84] {strides = array<i32>} : memref<80x128xf32, #tpu.memory_space<vmem>>, vector<16xf32>,
      tpu.vector_store %arg9[%swap3A, %swap3A_84], %convert_element_type3A {strides = array<i32>} : memref<80x128xf32, #tpu.memory_space<vmem>>, vector<16xf32>,
      %swap3A_86 = arith.index_cast %scan3A_82 : i32 to index
      %swap3A_87 = arith.constant 16 : index
      %swap3A_88 = tpu.vector_load %arg9[%swap3A_86, %swap3A_87] {strides = array<i32>} : memref<80x128xf32, #tpu.memory_space<vmem>>, vector<16xf32>,
      tpu.vector_store %arg9[%swap3A_86, %swap3A_87], %convert_element_type3A {strides = array<i32>} : memref<80x128xf32, #tpu.memory_space<vmem>>, vector<16xf32>,
      %swap3A_89 = arith.index_cast %scan3A_82 : i32 to index
      %swap3A_90 = arith.constant 32 : index
      %swap3A_91 = tpu.vector_load %arg9[%swap3A_89, %swap3A_90] {strides = array<i32>} : memref<80x128xf32, #tpu.memory_space<vmem>>, vector<16xf32>,
      tpu.vector_store %arg9[%swap3A_89, %swap3A_90], %convert_element_type3A {strides = array<i32>} : memref<80x128xf32, #tpu.memory_space<vmem>>, vector<16xf32>,
      %swap3A_92 = arith.index_cast %scan3A_82 : i32 to index
      %swap3A_93 = arith.constant 48 : index
      %swap3A_94 = tpu.vector_load %arg9[%swap3A_92, %swap3A_93] {strides = array<i32>} : memref<80x128xf32, #tpu.memory_space<vmem>>, vector<16xf32>,
      tpu.vector_store %arg9[%swap3A_92, %swap3A_93], %convert_element_type3A {strides = array<i32>} : memref<80x128xf32, #tpu.memory_space<vmem>>, vector<16xf32>,
      %swap3A_95 = arith.index_cast %scan3A_82 : i32 to index
      %swap3A_96 = arith.constant 64 : index
      %swap3A_97 = tpu.vector_load %arg9[%swap3A_95, %swap3A_96] {strides = array<i32>} : memref<80x128xf32, #tpu.memory_space<vmem>>, vector<16xf32>,
      tpu.vector_store %arg9[%swap3A_95, %swap3A_96], %convert_element_type3A {strides = array<i32>} : memref<80x128xf32, #tpu.memory_space<vmem>>, vector<16xf32>,
      %swap3A_98 = arith.index_cast %scan3A_82 : i32 to index
      %swap3A_99 = arith.constant 80 : index
      %swap3A_100 = tpu.vector_load %arg9[%swap3A_98, %swap3A_99] {strides = array<i32>} : memref<80x128xf32, #tpu.memory_space<vmem>>, vector<16xf32>,
      tpu.vector_store %arg9[%swap3A_98, %swap3A_99], %convert_element_type3A {strides = array<i32>} : memref<80x128xf32, #tpu.memory_space<vmem>>, vector<16xf32>,
      %swap3A_101 = arith.index_cast %scan3A_82 : i32 to index
      %swap3A_102 = arith.constant 96 : index
      %swap3A_103 = tpu.vector_load %arg9[%swap3A_101, %swap3A_102] {strides = array<i32>} : memref<80x128xf32, #tpu.memory_space<vmem>>, vector<16xf32>,
      tpu.vector_store %arg9[%swap3A_101, %swap3A_102], %convert_element_type3A {strides = array<i32>} : memref<80x128xf32, #tpu.memory_space<vmem>>, vector<16xf32>,
      %swap3A_104 = arith.index_cast %scan3A_82 : i32 to index
      %swap3A_105 = arith.constant 112 : index
      %swap3A_106 = tpu.vector_load %arg9[%swap3A_104, %swap3A_105] {strides = array<i32>} : memref<80x128xf32, #tpu.memory_space<vmem>>, vector<16xf32>,
      tpu.vector_store %arg9[%swap3A_104, %swap3A_105], %convert_element_type3A {strides = array<i32>} : memref<80x128xf32, #tpu.memory_space<vmem>>, vector<16xf32>,
      %scan3A_107 = arith.constant 0 : i32
      scf.yield %scan3A_107 : i32
    }
    %scan3A_9 = arith.constant 80 : i32
    %mul3A_10 = arith.constant 640 : i32
    %mul3A_11 = arith.muli %arg1, %mul3A_10 : i32
    %add3A_12 = arith.constant 0 : i32
    %add3A_13 = arith.addi %mul3A_11, %add3A_12 : i32
    "tpu.region"() ({
      %run_scoped3A = tpu.sem_alloc : memref<!tpu.dma_semaphore, #tpu.memory_space<semaphore_mem>>
      %dma_start3A = arith.constant 0 : i32
      %dma_start3A_82 = tpu.memref_slice %arg10[%add3A_13, %dma_start3A] : memref<10240x128xf32, #tpu.memory_space<vmem_shared>> -> memref<80x128xf32, #tpu.memory_space<vmem_shared>>
      %dma_start3A_83 = arith.constant 0 : i32
      %dma_start3A_84 = tpu.memref_slice %arg10[%add3A_13, %dma_start3A_83] : memref<10240x128xf32, #tpu.memory_space<vmem_shared>> -> memref<80x128xf32, #tpu.memory_space<vmem_shared>>
      tpu.enqueue_dma source(%arg9 : memref<80x128xf32, #tpu.memory_space<vmem>>) target(%dma_start3A_84 : memref<80x128xf32, #tpu.memory_space<vmem_shared>>) target_semaphore(%run_scoped3A : memref<!tpu.dma_semaphore, #tpu.memory_space<semaphore_mem>>)
      %dma_wait3A = arith.constant 0 : i32
      %dma_wait3A_85 = tpu.memref_slice %arg10[%add3A_13, %dma_wait3A] : memref<10240x128xf32, #tpu.memory_space<vmem_shared>> -> memref<80x128xf32, #tpu.memory_space<vmem_shared>>
      %dma_wait3A_86 = arith.constant 0 : i32
      %dma_wait3A_87 = tpu.memref_slice %arg10[%add3A_13, %dma_wait3A_86] : memref<10240x128xf32, #tpu.memory_space<vmem_shared>> -> memref<80x128xf32, #tpu.memory_space<vmem_shared>>
      tpu.wait_dma2 semaphore(%run_scoped3A : memref<!tpu.dma_semaphore, #tpu.memory_space<semaphore_mem>>) src(%arg9 : memref<80x128xf32, #tpu.memory_space<vmem>>) dst(%dma_wait3A_87 : memref<80x128xf32, #tpu.memory_space<vmem_shared>>)
      tpu.yield
    }) : () -> ()
    %mul3A_14 = arith.constant 640 : i32
    %mul3A_15 = arith.muli %arg1, %mul3A_14 : i32
    %add3A_16 = arith.constant 80 : i32
    %add3A_17 = arith.addi %mul3A_15, %add3A_16 : i32
    "tpu.region"() ({
      %run_scoped3A = tpu.sem_alloc : memref<!tpu.dma_semaphore, #tpu.memory_space<semaphore_mem>>
      %dma_start3A = arith.constant 0 : i32
      %dma_start3A_82 = tpu.memref_slice %arg10[%add3A_17, %dma_start3A] : memref<10240x128xf32, #tpu.memory_space<vmem_shared>> -> memref<80x128xf32, #tpu.memory_space<vmem_shared>>
      %dma_start3A_83 = arith.constant 0 : i32
      %dma_start3A_84 = tpu.memref_slice %arg10[%add3A_17, %dma_start3A_83] : memref<10240x128xf32, #tpu.memory_space<vmem_shared>> -> memref<80x128xf32, #tpu.memory_space<vmem_shared>>
      tpu.enqueue_dma source(%arg9 : memref<80x128xf32, #tpu.memory_space<vmem>>) target(%dma_start3A_84 : memref<80x128xf32, #tpu.memory_space<vmem_shared>>) target_semaphore(%run_scoped3A : memref<!tpu.dma_semaphore, #tpu.memory_space<semaphore_mem>>)
      %dma_wait3A = arith.constant 0 : i32
      %dma_wait3A_85 = tpu.memref_slice %arg10[%add3A_17, %dma_wait3A] : memref<10240x128xf32, #tpu.memory_space<vmem_shared>> -> memref<80x128xf32, #tpu.memory_space<vmem_shared>>
      %dma_wait3A_86 = arith.constant 0 : i32
      %dma_wait3A_87 = tpu.memref_slice %arg10[%add3A_17, %dma_wait3A_86] : memref<10240x128xf32, #tpu.memory_space<vmem_shared>> -> memref<80x128xf32, #tpu.memory_space<vmem_shared>>
      tpu.wait_dma2 semaphore(%run_scoped3A : memref<!tpu.dma_semaphore, #tpu.memory_space<semaphore_mem>>) src(%arg9 : memref<80x128xf32, #tpu.memory_space<vmem>>) dst(%dma_wait3A_87 : memref<80x128xf32, #tpu.memory_space<vmem_shared>>)
      tpu.yield
    }) : () -> ()
    %mul3A_18 = arith.constant 640 : i32
    %mul3A_19 = arith.muli %arg1, %mul3A_18 : i32
    %add3A_20 = arith.constant 160 : i32
    %add3A_21 = arith.addi %mul3A_19, %add3A_20 : i32
    "tpu.region"() ({
      %run_scoped3A = tpu.sem_alloc : memref<!tpu.dma_semaphore, #tpu.memory_space<semaphore_mem>>
      %dma_start3A = arith.constant 0 : i32
      %dma_start3A_82 = tpu.memref_slice %arg10[%add3A_21, %dma_start3A] : memref<10240x128xf32, #tpu.memory_space<vmem_shared>> -> memref<80x128xf32, #tpu.memory_space<vmem_shared>>
      %dma_start3A_83 = arith.constant 0 : i32
      %dma_start3A_84 = tpu.memref_slice %arg10[%add3A_21, %dma_start3A_83] : memref<10240x128xf32, #tpu.memory_space<vmem_shared>> -> memref<80x128xf32, #tpu.memory_space<vmem_shared>>
      tpu.enqueue_dma source(%arg9 : memref<80x128xf32, #tpu.memory_space<vmem>>) target(%dma_start3A_84 : memref<80x128xf32, #tpu.memory_space<vmem_shared>>) target_semaphore(%run_scoped3A : memref<!tpu.dma_semaphore, #tpu.memory_space<semaphore_mem>>)
      %dma_wait3A = arith.constant 0 : i32
      %dma_wait3A_85 = tpu.memref_slice %arg10[%add3A_21, %dma_wait3A] : memref<10240x128xf32, #tpu.memory_space<vmem_shared>> -> memref<80x128xf32, #tpu.memory_space<vmem_shared>>
      %dma_wait3A_86 = arith.constant 0 : i32
      %dma_wait3A_87 = tpu.memref_slice %arg10[%add3A_21, %dma_wait3A_86] : memref<10240x128xf32, #tpu.memory_space<vmem_shared>> -> memref<80x128xf32, #tpu.memory_space<vmem_shared>>
      tpu.wait_dma2 semaphore(%run_scoped3A : memref<!tpu.dma_semaphore, #tpu.memory_space<semaphore_mem>>) src(%arg9 : memref<80x128xf32, #tpu.memory_space<vmem>>) dst(%dma_wait3A_87 : memref<80x128xf32, #tpu.memory_space<vmem_shared>>)
      tpu.yield
    }) : () -> ()
    %mul3A_22 = arith.constant 640 : i32
    %mul3A_23 = arith.muli %arg1, %mul3A_22 : i32
    %add3A_24 = arith.constant 240 : i32
    %add3A_25 = arith.addi %mul3A_23, %add3A_24 : i32
    "tpu.region"() ({
      %run_scoped3A = tpu.sem_alloc : memref<!tpu.dma_semaphore, #tpu.memory_space<semaphore_mem>>
      %dma_start3A = arith.constant 0 : i32
      %dma_start3A_82 = tpu.memref_slice %arg10[%add3A_25, %dma_start3A] : memref<10240x128xf32, #tpu.memory_space<vmem_shared>> -> memref<80x128xf32, #tpu.memory_space<vmem_shared>>
      %dma_start3A_83 = arith.constant 0 : i32
      %dma_start3A_84 = tpu.memref_slice %arg10[%add3A_25, %dma_start3A_83] : memref<10240x128xf32, #tpu.memory_space<vmem_shared>> -> memref<80x128xf32, #tpu.memory_space<vmem_shared>>
      tpu.enqueue_dma source(%arg9 : memref<80x128xf32, #tpu.memory_space<vmem>>) target(%dma_start3A_84 : memref<80x128xf32, #tpu.memory_space<vmem_shared>>) target_semaphore(%run_scoped3A : memref<!tpu.dma_semaphore, #tpu.memory_space<semaphore_mem>>)
      %dma_wait3A = arith.constant 0 : i32
      %dma_wait3A_85 = tpu.memref_slice %arg10[%add3A_25, %dma_wait3A] : memref<10240x128xf32, #tpu.memory_space<vmem_shared>> -> memref<80x128xf32, #tpu.memory_space<vmem_shared>>
      %dma_wait3A_86 = arith.constant 0 : i32
      %dma_wait3A_87 = tpu.memref_slice %arg10[%add3A_25, %dma_wait3A_86] : memref<10240x128xf32, #tpu.memory_space<vmem_shared>> -> memref<80x128xf32, #tpu.memory_space<vmem_shared>>
      tpu.wait_dma2 semaphore(%run_scoped3A : memref<!tpu.dma_semaphore, #tpu.memory_space<semaphore_mem>>) src(%arg9 : memref<80x128xf32, #tpu.memory_space<vmem>>) dst(%dma_wait3A_87 : memref<80x128xf32, #tpu.memory_space<vmem_shared>>)
      tpu.yield
    }) : () -> ()
    %mul3A_26 = arith.constant 640 : i32
    %mul3A_27 = arith.muli %arg1, %mul3A_26 : i32
    %add3A_28 = arith.constant 320 : i32
    %add3A_29 = arith.addi %mul3A_27, %add3A_28 : i32
    "tpu.region"() ({
      %run_scoped3A = tpu.sem_alloc : memref<!tpu.dma_semaphore, #tpu.memory_space<semaphore_mem>>
      %dma_start3A = arith.constant 0 : i32
      %dma_start3A_82 = tpu.memref_slice %arg10[%add3A_29, %dma_start3A] : memref<10240x128xf32, #tpu.memory_space<vmem_shared>> -> memref<80x128xf32, #tpu.memory_space<vmem_shared>>
      %dma_start3A_83 = arith.constant 0 : i32
      %dma_start3A_84 = tpu.memref_slice %arg10[%add3A_29, %dma_start3A_83] : memref<10240x128xf32, #tpu.memory_space<vmem_shared>> -> memref<80x128xf32, #tpu.memory_space<vmem_shared>>
      tpu.enqueue_dma source(%arg9 : memref<80x128xf32, #tpu.memory_space<vmem>>) target(%dma_start3A_84 : memref<80x128xf32, #tpu.memory_space<vmem_shared>>) target_semaphore(%run_scoped3A : memref<!tpu.dma_semaphore, #tpu.memory_space<semaphore_mem>>)
      %dma_wait3A = arith.constant 0 : i32
      %dma_wait3A_85 = tpu.memref_slice %arg10[%add3A_29, %dma_wait3A] : memref<10240x128xf32, #tpu.memory_space<vmem_shared>> -> memref<80x128xf32, #tpu.memory_space<vmem_shared>>
      %dma_wait3A_86 = arith.constant 0 : i32
      %dma_wait3A_87 = tpu.memref_slice %arg10[%add3A_29, %dma_wait3A_86] : memref<10240x128xf32, #tpu.memory_space<vmem_shared>> -> memref<80x128xf32, #tpu.memory_space<vmem_shared>>
      tpu.wait_dma2 semaphore(%run_scoped3A : memref<!tpu.dma_semaphore, #tpu.memory_space<semaphore_mem>>) src(%arg9 : memref<80x128xf32, #tpu.memory_space<vmem>>) dst(%dma_wait3A_87 : memref<80x128xf32, #tpu.memory_space<vmem_shared>>)
      tpu.yield
    }) : () -> ()
    %mul3A_30 = arith.constant 640 : i32
    %mul3A_31 = arith.muli %arg1, %mul3A_30 : i32
    %add3A_32 = arith.constant 400 : i32
    %add3A_33 = arith.addi %mul3A_31, %add3A_32 : i32
    "tpu.region"() ({
      %run_scoped3A = tpu.sem_alloc : memref<!tpu.dma_semaphore, #tpu.memory_space<semaphore_mem>>
      %dma_start3A = arith.constant 0 : i32
      %dma_start3A_82 = tpu.memref_slice %arg10[%add3A_33, %dma_start3A] : memref<10240x128xf32, #tpu.memory_space<vmem_shared>> -> memref<80x128xf32, #tpu.memory_space<vmem_shared>>
      %dma_start3A_83 = arith.constant 0 : i32
      %dma_start3A_84 = tpu.memref_slice %arg10[%add3A_33, %dma_start3A_83] : memref<10240x128xf32, #tpu.memory_space<vmem_shared>> -> memref<80x128xf32, #tpu.memory_space<vmem_shared>>
      tpu.enqueue_dma source(%arg9 : memref<80x128xf32, #tpu.memory_space<vmem>>) target(%dma_start3A_84 : memref<80x128xf32, #tpu.memory_space<vmem_shared>>) target_semaphore(%run_scoped3A : memref<!tpu.dma_semaphore, #tpu.memory_space<semaphore_mem>>)
      %dma_wait3A = arith.constant 0 : i32
      %dma_wait3A_85 = tpu.memref_slice %arg10[%add3A_33, %dma_wait3A] : memref<10240x128xf32, #tpu.memory_space<vmem_shared>> -> memref<80x128xf32, #tpu.memory_space<vmem_shared>>
      %dma_wait3A_86 = arith.constant 0 : i32
      %dma_wait3A_87 = tpu.memref_slice %arg10[%add3A_33, %dma_wait3A_86] : memref<10240x128xf32, #tpu.memory_space<vmem_shared>> -> memref<80x128xf32, #tpu.memory_space<vmem_shared>>
      tpu.wait_dma2 semaphore(%run_scoped3A : memref<!tpu.dma_semaphore, #tpu.memory_space<semaphore_mem>>) src(%arg9 : memref<80x128xf32, #tpu.memory_space<vmem>>) dst(%dma_wait3A_87 : memref<80x128xf32, #tpu.memory_space<vmem_shared>>)
      tpu.yield
    }) : () -> ()
    %mul3A_34 = arith.constant 640 : i32
    %mul3A_35 = arith.muli %arg1, %mul3A_34 : i32
    %add3A_36 = arith.constant 480 : i32
    %add3A_37 = arith.addi %mul3A_35, %add3A_36 : i32
    "tpu.region"() ({
      %run_scoped3A = tpu.sem_alloc : memref<!tpu.dma_semaphore, #tpu.memory_space<semaphore_mem>>
      %dma_start3A = arith.constant 0 : i32
      %dma_start3A_82 = tpu.memref_slice %arg10[%add3A_37, %dma_start3A] : memref<10240x128xf32, #tpu.memory_space<vmem_shared>> -> memref<80x128xf32, #tpu.memory_space<vmem_shared>>
      %dma_start3A_83 = arith.constant 0 : i32
      %dma_start3A_84 = tpu.memref_slice %arg10[%add3A_37, %dma_start3A_83] : memref<10240x128xf32, #tpu.memory_space<vmem_shared>> -> memref<80x128xf32, #tpu.memory_space<vmem_shared>>
      tpu.enqueue_dma source(%arg9 : memref<80x128xf32, #tpu.memory_space<vmem>>) target(%dma_start3A_84 : memref<80x128xf32, #tpu.memory_space<vmem_shared>>) target_semaphore(%run_scoped3A : memref<!tpu.dma_semaphore, #tpu.memory_space<semaphore_mem>>)
      %dma_wait3A = arith.constant 0 : i32
      %dma_wait3A_85 = tpu.memref_slice %arg10[%add3A_37, %dma_wait3A] : memref<10240x128xf32, #tpu.memory_space<vmem_shared>> -> memref<80x128xf32, #tpu.memory_space<vmem_shared>>
      %dma_wait3A_86 = arith.constant 0 : i32
      %dma_wait3A_87 = tpu.memref_slice %arg10[%add3A_37, %dma_wait3A_86] : memref<10240x128xf32, #tpu.memory_space<vmem_shared>> -> memref<80x128xf32, #tpu.memory_space<vmem_shared>>
      tpu.wait_dma2 semaphore(%run_scoped3A : memref<!tpu.dma_semaphore, #tpu.memory_space<semaphore_mem>>) src(%arg9 : memref<80x128xf32, #tpu.memory_space<vmem>>) dst(%dma_wait3A_87 : memref<80x128xf32, #tpu.memory_space<vmem_shared>>)
      tpu.yield
    }) : () -> ()
    %mul3A_38 = arith.constant 640 : i32
    %mul3A_39 = arith.muli %arg1, %mul3A_38 : i32
    %add3A_40 = arith.constant 560 : i32
    %add3A_41 = arith.addi %mul3A_39, %add3A_40 : i32
    "tpu.region"() ({
      %run_scoped3A = tpu.sem_alloc : memref<!tpu.dma_semaphore, #tpu.memory_space<semaphore_mem>>
      %dma_start3A = arith.constant 0 : i32
      %dma_start3A_82 = tpu.memref_slice %arg10[%add3A_41, %dma_start3A] : memref<10240x128xf32, #tpu.memory_space<vmem_shared>> -> memref<80x128xf32, #tpu.memory_space<vmem_shared>>
      %dma_start3A_83 = arith.constant 0 : i32
      %dma_start3A_84 = tpu.memref_slice %arg10[%add3A_41, %dma_start3A_83] : memref<10240x128xf32, #tpu.memory_space<vmem_shared>> -> memref<80x128xf32, #tpu.memory_space<vmem_shared>>
      tpu.enqueue_dma source(%arg9 : memref<80x128xf32, #tpu.memory_space<vmem>>) target(%dma_start3A_84 : memref<80x128xf32, #tpu.memory_space<vmem_shared>>) target_semaphore(%run_scoped3A : memref<!tpu.dma_semaphore, #tpu.memory_space<semaphore_mem>>)
      %dma_wait3A = arith.constant 0 : i32
      %dma_wait3A_85 = tpu.memref_slice %arg10[%add3A_41, %dma_wait3A] : memref<10240x128xf32, #tpu.memory_space<vmem_shared>> -> memref<80x128xf32, #tpu.memory_space<vmem_shared>>
      %dma_wait3A_86 = arith.constant 0 : i32
      %dma_wait3A_87 = tpu.memref_slice %arg10[%add3A_41, %dma_wait3A_86] : memref<10240x128xf32, #tpu.memory_space<vmem_shared>> -> memref<80x128xf32, #tpu.memory_space<vmem_shared>>
      tpu.wait_dma2 semaphore(%run_scoped3A : memref<!tpu.dma_semaphore, #tpu.memory_space<semaphore_mem>>) src(%arg9 : memref<80x128xf32, #tpu.memory_space<vmem>>) dst(%dma_wait3A_87 : memref<80x128xf32, #tpu.memory_space<vmem_shared>>)
      tpu.yield
    }) : () -> ()
    %barrier3A = arith.constant 0 : index
    tpu.barrier barrier_id(%barrier3A)
    %scan3A_42 = arith.constant 0 : i32
    %scan3A_43 = arith.constant 0 : i32
    %scan3A_44 = arith.constant 125 : i32
    %scan3A_45 = arith.addi %scan3A_43, %scan3A_44 : i32
    %scan3A_46 = arith.constant 1 : i32
    %scan3A_47 = scf.for %scan3A_82 = %scan3A_43 to %scan3A_45 step %scan3A_46 iter_args(%scan3A_83 = %scan3A_42) -> (i32)  : i32 {
      %mul3A_84 = arith.constant 10000 : i32
      %mul3A_85 = arith.muli %add3A, %mul3A_84 : i32
      %mul3A_86 = arith.constant 80 : i32
      %mul3A_87 = arith.muli %scan3A_82, %mul3A_86 : i32
      %add3A_88 = arith.addi %mul3A_85, %mul3A_87 : i32
      "tpu.region"() ({
        %run_scoped3A = tpu.sem_alloc : memref<!tpu.dma_semaphore, #tpu.memory_space<semaphore_mem>>
        %dma_start3A_94 = tpu.memref_slice %arg3[%add3A_88] : memref<320000xi32, #tpu.memory_space<hbm>> -> memref<80xi32, #tpu.memory_space<hbm>>
        %dma_start3A_95 = tpu.memref_slice %arg3[%add3A_88] : memref<320000xi32, #tpu.memory_space<hbm>> -> memref<80xi32, #tpu.memory_space<hbm>>
        tpu.enqueue_dma source(%dma_start3A_95 : memref<80xi32, #tpu.memory_space<hbm>>) target(%arg6 : memref<80xi32, #tpu.memory_space<vmem>>) target_semaphore(%run_scoped3A : memref<!tpu.dma_semaphore, #tpu.memory_space<semaphore_mem>>)
        %dma_wait3A_96 = tpu.memref_slice %arg3[%add3A_88] : memref<320000xi32, #tpu.memory_space<hbm>> -> memref<80xi32, #tpu.memory_space<hbm>>
        %dma_wait3A_97 = tpu.memref_slice %arg3[%add3A_88] : memref<320000xi32, #tpu.memory_space<hbm>> -> memref<80xi32, #tpu.memory_space<hbm>>
        tpu.wait_dma2 semaphore(%run_scoped3A : memref<!tpu.dma_semaphore, #tpu.memory_space<semaphore_mem>>) src(%dma_wait3A_97 : memref<80xi32, #tpu.memory_space<hbm>>) dst(%arg6 : memref<80xi32, #tpu.memory_space<vmem>>)
        tpu.yield
      }) : () -> ()
      "tpu.region"() ({
        %run_scoped3A = tpu.sem_alloc : memref<!tpu.dma_semaphore, #tpu.memory_space<semaphore_mem>>
        %dma_start3A_94 = tpu.memref_slice %arg4[%add3A_88] : memref<320000xi32, #tpu.memory_space<hbm>> -> memref<80xi32, #tpu.memory_space<hbm>>
        %dma_start3A_95 = tpu.memref_slice %arg4[%add3A_88] : memref<320000xi32, #tpu.memory_space<hbm>> -> memref<80xi32, #tpu.memory_space<hbm>>
        tpu.enqueue_dma source(%dma_start3A_95 : memref<80xi32, #tpu.memory_space<hbm>>) target(%arg7 : memref<80xi32, #tpu.memory_space<vmem>>) target_semaphore(%run_scoped3A : memref<!tpu.dma_semaphore, #tpu.memory_space<semaphore_mem>>)
        %dma_wait3A_96 = tpu.memref_slice %arg4[%add3A_88] : memref<320000xi32, #tpu.memory_space<hbm>> -> memref<80xi32, #tpu.memory_space<hbm>>
        %dma_wait3A_97 = tpu.memref_slice %arg4[%add3A_88] : memref<320000xi32, #tpu.memory_space<hbm>> -> memref<80xi32, #tpu.memory_space<hbm>>
        tpu.wait_dma2 semaphore(%run_scoped3A : memref<!tpu.dma_semaphore, #tpu.memory_space<semaphore_mem>>) src(%dma_wait3A_97 : memref<80xi32, #tpu.memory_space<hbm>>) dst(%arg7 : memref<80xi32, #tpu.memory_space<vmem>>)
        tpu.yield
      }) : () -> ()
      %dma_start3A = arith.constant 0 : i32
      %dma_start3A_89 = arith.constant 0 : i32
      %dma_start3A_90 = tpu.memref_slice %arg2[%dma_start3A, %dma_start3A_89] : memref<10240x128xf32, #tpu.memory_space<hbm>> -> memref<10240x128xf32, #tpu.memory_space<hbm>>
      tpu.enqueue_indirect_dma source(%dma_start3A_90 : memref<10240x128xf32, #tpu.memory_space<hbm>>) target(%arg8 : memref<80x128xf32, #tpu.memory_space<vmem>>) offsets(%arg6 : memref<80xi32, #tpu.memory_space<vmem>>) semaphore(%arg11 : memref<!tpu.dma_semaphore, #tpu.memory_space<semaphore_mem>>)
      %dma_wait3A = arith.constant 0 : i32
      %dma_wait3A_91 = arith.constant 0 : i32
      %dma_wait3A_92 = tpu.memref_slice %arg2[%dma_wait3A, %dma_wait3A_91] : memref<10240x128xf32, #tpu.memory_space<hbm>> -> memref<10240x128xf32, #tpu.memory_space<hbm>>
      tpu.wait_indirect_dma semaphore(%arg11 : memref<!tpu.dma_semaphore, #tpu.memory_space<semaphore_mem>>) src(%dma_wait3A_92 : memref<10240x128xf32, #tpu.memory_space<hbm>>) dst(%arg8 : memref<80x128xf32, #tpu.memory_space<vmem>>)
      "tpu.region"() ({
        %run_scoped3A = tpu.sem_alloc : memref<!tpu.dma_semaphore, #tpu.memory_space<semaphore_mem>>
        %dma_start3A_94 = arith.constant 0 : i32
        %dma_start3A_95 = arith.constant 0 : i32
        %dma_start3A_96 = tpu.memref_slice %arg10[%dma_start3A_94, %dma_start3A_95] : memref<10240x128xf32, #tpu.memory_space<vmem_shared>> -> memref<10240x128xf32, #tpu.memory_space<vmem_shared>>
        tpu.enqueue_indirect_dma source(%arg8 : memref<80x128xf32, #tpu.memory_space<vmem>>) target(%dma_start3A_96 : memref<10240x128xf32, #tpu.memory_space<vmem_shared>>) offsets(%arg7 : memref<80xi32, #tpu.memory_space<vmem>>) semaphore(%run_scoped3A : memref<!tpu.dma_semaphore, #tpu.memory_space<semaphore_mem>>) {add = true}
        %dma_wait3A_97 = arith.constant 0 : i32
        %dma_wait3A_98 = arith.constant 0 : i32
        %dma_wait3A_99 = tpu.memref_slice %arg10[%dma_wait3A_97, %dma_wait3A_98] : memref<10240x128xf32, #tpu.memory_space<vmem_shared>> -> memref<10240x128xf32, #tpu.memory_space<vmem_shared>>
        tpu.wait_indirect_dma semaphore(%run_scoped3A : memref<!tpu.dma_semaphore, #tpu.memory_space<semaphore_mem>>) src(%arg8 : memref<80x128xf32, #tpu.memory_space<vmem>>) dst(%dma_wait3A_99 : memref<10240x128xf32, #tpu.memory_space<vmem_shared>>)
        tpu.yield
      }) : () -> ()
      %scan3A_93 = arith.constant 0 : i32
      scf.yield %scan3A_93 : i32
    }
    %scan3A_48 = arith.constant 125 : i32
    %barrier3A_49 = arith.constant 0 : index
    tpu.barrier barrier_id(%barrier3A_49)
    %mul3A_50 = arith.constant 640 : i32
    %mul3A_51 = arith.muli %arg1, %mul3A_50 : i32
    %add3A_52 = arith.constant 0 : i32
    %add3A_53 = arith.addi %mul3A_51, %add3A_52 : i32
    "tpu.region"() ({
      %run_scoped3A = tpu.sem_alloc : memref<!tpu.dma_semaphore, #tpu.memory_space<semaphore_mem>>
      %dma_start3A = arith.constant 0 : i32
      %dma_start3A_82 = tpu.memref_slice %arg10[%add3A_53, %dma_start3A] : memref<10240x128xf32, #tpu.memory_space<vmem_shared>> -> memref<80x128xf32, #tpu.memory_space<vmem_shared>>
      %dma_start3A_83 = arith.constant 0 : i32
      %dma_start3A_84 = tpu.memref_slice %arg10[%add3A_53, %dma_start3A_83] : memref<10240x128xf32, #tpu.memory_space<vmem_shared>> -> memref<80x128xf32, #tpu.memory_space<vmem_shared>>
      tpu.enqueue_dma source(%dma_start3A_84 : memref<80x128xf32, #tpu.memory_space<vmem_shared>>) target(%arg9 : memref<80x128xf32, #tpu.memory_space<vmem>>) target_semaphore(%run_scoped3A : memref<!tpu.dma_semaphore, #tpu.memory_space<semaphore_mem>>)
      %dma_wait3A = arith.constant 0 : i32
      %dma_wait3A_85 = tpu.memref_slice %arg10[%add3A_53, %dma_wait3A] : memref<10240x128xf32, #tpu.memory_space<vmem_shared>> -> memref<80x128xf32, #tpu.memory_space<vmem_shared>>
      %dma_wait3A_86 = arith.constant 0 : i32
      %dma_wait3A_87 = tpu.memref_slice %arg10[%add3A_53, %dma_wait3A_86] : memref<10240x128xf32, #tpu.memory_space<vmem_shared>> -> memref<80x128xf32, #tpu.memory_space<vmem_shared>>
      tpu.wait_dma2 semaphore(%run_scoped3A : memref<!tpu.dma_semaphore, #tpu.memory_space<semaphore_mem>>) src(%dma_wait3A_87 : memref<80x128xf32, #tpu.memory_space<vmem_shared>>) dst(%arg9 : memref<80x128xf32, #tpu.memory_space<vmem>>)
      tpu.yield
    }) : () -> ()
    "tpu.region"() ({
      %run_scoped3A = tpu.sem_alloc : memref<!tpu.dma_semaphore, #tpu.memory_space<semaphore_mem>>
      %dma_start3A = arith.constant 0 : i32
      %dma_start3A_82 = tpu.memref_slice %arg5[%arg0, %add3A_53, %dma_start3A] : memref<2x10240x128xf32, #tpu.memory_space<hbm>> -> memref<1x80x128xf32, #tpu.memory_space<hbm>>
      %dma_start3A_83 = tpu.memref_squeeze %dma_start3A_82 : memref<1x80x128xf32, #tpu.memory_space<hbm>> -> memref<80x128xf32, #tpu.memory_space<hbm>>
      %dma_start3A_84 = arith.constant 0 : i32
      %dma_start3A_85 = tpu.memref_slice %arg5[%arg0, %add3A_53, %dma_start3A_84] : memref<2x10240x128xf32, #tpu.memory_space<hbm>> -> memref<1x80x128xf32, #tpu.memory_space<hbm>>
      %dma_start3A_86 = tpu.memref_squeeze %dma_start3A_85 : memref<1x80x128xf32, #tpu.memory_space<hbm>> -> memref<80x128xf32, #tpu.memory_space<hbm>>
      tpu.enqueue_dma source(%arg9 : memref<80x128xf32, #tpu.memory_space<vmem>>) target(%dma_start3A_86 : memref<80x128xf32, #tpu.memory_space<hbm>>) target_semaphore(%run_scoped3A : memref<!tpu.dma_semaphore, #tpu.memory_space<semaphore_mem>>)
      %dma_wait3A = arith.constant 0 : i32
      %dma_wait3A_87 = tpu.memref_slice %arg5[%arg0, %add3A_53, %dma_wait3A] : memref<2x10240x128xf32, #tpu.memory_space<hbm>> -> memref<1x80x128xf32, #tpu.memory_space<hbm>>
      %dma_wait3A_88 = tpu.memref_squeeze %dma_wait3A_87 : memref<1x80x128xf32, #tpu.memory_space<hbm>> -> memref<80x128xf32, #tpu.memory_space<hbm>>
      %dma_wait3A_89 = arith.constant 0 : i32
      %dma_wait3A_90 = tpu.memref_slice %arg5[%arg0, %add3A_53, %dma_wait3A_89] : memref<2x10240x128xf32, #tpu.memory_space<hbm>> -> memref<1x80x128xf32, #tpu.memory_space<hbm>>
      %dma_wait3A_91 = tpu.memref_squeeze %dma_wait3A_90 : memref<1x80x128xf32, #tpu.memory_space<hbm>> -> memref<80x128xf32, #tpu.memory_space<hbm>>
      tpu.wait_dma2 semaphore(%run_scoped3A : memref<!tpu.dma_semaphore, #tpu.memory_space<semaphore_mem>>) src(%arg9 : memref<80x128xf32, #tpu.memory_space<vmem>>) dst(%dma_wait3A_91 : memref<80x128xf32, #tpu.memory_space<hbm>>)
      tpu.yield
    }) : () -> ()
    %mul3A_54 = arith.constant 640 : i32
    %mul3A_55 = arith.muli %arg1, %mul3A_54 : i32
    %add3A_56 = arith.constant 80 : i32
    %add3A_57 = arith.addi %mul3A_55, %add3A_56 : i32
    "tpu.region"() ({
      %run_scoped3A = tpu.sem_alloc : memref<!tpu.dma_semaphore, #tpu.memory_space<semaphore_mem>>
      %dma_start3A = arith.constant 0 : i32
      %dma_start3A_82 = tpu.memref_slice %arg10[%add3A_57, %dma_start3A] : memref<10240x128xf32, #tpu.memory_space<vmem_shared>> -> memref<80x128xf32, #tpu.memory_space<vmem_shared>>
      %dma_start3A_83 = arith.constant 0 : i32
      %dma_start3A_84 = tpu.memref_slice %arg10[%add3A_57, %dma_start3A_83] : memref<10240x128xf32, #tpu.memory_space<vmem_shared>> -> memref<80x128xf32, #tpu.memory_space<vmem_shared>>
      tpu.enqueue_dma source(%dma_start3A_84 : memref<80x128xf32, #tpu.memory_space<vmem_shared>>) target(%arg9 : memref<80x128xf32, #tpu.memory_space<vmem>>) target_semaphore(%run_scoped3A : memref<!tpu.dma_semaphore, #tpu.memory_space<semaphore_mem>>)
      %dma_wait3A = arith.constant 0 : i32
      %dma_wait3A_85 = tpu.memref_slice %arg10[%add3A_57, %dma_wait3A] : memref<10240x128xf32, #tpu.memory_space<vmem_shared>> -> memref<80x128xf32, #tpu.memory_space<vmem_shared>>
      %dma_wait3A_86 = arith.constant 0 : i32
      %dma_wait3A_87 = tpu.memref_slice %arg10[%add3A_57, %dma_wait3A_86] : memref<10240x128xf32, #tpu.memory_space<vmem_shared>> -> memref<80x128xf32, #tpu.memory_space<vmem_shared>>
      tpu.wait_dma2 semaphore(%run_scoped3A : memref<!tpu.dma_semaphore, #tpu.memory_space<semaphore_mem>>) src(%dma_wait3A_87 : memref<80x128xf32, #tpu.memory_space<vmem_shared>>) dst(%arg9 : memref<80x128xf32, #tpu.memory_space<vmem>>)
      tpu.yield
    }) : () -> ()
    "tpu.region"() ({
      %run_scoped3A = tpu.sem_alloc : memref<!tpu.dma_semaphore, #tpu.memory_space<semaphore_mem>>
      %dma_start3A = arith.constant 0 : i32
      %dma_start3A_82 = tpu.memref_slice %arg5[%arg0, %add3A_57, %dma_start3A] : memref<2x10240x128xf32, #tpu.memory_space<hbm>> -> memref<1x80x128xf32, #tpu.memory_space<hbm>>
      %dma_start3A_83 = tpu.memref_squeeze %dma_start3A_82 : memref<1x80x128xf32, #tpu.memory_space<hbm>> -> memref<80x128xf32, #tpu.memory_space<hbm>>
      %dma_start3A_84 = arith.constant 0 : i32
      %dma_start3A_85 = tpu.memref_slice %arg5[%arg0, %add3A_57, %dma_start3A_84] : memref<2x10240x128xf32, #tpu.memory_space<hbm>> -> memref<1x80x128xf32, #tpu.memory_space<hbm>>
      %dma_start3A_86 = tpu.memref_squeeze %dma_start3A_85 : memref<1x80x128xf32, #tpu.memory_space<hbm>> -> memref<80x128xf32, #tpu.memory_space<hbm>>
      tpu.enqueue_dma source(%arg9 : memref<80x128xf32, #tpu.memory_space<vmem>>) target(%dma_start3A_86 : memref<80x128xf32, #tpu.memory_space<hbm>>) target_semaphore(%run_scoped3A : memref<!tpu.dma_semaphore, #tpu.memory_space<semaphore_mem>>)
      %dma_wait3A = arith.constant 0 : i32
      %dma_wait3A_87 = tpu.memref_slice %arg5[%arg0, %add3A_57, %dma_wait3A] : memref<2x10240x128xf32, #tpu.memory_space<hbm>> -> memref<1x80x128xf32, #tpu.memory_space<hbm>>
      %dma_wait3A_88 = tpu.memref_squeeze %dma_wait3A_87 : memref<1x80x128xf32, #tpu.memory_space<hbm>> -> memref<80x128xf32, #tpu.memory_space<hbm>>
      %dma_wait3A_89 = arith.constant 0 : i32
      %dma_wait3A_90 = tpu.memref_slice %arg5[%arg0, %add3A_57, %dma_wait3A_89] : memref<2x10240x128xf32, #tpu.memory_space<hbm>> -> memref<1x80x128xf32, #tpu.memory_space<hbm>>
      %dma_wait3A_91 = tpu.memref_squeeze %dma_wait3A_90 : memref<1x80x128xf32, #tpu.memory_space<hbm>> -> memref<80x128xf32, #tpu.memory_space<hbm>>
      tpu.wait_dma2 semaphore(%run_scoped3A : memref<!tpu.dma_semaphore, #tpu.memory_space<semaphore_mem>>) src(%arg9 : memref<80x128xf32, #tpu.memory_space<vmem>>) dst(%dma_wait3A_91 : memref<80x128xf32, #tpu.memory_space<hbm>>)
      tpu.yield
    }) : () -> ()
    %mul3A_58 = arith.constant 640 : i32
    %mul3A_59 = arith.muli %arg1, %mul3A_58 : i32
    %add3A_60 = arith.constant 160 : i32
    %add3A_61 = arith.addi %mul3A_59, %add3A_60 : i32
    "tpu.region"() ({
      %run_scoped3A = tpu.sem_alloc : memref<!tpu.dma_semaphore, #tpu.memory_space<semaphore_mem>>
      %dma_start3A = arith.constant 0 : i32
      %dma_start3A_82 = tpu.memref_slice %arg10[%add3A_61, %dma_start3A] : memref<10240x128xf32, #tpu.memory_space<vmem_shared>> -> memref<80x128xf32, #tpu.memory_space<vmem_shared>>
      %dma_start3A_83 = arith.constant 0 : i32
      %dma_start3A_84 = tpu.memref_slice %arg10[%add3A_61, %dma_start3A_83] : memref<10240x128xf32, #tpu.memory_space<vmem_shared>> -> memref<80x128xf32, #tpu.memory_space<vmem_shared>>
      tpu.enqueue_dma source(%dma_start3A_84 : memref<80x128xf32, #tpu.memory_space<vmem_shared>>) target(%arg9 : memref<80x128xf32, #tpu.memory_space<vmem>>) target_semaphore(%run_scoped3A : memref<!tpu.dma_semaphore, #tpu.memory_space<semaphore_mem>>)
      %dma_wait3A = arith.constant 0 : i32
      %dma_wait3A_85 = tpu.memref_slice %arg10[%add3A_61, %dma_wait3A] : memref<10240x128xf32, #tpu.memory_space<vmem_shared>> -> memref<80x128xf32, #tpu.memory_space<vmem_shared>>
      %dma_wait3A_86 = arith.constant 0 : i32
      %dma_wait3A_87 = tpu.memref_slice %arg10[%add3A_61, %dma_wait3A_86] : memref<10240x128xf32, #tpu.memory_space<vmem_shared>> -> memref<80x128xf32, #tpu.memory_space<vmem_shared>>
      tpu.wait_dma2 semaphore(%run_scoped3A : memref<!tpu.dma_semaphore, #tpu.memory_space<semaphore_mem>>) src(%dma_wait3A_87 : memref<80x128xf32, #tpu.memory_space<vmem_shared>>) dst(%arg9 : memref<80x128xf32, #tpu.memory_space<vmem>>)
      tpu.yield
    }) : () -> ()
    "tpu.region"() ({
      %run_scoped3A = tpu.sem_alloc : memref<!tpu.dma_semaphore, #tpu.memory_space<semaphore_mem>>
      %dma_start3A = arith.constant 0 : i32
      %dma_start3A_82 = tpu.memref_slice %arg5[%arg0, %add3A_61, %dma_start3A] : memref<2x10240x128xf32, #tpu.memory_space<hbm>> -> memref<1x80x128xf32, #tpu.memory_space<hbm>>
      %dma_start3A_83 = tpu.memref_squeeze %dma_start3A_82 : memref<1x80x128xf32, #tpu.memory_space<hbm>> -> memref<80x128xf32, #tpu.memory_space<hbm>>
      %dma_start3A_84 = arith.constant 0 : i32
      %dma_start3A_85 = tpu.memref_slice %arg5[%arg0, %add3A_61, %dma_start3A_84] : memref<2x10240x128xf32, #tpu.memory_space<hbm>> -> memref<1x80x128xf32, #tpu.memory_space<hbm>>
      %dma_start3A_86 = tpu.memref_squeeze %dma_start3A_85 : memref<1x80x128xf32, #tpu.memory_space<hbm>> -> memref<80x128xf32, #tpu.memory_space<hbm>>
      tpu.enqueue_dma source(%arg9 : memref<80x128xf32, #tpu.memory_space<vmem>>) target(%dma_start3A_86 : memref<80x128xf32, #tpu.memory_space<hbm>>) target_semaphore(%run_scoped3A : memref<!tpu.dma_semaphore, #tpu.memory_space<semaphore_mem>>)
      %dma_wait3A = arith.constant 0 : i32
      %dma_wait3A_87 = tpu.memref_slice %arg5[%arg0, %add3A_61, %dma_wait3A] : memref<2x10240x128xf32, #tpu.memory_space<hbm>> -> memref<1x80x128xf32, #tpu.memory_space<hbm>>
      %dma_wait3A_88 = tpu.memref_squeeze %dma_wait3A_87 : memref<1x80x128xf32, #tpu.memory_space<hbm>> -> memref<80x128xf32, #tpu.memory_space<hbm>>
      %dma_wait3A_89 = arith.constant 0 : i32
      %dma_wait3A_90 = tpu.memref_slice %arg5[%arg0, %add3A_61, %dma_wait3A_89] : memref<2x10240x128xf32, #tpu.memory_space<hbm>> -> memref<1x80x128xf32, #tpu.memory_space<hbm>>
      %dma_wait3A_91 = tpu.memref_squeeze %dma_wait3A_90 : memref<1x80x128xf32, #tpu.memory_space<hbm>> -> memref<80x128xf32, #tpu.memory_space<hbm>>
      tpu.wait_dma2 semaphore(%run_scoped3A : memref<!tpu.dma_semaphore, #tpu.memory_space<semaphore_mem>>) src(%arg9 : memref<80x128xf32, #tpu.memory_space<vmem>>) dst(%dma_wait3A_91 : memref<80x128xf32, #tpu.memory_space<hbm>>)
      tpu.yield
    }) : () -> ()
    %mul3A_62 = arith.constant 640 : i32
    %mul3A_63 = arith.muli %arg1, %mul3A_62 : i32
    %add3A_64 = arith.constant 240 : i32
    %add3A_65 = arith.addi %mul3A_63, %add3A_64 : i32
    "tpu.region"() ({
      %run_scoped3A = tpu.sem_alloc : memref<!tpu.dma_semaphore, #tpu.memory_space<semaphore_mem>>
      %dma_start3A = arith.constant 0 : i32
      %dma_start3A_82 = tpu.memref_slice %arg10[%add3A_65, %dma_start3A] : memref<10240x128xf32, #tpu.memory_space<vmem_shared>> -> memref<80x128xf32, #tpu.memory_space<vmem_shared>>
      %dma_start3A_83 = arith.constant 0 : i32
      %dma_start3A_84 = tpu.memref_slice %arg10[%add3A_65, %dma_start3A_83] : memref<10240x128xf32, #tpu.memory_space<vmem_shared>> -> memref<80x128xf32, #tpu.memory_space<vmem_shared>>
      tpu.enqueue_dma source(%dma_start3A_84 : memref<80x128xf32, #tpu.memory_space<vmem_shared>>) target(%arg9 : memref<80x128xf32, #tpu.memory_space<vmem>>) target_semaphore(%run_scoped3A : memref<!tpu.dma_semaphore, #tpu.memory_space<semaphore_mem>>)
      %dma_wait3A = arith.constant 0 : i32
      %dma_wait3A_85 = tpu.memref_slice %arg10[%add3A_65, %dma_wait3A] : memref<10240x128xf32, #tpu.memory_space<vmem_shared>> -> memref<80x128xf32, #tpu.memory_space<vmem_shared>>
      %dma_wait3A_86 = arith.constant 0 : i32
      %dma_wait3A_87 = tpu.memref_slice %arg10[%add3A_65, %dma_wait3A_86] : memref<10240x128xf32, #tpu.memory_space<vmem_shared>> -> memref<80x128xf32, #tpu.memory_space<vmem_shared>>
      tpu.wait_dma2 semaphore(%run_scoped3A : memref<!tpu.dma_semaphore, #tpu.memory_space<semaphore_mem>>) src(%dma_wait3A_87 : memref<80x128xf32, #tpu.memory_space<vmem_shared>>) dst(%arg9 : memref<80x128xf32, #tpu.memory_space<vmem>>)
      tpu.yield
    }) : () -> ()
    "tpu.region"() ({
      %run_scoped3A = tpu.sem_alloc : memref<!tpu.dma_semaphore, #tpu.memory_space<semaphore_mem>>
      %dma_start3A = arith.constant 0 : i32
      %dma_start3A_82 = tpu.memref_slice %arg5[%arg0, %add3A_65, %dma_start3A] : memref<2x10240x128xf32, #tpu.memory_space<hbm>> -> memref<1x80x128xf32, #tpu.memory_space<hbm>>
      %dma_start3A_83 = tpu.memref_squeeze %dma_start3A_82 : memref<1x80x128xf32, #tpu.memory_space<hbm>> -> memref<80x128xf32, #tpu.memory_space<hbm>>
      %dma_start3A_84 = arith.constant 0 : i32
      %dma_start3A_85 = tpu.memref_slice %arg5[%arg0, %add3A_65, %dma_start3A_84] : memref<2x10240x128xf32, #tpu.memory_space<hbm>> -> memref<1x80x128xf32, #tpu.memory_space<hbm>>
      %dma_start3A_86 = tpu.memref_squeeze %dma_start3A_85 : memref<1x80x128xf32, #tpu.memory_space<hbm>> -> memref<80x128xf32, #tpu.memory_space<hbm>>
      tpu.enqueue_dma source(%arg9 : memref<80x128xf32, #tpu.memory_space<vmem>>) target(%dma_start3A_86 : memref<80x128xf32, #tpu.memory_space<hbm>>) target_semaphore(%run_scoped3A : memref<!tpu.dma_semaphore, #tpu.memory_space<semaphore_mem>>)
      %dma_wait3A = arith.constant 0 : i32
      %dma_wait3A_87 = tpu.memref_slice %arg5[%arg0, %add3A_65, %dma_wait3A] : memref<2x10240x128xf32, #tpu.memory_space<hbm>> -> memref<1x80x128xf32, #tpu.memory_space<hbm>>
      %dma_wait3A_88 = tpu.memref_squeeze %dma_wait3A_87 : memref<1x80x128xf32, #tpu.memory_space<hbm>> -> memref<80x128xf32, #tpu.memory_space<hbm>>
      %dma_wait3A_89 = arith.constant 0 : i32
      %dma_wait3A_90 = tpu.memref_slice %arg5[%arg0, %add3A_65, %dma_wait3A_89] : memref<2x10240x128xf32, #tpu.memory_space<hbm>> -> memref<1x80x128xf32, #tpu.memory_space<hbm>>
      %dma_wait3A_91 = tpu.memref_squeeze %dma_wait3A_90 : memref<1x80x128xf32, #tpu.memory_space<hbm>> -> memref<80x128xf32, #tpu.memory_space<hbm>>
      tpu.wait_dma2 semaphore(%run_scoped3A : memref<!tpu.dma_semaphore, #tpu.memory_space<semaphore_mem>>) src(%arg9 : memref<80x128xf32, #tpu.memory_space<vmem>>) dst(%dma_wait3A_91 : memref<80x128xf32, #tpu.memory_space<hbm>>)
      tpu.yield
    }) : () -> ()
    %mul3A_66 = arith.constant 640 : i32
    %mul3A_67 = arith.muli %arg1, %mul3A_66 : i32
    %add3A_68 = arith.constant 320 : i32
    %add3A_69 = arith.addi %mul3A_67, %add3A_68 : i32
    "tpu.region"() ({
      %run_scoped3A = tpu.sem_alloc : memref<!tpu.dma_semaphore, #tpu.memory_space<semaphore_mem>>
      %dma_start3A = arith.constant 0 : i32
      %dma_start3A_82 = tpu.memref_slice %arg10[%add3A_69, %dma_start3A] : memref<10240x128xf32, #tpu.memory_space<vmem_shared>> -> memref<80x128xf32, #tpu.memory_space<vmem_shared>>
      %dma_start3A_83 = arith.constant 0 : i32
      %dma_start3A_84 = tpu.memref_slice %arg10[%add3A_69, %dma_start3A_83] : memref<10240x128xf32, #tpu.memory_space<vmem_shared>> -> memref<80x128xf32, #tpu.memory_space<vmem_shared>>
      tpu.enqueue_dma source(%dma_start3A_84 : memref<80x128xf32, #tpu.memory_space<vmem_shared>>) target(%arg9 : memref<80x128xf32, #tpu.memory_space<vmem>>) target_semaphore(%run_scoped3A : memref<!tpu.dma_semaphore, #tpu.memory_space<semaphore_mem>>)
      %dma_wait3A = arith.constant 0 : i32
      %dma_wait3A_85 = tpu.memref_slice %arg10[%add3A_69, %dma_wait3A] : memref<10240x128xf32, #tpu.memory_space<vmem_shared>> -> memref<80x128xf32, #tpu.memory_space<vmem_shared>>
      %dma_wait3A_86 = arith.constant 0 : i32
      %dma_wait3A_87 = tpu.memref_slice %arg10[%add3A_69, %dma_wait3A_86] : memref<10240x128xf32, #tpu.memory_space<vmem_shared>> -> memref<80x128xf32, #tpu.memory_space<vmem_shared>>
      tpu.wait_dma2 semaphore(%run_scoped3A : memref<!tpu.dma_semaphore, #tpu.memory_space<semaphore_mem>>) src(%dma_wait3A_87 : memref<80x128xf32, #tpu.memory_space<vmem_shared>>) dst(%arg9 : memref<80x128xf32, #tpu.memory_space<vmem>>)
      tpu.yield
    }) : () -> ()
    "tpu.region"() ({
      %run_scoped3A = tpu.sem_alloc : memref<!tpu.dma_semaphore, #tpu.memory_space<semaphore_mem>>
      %dma_start3A = arith.constant 0 : i32
      %dma_start3A_82 = tpu.memref_slice %arg5[%arg0, %add3A_69, %dma_start3A] : memref<2x10240x128xf32, #tpu.memory_space<hbm>> -> memref<1x80x128xf32, #tpu.memory_space<hbm>>
      %dma_start3A_83 = tpu.memref_squeeze %dma_start3A_82 : memref<1x80x128xf32, #tpu.memory_space<hbm>> -> memref<80x128xf32, #tpu.memory_space<hbm>>
      %dma_start3A_84 = arith.constant 0 : i32
      %dma_start3A_85 = tpu.memref_slice %arg5[%arg0, %add3A_69, %dma_start3A_84] : memref<2x10240x128xf32, #tpu.memory_space<hbm>> -> memref<1x80x128xf32, #tpu.memory_space<hbm>>
      %dma_start3A_86 = tpu.memref_squeeze %dma_start3A_85 : memref<1x80x128xf32, #tpu.memory_space<hbm>> -> memref<80x128xf32, #tpu.memory_space<hbm>>
      tpu.enqueue_dma source(%arg9 : memref<80x128xf32, #tpu.memory_space<vmem>>) target(%dma_start3A_86 : memref<80x128xf32, #tpu.memory_space<hbm>>) target_semaphore(%run_scoped3A : memref<!tpu.dma_semaphore, #tpu.memory_space<semaphore_mem>>)
      %dma_wait3A = arith.constant 0 : i32
      %dma_wait3A_87 = tpu.memref_slice %arg5[%arg0, %add3A_69, %dma_wait3A] : memref<2x10240x128xf32, #tpu.memory_space<hbm>> -> memref<1x80x128xf32, #tpu.memory_space<hbm>>
      %dma_wait3A_88 = tpu.memref_squeeze %dma_wait3A_87 : memref<1x80x128xf32, #tpu.memory_space<hbm>> -> memref<80x128xf32, #tpu.memory_space<hbm>>
      %dma_wait3A_89 = arith.constant 0 : i32
      %dma_wait3A_90 = tpu.memref_slice %arg5[%arg0, %add3A_69, %dma_wait3A_89] : memref<2x10240x128xf32, #tpu.memory_space<hbm>> -> memref<1x80x128xf32, #tpu.memory_space<hbm>>
      %dma_wait3A_91 = tpu.memref_squeeze %dma_wait3A_90 : memref<1x80x128xf32, #tpu.memory_space<hbm>> -> memref<80x128xf32, #tpu.memory_space<hbm>>
      tpu.wait_dma2 semaphore(%run_scoped3A : memref<!tpu.dma_semaphore, #tpu.memory_space<semaphore_mem>>) src(%arg9 : memref<80x128xf32, #tpu.memory_space<vmem>>) dst(%dma_wait3A_91 : memref<80x128xf32, #tpu.memory_space<hbm>>)
      tpu.yield
    }) : () -> ()
    %mul3A_70 = arith.constant 640 : i32
    %mul3A_71 = arith.muli %arg1, %mul3A_70 : i32
    %add3A_72 = arith.constant 400 : i32
    %add3A_73 = arith.addi %mul3A_71, %add3A_72 : i32
    "tpu.region"() ({
      %run_scoped3A = tpu.sem_alloc : memref<!tpu.dma_semaphore, #tpu.memory_space<semaphore_mem>>
      %dma_start3A = arith.constant 0 : i32
      %dma_start3A_82 = tpu.memref_slice %arg10[%add3A_73, %dma_start3A] : memref<10240x128xf32, #tpu.memory_space<vmem_shared>> -> memref<80x128xf32, #tpu.memory_space<vmem_shared>>
      %dma_start3A_83 = arith.constant 0 : i32
      %dma_start3A_84 = tpu.memref_slice %arg10[%add3A_73, %dma_start3A_83] : memref<10240x128xf32, #tpu.memory_space<vmem_shared>> -> memref<80x128xf32, #tpu.memory_space<vmem_shared>>
      tpu.enqueue_dma source(%dma_start3A_84 : memref<80x128xf32, #tpu.memory_space<vmem_shared>>) target(%arg9 : memref<80x128xf32, #tpu.memory_space<vmem>>) target_semaphore(%run_scoped3A : memref<!tpu.dma_semaphore, #tpu.memory_space<semaphore_mem>>)
      %dma_wait3A = arith.constant 0 : i32
      %dma_wait3A_85 = tpu.memref_slice %arg10[%add3A_73, %dma_wait3A] : memref<10240x128xf32, #tpu.memory_space<vmem_shared>> -> memref<80x128xf32, #tpu.memory_space<vmem_shared>>
      %dma_wait3A_86 = arith.constant 0 : i32
      %dma_wait3A_87 = tpu.memref_slice %arg10[%add3A_73, %dma_wait3A_86] : memref<10240x128xf32, #tpu.memory_space<vmem_shared>> -> memref<80x128xf32, #tpu.memory_space<vmem_shared>>
      tpu.wait_dma2 semaphore(%run_scoped3A : memref<!tpu.dma_semaphore, #tpu.memory_space<semaphore_mem>>) src(%dma_wait3A_87 : memref<80x128xf32, #tpu.memory_space<vmem_shared>>) dst(%arg9 : memref<80x128xf32, #tpu.memory_space<vmem>>)
      tpu.yield
    }) : () -> ()
    "tpu.region"() ({
      %run_scoped3A = tpu.sem_alloc : memref<!tpu.dma_semaphore, #tpu.memory_space<semaphore_mem>>
      %dma_start3A = arith.constant 0 : i32
      %dma_start3A_82 = tpu.memref_slice %arg5[%arg0, %add3A_73, %dma_start3A] : memref<2x10240x128xf32, #tpu.memory_space<hbm>> -> memref<1x80x128xf32, #tpu.memory_space<hbm>>
      %dma_start3A_83 = tpu.memref_squeeze %dma_start3A_82 : memref<1x80x128xf32, #tpu.memory_space<hbm>> -> memref<80x128xf32, #tpu.memory_space<hbm>>
      %dma_start3A_84 = arith.constant 0 : i32
      %dma_start3A_85 = tpu.memref_slice %arg5[%arg0, %add3A_73, %dma_start3A_84] : memref<2x10240x128xf32, #tpu.memory_space<hbm>> -> memref<1x80x128xf32, #tpu.memory_space<hbm>>
      %dma_start3A_86 = tpu.memref_squeeze %dma_start3A_85 : memref<1x80x128xf32, #tpu.memory_space<hbm>> -> memref<80x128xf32, #tpu.memory_space<hbm>>
      tpu.enqueue_dma source(%arg9 : memref<80x128xf32, #tpu.memory_space<vmem>>) target(%dma_start3A_86 : memref<80x128xf32, #tpu.memory_space<hbm>>) target_semaphore(%run_scoped3A : memref<!tpu.dma_semaphore, #tpu.memory_space<semaphore_mem>>)
      %dma_wait3A = arith.constant 0 : i32
      %dma_wait3A_87 = tpu.memref_slice %arg5[%arg0, %add3A_73, %dma_wait3A] : memref<2x10240x128xf32, #tpu.memory_space<hbm>> -> memref<1x80x128xf32, #tpu.memory_space<hbm>>
      %dma_wait3A_88 = tpu.memref_squeeze %dma_wait3A_87 : memref<1x80x128xf32, #tpu.memory_space<hbm>> -> memref<80x128xf32, #tpu.memory_space<hbm>>
      %dma_wait3A_89 = arith.constant 0 : i32
      %dma_wait3A_90 = tpu.memref_slice %arg5[%arg0, %add3A_73, %dma_wait3A_89] : memref<2x10240x128xf32, #tpu.memory_space<hbm>> -> memref<1x80x128xf32, #tpu.memory_space<hbm>>
      %dma_wait3A_91 = tpu.memref_squeeze %dma_wait3A_90 : memref<1x80x128xf32, #tpu.memory_space<hbm>> -> memref<80x128xf32, #tpu.memory_space<hbm>>
      tpu.wait_dma2 semaphore(%run_scoped3A : memref<!tpu.dma_semaphore, #tpu.memory_space<semaphore_mem>>) src(%arg9 : memref<80x128xf32, #tpu.memory_space<vmem>>) dst(%dma_wait3A_91 : memref<80x128xf32, #tpu.memory_space<hbm>>)
      tpu.yield
    }) : () -> ()
    %mul3A_74 = arith.constant 640 : i32
    %mul3A_75 = arith.muli %arg1, %mul3A_74 : i32
    %add3A_76 = arith.constant 480 : i32
    %add3A_77 = arith.addi %mul3A_75, %add3A_76 : i32
    "tpu.region"() ({
      %run_scoped3A = tpu.sem_alloc : memref<!tpu.dma_semaphore, #tpu.memory_space<semaphore_mem>>
      %dma_start3A = arith.constant 0 : i32
      %dma_start3A_82 = tpu.memref_slice %arg10[%add3A_77, %dma_start3A] : memref<10240x128xf32, #tpu.memory_space<vmem_shared>> -> memref<80x128xf32, #tpu.memory_space<vmem_shared>>
      %dma_start3A_83 = arith.constant 0 : i32
      %dma_start3A_84 = tpu.memref_slice %arg10[%add3A_77, %dma_start3A_83] : memref<10240x128xf32, #tpu.memory_space<vmem_shared>> -> memref<80x128xf32, #tpu.memory_space<vmem_shared>>
      tpu.enqueue_dma source(%dma_start3A_84 : memref<80x128xf32, #tpu.memory_space<vmem_shared>>) target(%arg9 : memref<80x128xf32, #tpu.memory_space<vmem>>) target_semaphore(%run_scoped3A : memref<!tpu.dma_semaphore, #tpu.memory_space<semaphore_mem>>)
      %dma_wait3A = arith.constant 0 : i32
      %dma_wait3A_85 = tpu.memref_slice %arg10[%add3A_77, %dma_wait3A] : memref<10240x128xf32, #tpu.memory_space<vmem_shared>> -> memref<80x128xf32, #tpu.memory_space<vmem_shared>>
      %dma_wait3A_86 = arith.constant 0 : i32
      %dma_wait3A_87 = tpu.memref_slice %arg10[%add3A_77, %dma_wait3A_86] : memref<10240x128xf32, #tpu.memory_space<vmem_shared>> -> memref<80x128xf32, #tpu.memory_space<vmem_shared>>
      tpu.wait_dma2 semaphore(%run_scoped3A : memref<!tpu.dma_semaphore, #tpu.memory_space<semaphore_mem>>) src(%dma_wait3A_87 : memref<80x128xf32, #tpu.memory_space<vmem_shared>>) dst(%arg9 : memref<80x128xf32, #tpu.memory_space<vmem>>)
      tpu.yield
    }) : () -> ()
    "tpu.region"() ({
      %run_scoped3A = tpu.sem_alloc : memref<!tpu.dma_semaphore, #tpu.memory_space<semaphore_mem>>
      %dma_start3A = arith.constant 0 : i32
      %dma_start3A_82 = tpu.memref_slice %arg5[%arg0, %add3A_77, %dma_start3A] : memref<2x10240x128xf32, #tpu.memory_space<hbm>> -> memref<1x80x128xf32, #tpu.memory_space<hbm>>
      %dma_start3A_83 = tpu.memref_squeeze %dma_start3A_82 : memref<1x80x128xf32, #tpu.memory_space<hbm>> -> memref<80x128xf32, #tpu.memory_space<hbm>>
      %dma_start3A_84 = arith.constant 0 : i32
      %dma_start3A_85 = tpu.memref_slice %arg5[%arg0, %add3A_77, %dma_start3A_84] : memref<2x10240x128xf32, #tpu.memory_space<hbm>> -> memref<1x80x128xf32, #tpu.memory_space<hbm>>
      %dma_start3A_86 = tpu.memref_squeeze %dma_start3A_85 : memref<1x80x128xf32, #tpu.memory_space<hbm>> -> memref<80x128xf32, #tpu.memory_space<hbm>>
      tpu.enqueue_dma source(%arg9 : memref<80x128xf32, #tpu.memory_space<vmem>>) target(%dma_start3A_86 : memref<80x128xf32, #tpu.memory_space<hbm>>) target_semaphore(%run_scoped3A : memref<!tpu.dma_semaphore, #tpu.memory_space<semaphore_mem>>)
      %dma_wait3A = arith.constant 0 : i32
      %dma_wait3A_87 = tpu.memref_slice %arg5[%arg0, %add3A_77, %dma_wait3A] : memref<2x10240x128xf32, #tpu.memory_space<hbm>> -> memref<1x80x128xf32, #tpu.memory_space<hbm>>
      %dma_wait3A_88 = tpu.memref_squeeze %dma_wait3A_87 : memref<1x80x128xf32, #tpu.memory_space<hbm>> -> memref<80x128xf32, #tpu.memory_space<hbm>>
      %dma_wait3A_89 = arith.constant 0 : i32
      %dma_wait3A_90 = tpu.memref_slice %arg5[%arg0, %add3A_77, %dma_wait3A_89] : memref<2x10240x128xf32, #tpu.memory_space<hbm>> -> memref<1x80x128xf32, #tpu.memory_space<hbm>>
      %dma_wait3A_91 = tpu.memref_squeeze %dma_wait3A_90 : memref<1x80x128xf32, #tpu.memory_space<hbm>> -> memref<80x128xf32, #tpu.memory_space<hbm>>
      tpu.wait_dma2 semaphore(%run_scoped3A : memref<!tpu.dma_semaphore, #tpu.memory_space<semaphore_mem>>) src(%arg9 : memref<80x128xf32, #tpu.memory_space<vmem>>) dst(%dma_wait3A_91 : memref<80x128xf32, #tpu.memory_space<hbm>>)
      tpu.yield
    }) : () -> ()
    %mul3A_78 = arith.constant 640 : i32
    %mul3A_79 = arith.muli %arg1, %mul3A_78 : i32
    %add3A_80 = arith.constant 560 : i32
    %add3A_81 = arith.addi %mul3A_79, %add3A_80 : i32
    "tpu.region"() ({
      %run_scoped3A = tpu.sem_alloc : memref<!tpu.dma_semaphore, #tpu.memory_space<semaphore_mem>>
      %dma_start3A = arith.constant 0 : i32
      %dma_start3A_82 = tpu.memref_slice %arg10[%add3A_81, %dma_start3A] : memref<10240x128xf32, #tpu.memory_space<vmem_shared>> -> memref<80x128xf32, #tpu.memory_space<vmem_shared>>
      %dma_start3A_83 = arith.constant 0 : i32
      %dma_start3A_84 = tpu.memref_slice %arg10[%add3A_81, %dma_start3A_83] : memref<10240x128xf32, #tpu.memory_space<vmem_shared>> -> memref<80x128xf32, #tpu.memory_space<vmem_shared>>
      tpu.enqueue_dma source(%dma_start3A_84 : memref<80x128xf32, #tpu.memory_space<vmem_shared>>) target(%arg9 : memref<80x128xf32, #tpu.memory_space<vmem>>) target_semaphore(%run_scoped3A : memref<!tpu.dma_semaphore, #tpu.memory_space<semaphore_mem>>)
      %dma_wait3A = arith.constant 0 : i32
      %dma_wait3A_85 = tpu.memref_slice %arg10[%add3A_81, %dma_wait3A] : memref<10240x128xf32, #tpu.memory_space<vmem_shared>> -> memref<80x128xf32, #tpu.memory_space<vmem_shared>>
      %dma_wait3A_86 = arith.constant 0 : i32
      %dma_wait3A_87 = tpu.memref_slice %arg10[%add3A_81, %dma_wait3A_86] : memref<10240x128xf32, #tpu.memory_space<vmem_shared>> -> memref<80x128xf32, #tpu.memory_space<vmem_shared>>
      tpu.wait_dma2 semaphore(%run_scoped3A : memref<!tpu.dma_semaphore, #tpu.memory_space<semaphore_mem>>) src(%dma_wait3A_87 : memref<80x128xf32, #tpu.memory_space<vmem_shared>>) dst(%arg9 : memref<80x128xf32, #tpu.memory_space<vmem>>)
      tpu.yield
    }) : () -> ()
    "tpu.region"() ({
      %run_scoped3A = tpu.sem_alloc : memref<!tpu.dma_semaphore, #tpu.memory_space<semaphore_mem>>
      %dma_start3A = arith.constant 0 : i32
      %dma_start3A_82 = tpu.memref_slice %arg5[%arg0, %add3A_81, %dma_start3A] : memref<2x10240x128xf32, #tpu.memory_space<hbm>> -> memref<1x80x128xf32, #tpu.memory_space<hbm>>
      %dma_start3A_83 = tpu.memref_squeeze %dma_start3A_82 : memref<1x80x128xf32, #tpu.memory_space<hbm>> -> memref<80x128xf32, #tpu.memory_space<hbm>>
      %dma_start3A_84 = arith.constant 0 : i32
      %dma_start3A_85 = tpu.memref_slice %arg5[%arg0, %add3A_81, %dma_start3A_84] : memref<2x10240x128xf32, #tpu.memory_space<hbm>> -> memref<1x80x128xf32, #tpu.memory_space<hbm>>
      %dma_start3A_86 = tpu.memref_squeeze %dma_start3A_85 : memref<1x80x128xf32, #tpu.memory_space<hbm>> -> memref<80x128xf32, #tpu.memory_space<hbm>>
      tpu.enqueue_dma source(%arg9 : memref<80x128xf32, #tpu.memory_space<vmem>>) target(%dma_start3A_86 : memref<80x128xf32, #tpu.memory_space<hbm>>) target_semaphore(%run_scoped3A : memref<!tpu.dma_semaphore, #tpu.memory_space<semaphore_mem>>)
      %dma_wait3A = arith.constant 0 : i32
      %dma_wait3A_87 = tpu.memref_slice %arg5[%arg0, %add3A_81, %dma_wait3A] : memref<2x10240x128xf32, #tpu.memory_space<hbm>> -> memref<1x80x128xf32, #tpu.memory_space<hbm>>
      %dma_wait3A_88 = tpu.memref_squeeze %dma_wait3A_87 : memref<1x80x128xf32, #tpu.memory_space<hbm>> -> memref<80x128xf32, #tpu.memory_space<hbm>>
      %dma_wait3A_89 = arith.constant 0 : i32
      %dma_wait3A_90 = tpu.memref_slice %arg5[%arg0, %add3A_81, %dma_wait3A_89] : memref<2x10240x128xf32, #tpu.memory_space<hbm>> -> memref<1x80x128xf32, #tpu.memory_space<hbm>>
      %dma_wait3A_91 = tpu.memref_squeeze %dma_wait3A_90 : memref<1x80x128xf32, #tpu.memory_space<hbm>> -> memref<80x128xf32, #tpu.memory_space<hbm>>
      tpu.wait_dma2 semaphore(%run_scoped3A : memref<!tpu.dma_semaphore, #tpu.memory_space<semaphore_mem>>) src(%arg9 : memref<80x128xf32, #tpu.memory_space<vmem>>) dst(%dma_wait3A_91 : memref<80x128xf32, #tpu.memory_space<hbm>>)
      tpu.yield
    }) : () -> ()
    return
  }
}

#map = affine_map<(d0, d1) -> (0, 0)>
#map1 = affine_map<(d0, d1) -> (0)>
#map2 = affine_map<(d0, d1) -> (0, 0, 0)>
module attributes {stable_mosaic.version = 14 : i64} {
  func.func @_prop_body(%arg0: i32, %arg1: i32, %arg2: memref<10240x64xf32, #tpu.memory_space<hbm>>, %arg3: memref<320000xi32, #tpu.memory_space<hbm>>, %arg4: memref<320000xi32, #tpu.memory_space<hbm>>, %arg5: memref<2x10240x64xf32, #tpu.memory_space<hbm>>, %arg6: memref<80xi32, #tpu.memory_space<vmem>>, %arg7: memref<80xi32, #tpu.memory_space<vmem>>, %arg8: memref<80x64xf32, #tpu.memory_space<vmem>>, %arg9: memref<80x64xf32, #tpu.memory_space<vmem>>, %arg10: memref<10240x64xf32, #tpu.memory_space<vmem_shared>>, %arg11: memref<!tpu.dma_semaphore, #tpu.memory_space<semaphore_mem>>) attributes {dimension_semantics = [#tpu.dimension_semantics<core_parallel>, #tpu.dimension_semantics<subcore_parallel>], iteration_bounds = array<i64: 2, 16>, scalar_prefetch = 0 : i64, scratch_operands = 6 : i64, tpu.core_type = #tpu.core_type<sc_vector_subcore>, window_params = [{transform_indices = #map}, {transform_indices = #map1}, {transform_indices = #map1}, {transform_indices = #map2}]} {
    %mul3A = arith.constant 16 : i32
    %mul3A_0 = arith.muli %arg0, %mul3A : i32
    %add3A = arith.addi %mul3A_0, %arg1 : i32
    %iota3A = tpu.iota {dimensions = array<i32: 0>} : vector<16xi32>
    %mul3A_1 = arith.constant 0 : i32
    %mul3A_2 = vector.broadcast %mul3A_1 : i32 to vector<16xi32>
    %mul3A_3 = arith.muli %iota3A, %mul3A_2 : vector<16xi32>
    %convert_element_type3A = arith.sitofp %mul3A_3 : vector<16xi32> to vector<16xf32>
    %scan3A = arith.constant 0 : i32
    %scan3A_4 = arith.constant 0 : i32
    %scan3A_5 = arith.constant 80 : i32
    %scan3A_6 = arith.addi %scan3A_4, %scan3A_5 : i32
    %scan3A_7 = arith.constant 1 : i32
    %scan3A_8 = scf.for %scan3A_82 = %scan3A_4 to %scan3A_6 step %scan3A_7 iter_args(%scan3A_83 = %scan3A) -> (i32)  : i32 {
      %swap3A = arith.index_cast %scan3A_82 : i32 to index
      %swap3A_84 = arith.constant 0 : index
      %swap3A_85 = tpu.vector_load %arg9[%swap3A, %swap3A_84] {strides = array<i32>} : memref<80x64xf32, #tpu.memory_space<vmem>>, vector<16xf32>,
      tpu.vector_store %arg9[%swap3A, %swap3A_84], %convert_element_type3A {strides = array<i32>} : memref<80x64xf32, #tpu.memory_space<vmem>>, vector<16xf32>,
      %swap3A_86 = arith.index_cast %scan3A_82 : i32 to index
      %swap3A_87 = arith.constant 16 : index
      %swap3A_88 = tpu.vector_load %arg9[%swap3A_86, %swap3A_87] {strides = array<i32>} : memref<80x64xf32, #tpu.memory_space<vmem>>, vector<16xf32>,
      tpu.vector_store %arg9[%swap3A_86, %swap3A_87], %convert_element_type3A {strides = array<i32>} : memref<80x64xf32, #tpu.memory_space<vmem>>, vector<16xf32>,
      %swap3A_89 = arith.index_cast %scan3A_82 : i32 to index
      %swap3A_90 = arith.constant 32 : index
      %swap3A_91 = tpu.vector_load %arg9[%swap3A_89, %swap3A_90] {strides = array<i32>} : memref<80x64xf32, #tpu.memory_space<vmem>>, vector<16xf32>,
      tpu.vector_store %arg9[%swap3A_89, %swap3A_90], %convert_element_type3A {strides = array<i32>} : memref<80x64xf32, #tpu.memory_space<vmem>>, vector<16xf32>,
      %swap3A_92 = arith.index_cast %scan3A_82 : i32 to index
      %swap3A_93 = arith.constant 48 : index
      %swap3A_94 = tpu.vector_load %arg9[%swap3A_92, %swap3A_93] {strides = array<i32>} : memref<80x64xf32, #tpu.memory_space<vmem>>, vector<16xf32>,
      tpu.vector_store %arg9[%swap3A_92, %swap3A_93], %convert_element_type3A {strides = array<i32>} : memref<80x64xf32, #tpu.memory_space<vmem>>, vector<16xf32>,
      %scan3A_95 = arith.constant 0 : i32
      scf.yield %scan3A_95 : i32
    }
    %scan3A_9 = arith.constant 80 : i32
    %mul3A_10 = arith.constant 640 : i32
    %mul3A_11 = arith.muli %arg1, %mul3A_10 : i32
    %add3A_12 = arith.constant 0 : i32
    %add3A_13 = arith.addi %mul3A_11, %add3A_12 : i32
    "tpu.region"() ({
      %run_scoped3A = tpu.sem_alloc : memref<!tpu.dma_semaphore, #tpu.memory_space<semaphore_mem>>
      %dma_start3A = arith.constant 0 : i32
      %dma_start3A_82 = tpu.memref_slice %arg10[%add3A_13, %dma_start3A] : memref<10240x64xf32, #tpu.memory_space<vmem_shared>> -> memref<80x64xf32, #tpu.memory_space<vmem_shared>>
      %dma_start3A_83 = arith.constant 0 : i32
      %dma_start3A_84 = tpu.memref_slice %arg10[%add3A_13, %dma_start3A_83] : memref<10240x64xf32, #tpu.memory_space<vmem_shared>> -> memref<80x64xf32, #tpu.memory_space<vmem_shared>>
      tpu.enqueue_dma source(%arg9 : memref<80x64xf32, #tpu.memory_space<vmem>>) target(%dma_start3A_84 : memref<80x64xf32, #tpu.memory_space<vmem_shared>>) target_semaphore(%run_scoped3A : memref<!tpu.dma_semaphore, #tpu.memory_space<semaphore_mem>>)
      %dma_wait3A = arith.constant 0 : i32
      %dma_wait3A_85 = tpu.memref_slice %arg10[%add3A_13, %dma_wait3A] : memref<10240x64xf32, #tpu.memory_space<vmem_shared>> -> memref<80x64xf32, #tpu.memory_space<vmem_shared>>
      %dma_wait3A_86 = arith.constant 0 : i32
      %dma_wait3A_87 = tpu.memref_slice %arg10[%add3A_13, %dma_wait3A_86] : memref<10240x64xf32, #tpu.memory_space<vmem_shared>> -> memref<80x64xf32, #tpu.memory_space<vmem_shared>>
      tpu.wait_dma2 semaphore(%run_scoped3A : memref<!tpu.dma_semaphore, #tpu.memory_space<semaphore_mem>>) src(%arg9 : memref<80x64xf32, #tpu.memory_space<vmem>>) dst(%dma_wait3A_87 : memref<80x64xf32, #tpu.memory_space<vmem_shared>>)
      tpu.yield
    }) : () -> ()
    %mul3A_14 = arith.constant 640 : i32
    %mul3A_15 = arith.muli %arg1, %mul3A_14 : i32
    %add3A_16 = arith.constant 80 : i32
    %add3A_17 = arith.addi %mul3A_15, %add3A_16 : i32
    "tpu.region"() ({
      %run_scoped3A = tpu.sem_alloc : memref<!tpu.dma_semaphore, #tpu.memory_space<semaphore_mem>>
      %dma_start3A = arith.constant 0 : i32
      %dma_start3A_82 = tpu.memref_slice %arg10[%add3A_17, %dma_start3A] : memref<10240x64xf32, #tpu.memory_space<vmem_shared>> -> memref<80x64xf32, #tpu.memory_space<vmem_shared>>
      %dma_start3A_83 = arith.constant 0 : i32
      %dma_start3A_84 = tpu.memref_slice %arg10[%add3A_17, %dma_start3A_83] : memref<10240x64xf32, #tpu.memory_space<vmem_shared>> -> memref<80x64xf32, #tpu.memory_space<vmem_shared>>
      tpu.enqueue_dma source(%arg9 : memref<80x64xf32, #tpu.memory_space<vmem>>) target(%dma_start3A_84 : memref<80x64xf32, #tpu.memory_space<vmem_shared>>) target_semaphore(%run_scoped3A : memref<!tpu.dma_semaphore, #tpu.memory_space<semaphore_mem>>)
      %dma_wait3A = arith.constant 0 : i32
      %dma_wait3A_85 = tpu.memref_slice %arg10[%add3A_17, %dma_wait3A] : memref<10240x64xf32, #tpu.memory_space<vmem_shared>> -> memref<80x64xf32, #tpu.memory_space<vmem_shared>>
      %dma_wait3A_86 = arith.constant 0 : i32
      %dma_wait3A_87 = tpu.memref_slice %arg10[%add3A_17, %dma_wait3A_86] : memref<10240x64xf32, #tpu.memory_space<vmem_shared>> -> memref<80x64xf32, #tpu.memory_space<vmem_shared>>
      tpu.wait_dma2 semaphore(%run_scoped3A : memref<!tpu.dma_semaphore, #tpu.memory_space<semaphore_mem>>) src(%arg9 : memref<80x64xf32, #tpu.memory_space<vmem>>) dst(%dma_wait3A_87 : memref<80x64xf32, #tpu.memory_space<vmem_shared>>)
      tpu.yield
    }) : () -> ()
    %mul3A_18 = arith.constant 640 : i32
    %mul3A_19 = arith.muli %arg1, %mul3A_18 : i32
    %add3A_20 = arith.constant 160 : i32
    %add3A_21 = arith.addi %mul3A_19, %add3A_20 : i32
    "tpu.region"() ({
      %run_scoped3A = tpu.sem_alloc : memref<!tpu.dma_semaphore, #tpu.memory_space<semaphore_mem>>
      %dma_start3A = arith.constant 0 : i32
      %dma_start3A_82 = tpu.memref_slice %arg10[%add3A_21, %dma_start3A] : memref<10240x64xf32, #tpu.memory_space<vmem_shared>> -> memref<80x64xf32, #tpu.memory_space<vmem_shared>>
      %dma_start3A_83 = arith.constant 0 : i32
      %dma_start3A_84 = tpu.memref_slice %arg10[%add3A_21, %dma_start3A_83] : memref<10240x64xf32, #tpu.memory_space<vmem_shared>> -> memref<80x64xf32, #tpu.memory_space<vmem_shared>>
      tpu.enqueue_dma source(%arg9 : memref<80x64xf32, #tpu.memory_space<vmem>>) target(%dma_start3A_84 : memref<80x64xf32, #tpu.memory_space<vmem_shared>>) target_semaphore(%run_scoped3A : memref<!tpu.dma_semaphore, #tpu.memory_space<semaphore_mem>>)
      %dma_wait3A = arith.constant 0 : i32
      %dma_wait3A_85 = tpu.memref_slice %arg10[%add3A_21, %dma_wait3A] : memref<10240x64xf32, #tpu.memory_space<vmem_shared>> -> memref<80x64xf32, #tpu.memory_space<vmem_shared>>
      %dma_wait3A_86 = arith.constant 0 : i32
      %dma_wait3A_87 = tpu.memref_slice %arg10[%add3A_21, %dma_wait3A_86] : memref<10240x64xf32, #tpu.memory_space<vmem_shared>> -> memref<80x64xf32, #tpu.memory_space<vmem_shared>>
      tpu.wait_dma2 semaphore(%run_scoped3A : memref<!tpu.dma_semaphore, #tpu.memory_space<semaphore_mem>>) src(%arg9 : memref<80x64xf32, #tpu.memory_space<vmem>>) dst(%dma_wait3A_87 : memref<80x64xf32, #tpu.memory_space<vmem_shared>>)
      tpu.yield
    }) : () -> ()
    %mul3A_22 = arith.constant 640 : i32
    %mul3A_23 = arith.muli %arg1, %mul3A_22 : i32
    %add3A_24 = arith.constant 240 : i32
    %add3A_25 = arith.addi %mul3A_23, %add3A_24 : i32
    "tpu.region"() ({
      %run_scoped3A = tpu.sem_alloc : memref<!tpu.dma_semaphore, #tpu.memory_space<semaphore_mem>>
      %dma_start3A = arith.constant 0 : i32
      %dma_start3A_82 = tpu.memref_slice %arg10[%add3A_25, %dma_start3A] : memref<10240x64xf32, #tpu.memory_space<vmem_shared>> -> memref<80x64xf32, #tpu.memory_space<vmem_shared>>
      %dma_start3A_83 = arith.constant 0 : i32
      %dma_start3A_84 = tpu.memref_slice %arg10[%add3A_25, %dma_start3A_83] : memref<10240x64xf32, #tpu.memory_space<vmem_shared>> -> memref<80x64xf32, #tpu.memory_space<vmem_shared>>
      tpu.enqueue_dma source(%arg9 : memref<80x64xf32, #tpu.memory_space<vmem>>) target(%dma_start3A_84 : memref<80x64xf32, #tpu.memory_space<vmem_shared>>) target_semaphore(%run_scoped3A : memref<!tpu.dma_semaphore, #tpu.memory_space<semaphore_mem>>)
      %dma_wait3A = arith.constant 0 : i32
      %dma_wait3A_85 = tpu.memref_slice %arg10[%add3A_25, %dma_wait3A] : memref<10240x64xf32, #tpu.memory_space<vmem_shared>> -> memref<80x64xf32, #tpu.memory_space<vmem_shared>>
      %dma_wait3A_86 = arith.constant 0 : i32
      %dma_wait3A_87 = tpu.memref_slice %arg10[%add3A_25, %dma_wait3A_86] : memref<10240x64xf32, #tpu.memory_space<vmem_shared>> -> memref<80x64xf32, #tpu.memory_space<vmem_shared>>
      tpu.wait_dma2 semaphore(%run_scoped3A : memref<!tpu.dma_semaphore, #tpu.memory_space<semaphore_mem>>) src(%arg9 : memref<80x64xf32, #tpu.memory_space<vmem>>) dst(%dma_wait3A_87 : memref<80x64xf32, #tpu.memory_space<vmem_shared>>)
      tpu.yield
    }) : () -> ()
    %mul3A_26 = arith.constant 640 : i32
    %mul3A_27 = arith.muli %arg1, %mul3A_26 : i32
    %add3A_28 = arith.constant 320 : i32
    %add3A_29 = arith.addi %mul3A_27, %add3A_28 : i32
    "tpu.region"() ({
      %run_scoped3A = tpu.sem_alloc : memref<!tpu.dma_semaphore, #tpu.memory_space<semaphore_mem>>
      %dma_start3A = arith.constant 0 : i32
      %dma_start3A_82 = tpu.memref_slice %arg10[%add3A_29, %dma_start3A] : memref<10240x64xf32, #tpu.memory_space<vmem_shared>> -> memref<80x64xf32, #tpu.memory_space<vmem_shared>>
      %dma_start3A_83 = arith.constant 0 : i32
      %dma_start3A_84 = tpu.memref_slice %arg10[%add3A_29, %dma_start3A_83] : memref<10240x64xf32, #tpu.memory_space<vmem_shared>> -> memref<80x64xf32, #tpu.memory_space<vmem_shared>>
      tpu.enqueue_dma source(%arg9 : memref<80x64xf32, #tpu.memory_space<vmem>>) target(%dma_start3A_84 : memref<80x64xf32, #tpu.memory_space<vmem_shared>>) target_semaphore(%run_scoped3A : memref<!tpu.dma_semaphore, #tpu.memory_space<semaphore_mem>>)
      %dma_wait3A = arith.constant 0 : i32
      %dma_wait3A_85 = tpu.memref_slice %arg10[%add3A_29, %dma_wait3A] : memref<10240x64xf32, #tpu.memory_space<vmem_shared>> -> memref<80x64xf32, #tpu.memory_space<vmem_shared>>
      %dma_wait3A_86 = arith.constant 0 : i32
      %dma_wait3A_87 = tpu.memref_slice %arg10[%add3A_29, %dma_wait3A_86] : memref<10240x64xf32, #tpu.memory_space<vmem_shared>> -> memref<80x64xf32, #tpu.memory_space<vmem_shared>>
      tpu.wait_dma2 semaphore(%run_scoped3A : memref<!tpu.dma_semaphore, #tpu.memory_space<semaphore_mem>>) src(%arg9 : memref<80x64xf32, #tpu.memory_space<vmem>>) dst(%dma_wait3A_87 : memref<80x64xf32, #tpu.memory_space<vmem_shared>>)
      tpu.yield
    }) : () -> ()
    %mul3A_30 = arith.constant 640 : i32
    %mul3A_31 = arith.muli %arg1, %mul3A_30 : i32
    %add3A_32 = arith.constant 400 : i32
    %add3A_33 = arith.addi %mul3A_31, %add3A_32 : i32
    "tpu.region"() ({
      %run_scoped3A = tpu.sem_alloc : memref<!tpu.dma_semaphore, #tpu.memory_space<semaphore_mem>>
      %dma_start3A = arith.constant 0 : i32
      %dma_start3A_82 = tpu.memref_slice %arg10[%add3A_33, %dma_start3A] : memref<10240x64xf32, #tpu.memory_space<vmem_shared>> -> memref<80x64xf32, #tpu.memory_space<vmem_shared>>
      %dma_start3A_83 = arith.constant 0 : i32
      %dma_start3A_84 = tpu.memref_slice %arg10[%add3A_33, %dma_start3A_83] : memref<10240x64xf32, #tpu.memory_space<vmem_shared>> -> memref<80x64xf32, #tpu.memory_space<vmem_shared>>
      tpu.enqueue_dma source(%arg9 : memref<80x64xf32, #tpu.memory_space<vmem>>) target(%dma_start3A_84 : memref<80x64xf32, #tpu.memory_space<vmem_shared>>) target_semaphore(%run_scoped3A : memref<!tpu.dma_semaphore, #tpu.memory_space<semaphore_mem>>)
      %dma_wait3A = arith.constant 0 : i32
      %dma_wait3A_85 = tpu.memref_slice %arg10[%add3A_33, %dma_wait3A] : memref<10240x64xf32, #tpu.memory_space<vmem_shared>> -> memref<80x64xf32, #tpu.memory_space<vmem_shared>>
      %dma_wait3A_86 = arith.constant 0 : i32
      %dma_wait3A_87 = tpu.memref_slice %arg10[%add3A_33, %dma_wait3A_86] : memref<10240x64xf32, #tpu.memory_space<vmem_shared>> -> memref<80x64xf32, #tpu.memory_space<vmem_shared>>
      tpu.wait_dma2 semaphore(%run_scoped3A : memref<!tpu.dma_semaphore, #tpu.memory_space<semaphore_mem>>) src(%arg9 : memref<80x64xf32, #tpu.memory_space<vmem>>) dst(%dma_wait3A_87 : memref<80x64xf32, #tpu.memory_space<vmem_shared>>)
      tpu.yield
    }) : () -> ()
    %mul3A_34 = arith.constant 640 : i32
    %mul3A_35 = arith.muli %arg1, %mul3A_34 : i32
    %add3A_36 = arith.constant 480 : i32
    %add3A_37 = arith.addi %mul3A_35, %add3A_36 : i32
    "tpu.region"() ({
      %run_scoped3A = tpu.sem_alloc : memref<!tpu.dma_semaphore, #tpu.memory_space<semaphore_mem>>
      %dma_start3A = arith.constant 0 : i32
      %dma_start3A_82 = tpu.memref_slice %arg10[%add3A_37, %dma_start3A] : memref<10240x64xf32, #tpu.memory_space<vmem_shared>> -> memref<80x64xf32, #tpu.memory_space<vmem_shared>>
      %dma_start3A_83 = arith.constant 0 : i32
      %dma_start3A_84 = tpu.memref_slice %arg10[%add3A_37, %dma_start3A_83] : memref<10240x64xf32, #tpu.memory_space<vmem_shared>> -> memref<80x64xf32, #tpu.memory_space<vmem_shared>>
      tpu.enqueue_dma source(%arg9 : memref<80x64xf32, #tpu.memory_space<vmem>>) target(%dma_start3A_84 : memref<80x64xf32, #tpu.memory_space<vmem_shared>>) target_semaphore(%run_scoped3A : memref<!tpu.dma_semaphore, #tpu.memory_space<semaphore_mem>>)
      %dma_wait3A = arith.constant 0 : i32
      %dma_wait3A_85 = tpu.memref_slice %arg10[%add3A_37, %dma_wait3A] : memref<10240x64xf32, #tpu.memory_space<vmem_shared>> -> memref<80x64xf32, #tpu.memory_space<vmem_shared>>
      %dma_wait3A_86 = arith.constant 0 : i32
      %dma_wait3A_87 = tpu.memref_slice %arg10[%add3A_37, %dma_wait3A_86] : memref<10240x64xf32, #tpu.memory_space<vmem_shared>> -> memref<80x64xf32, #tpu.memory_space<vmem_shared>>
      tpu.wait_dma2 semaphore(%run_scoped3A : memref<!tpu.dma_semaphore, #tpu.memory_space<semaphore_mem>>) src(%arg9 : memref<80x64xf32, #tpu.memory_space<vmem>>) dst(%dma_wait3A_87 : memref<80x64xf32, #tpu.memory_space<vmem_shared>>)
      tpu.yield
    }) : () -> ()
    %mul3A_38 = arith.constant 640 : i32
    %mul3A_39 = arith.muli %arg1, %mul3A_38 : i32
    %add3A_40 = arith.constant 560 : i32
    %add3A_41 = arith.addi %mul3A_39, %add3A_40 : i32
    "tpu.region"() ({
      %run_scoped3A = tpu.sem_alloc : memref<!tpu.dma_semaphore, #tpu.memory_space<semaphore_mem>>
      %dma_start3A = arith.constant 0 : i32
      %dma_start3A_82 = tpu.memref_slice %arg10[%add3A_41, %dma_start3A] : memref<10240x64xf32, #tpu.memory_space<vmem_shared>> -> memref<80x64xf32, #tpu.memory_space<vmem_shared>>
      %dma_start3A_83 = arith.constant 0 : i32
      %dma_start3A_84 = tpu.memref_slice %arg10[%add3A_41, %dma_start3A_83] : memref<10240x64xf32, #tpu.memory_space<vmem_shared>> -> memref<80x64xf32, #tpu.memory_space<vmem_shared>>
      tpu.enqueue_dma source(%arg9 : memref<80x64xf32, #tpu.memory_space<vmem>>) target(%dma_start3A_84 : memref<80x64xf32, #tpu.memory_space<vmem_shared>>) target_semaphore(%run_scoped3A : memref<!tpu.dma_semaphore, #tpu.memory_space<semaphore_mem>>)
      %dma_wait3A = arith.constant 0 : i32
      %dma_wait3A_85 = tpu.memref_slice %arg10[%add3A_41, %dma_wait3A] : memref<10240x64xf32, #tpu.memory_space<vmem_shared>> -> memref<80x64xf32, #tpu.memory_space<vmem_shared>>
      %dma_wait3A_86 = arith.constant 0 : i32
      %dma_wait3A_87 = tpu.memref_slice %arg10[%add3A_41, %dma_wait3A_86] : memref<10240x64xf32, #tpu.memory_space<vmem_shared>> -> memref<80x64xf32, #tpu.memory_space<vmem_shared>>
      tpu.wait_dma2 semaphore(%run_scoped3A : memref<!tpu.dma_semaphore, #tpu.memory_space<semaphore_mem>>) src(%arg9 : memref<80x64xf32, #tpu.memory_space<vmem>>) dst(%dma_wait3A_87 : memref<80x64xf32, #tpu.memory_space<vmem_shared>>)
      tpu.yield
    }) : () -> ()
    %barrier3A = arith.constant 0 : index
    tpu.barrier barrier_id(%barrier3A)
    %scan3A_42 = arith.constant 0 : i32
    %scan3A_43 = arith.constant 0 : i32
    %scan3A_44 = arith.constant 125 : i32
    %scan3A_45 = arith.addi %scan3A_43, %scan3A_44 : i32
    %scan3A_46 = arith.constant 1 : i32
    %scan3A_47 = scf.for %scan3A_82 = %scan3A_43 to %scan3A_45 step %scan3A_46 iter_args(%scan3A_83 = %scan3A_42) -> (i32)  : i32 {
      %mul3A_84 = arith.constant 10000 : i32
      %mul3A_85 = arith.muli %add3A, %mul3A_84 : i32
      %mul3A_86 = arith.constant 80 : i32
      %mul3A_87 = arith.muli %scan3A_82, %mul3A_86 : i32
      %add3A_88 = arith.addi %mul3A_85, %mul3A_87 : i32
      "tpu.region"() ({
        %run_scoped3A = tpu.sem_alloc : memref<!tpu.dma_semaphore, #tpu.memory_space<semaphore_mem>>
        %dma_start3A_94 = tpu.memref_slice %arg3[%add3A_88] : memref<320000xi32, #tpu.memory_space<hbm>> -> memref<80xi32, #tpu.memory_space<hbm>>
        %dma_start3A_95 = tpu.memref_slice %arg3[%add3A_88] : memref<320000xi32, #tpu.memory_space<hbm>> -> memref<80xi32, #tpu.memory_space<hbm>>
        tpu.enqueue_dma source(%dma_start3A_95 : memref<80xi32, #tpu.memory_space<hbm>>) target(%arg6 : memref<80xi32, #tpu.memory_space<vmem>>) target_semaphore(%run_scoped3A : memref<!tpu.dma_semaphore, #tpu.memory_space<semaphore_mem>>)
        %dma_wait3A_96 = tpu.memref_slice %arg3[%add3A_88] : memref<320000xi32, #tpu.memory_space<hbm>> -> memref<80xi32, #tpu.memory_space<hbm>>
        %dma_wait3A_97 = tpu.memref_slice %arg3[%add3A_88] : memref<320000xi32, #tpu.memory_space<hbm>> -> memref<80xi32, #tpu.memory_space<hbm>>
        tpu.wait_dma2 semaphore(%run_scoped3A : memref<!tpu.dma_semaphore, #tpu.memory_space<semaphore_mem>>) src(%dma_wait3A_97 : memref<80xi32, #tpu.memory_space<hbm>>) dst(%arg6 : memref<80xi32, #tpu.memory_space<vmem>>)
        tpu.yield
      }) : () -> ()
      "tpu.region"() ({
        %run_scoped3A = tpu.sem_alloc : memref<!tpu.dma_semaphore, #tpu.memory_space<semaphore_mem>>
        %dma_start3A_94 = tpu.memref_slice %arg4[%add3A_88] : memref<320000xi32, #tpu.memory_space<hbm>> -> memref<80xi32, #tpu.memory_space<hbm>>
        %dma_start3A_95 = tpu.memref_slice %arg4[%add3A_88] : memref<320000xi32, #tpu.memory_space<hbm>> -> memref<80xi32, #tpu.memory_space<hbm>>
        tpu.enqueue_dma source(%dma_start3A_95 : memref<80xi32, #tpu.memory_space<hbm>>) target(%arg7 : memref<80xi32, #tpu.memory_space<vmem>>) target_semaphore(%run_scoped3A : memref<!tpu.dma_semaphore, #tpu.memory_space<semaphore_mem>>)
        %dma_wait3A_96 = tpu.memref_slice %arg4[%add3A_88] : memref<320000xi32, #tpu.memory_space<hbm>> -> memref<80xi32, #tpu.memory_space<hbm>>
        %dma_wait3A_97 = tpu.memref_slice %arg4[%add3A_88] : memref<320000xi32, #tpu.memory_space<hbm>> -> memref<80xi32, #tpu.memory_space<hbm>>
        tpu.wait_dma2 semaphore(%run_scoped3A : memref<!tpu.dma_semaphore, #tpu.memory_space<semaphore_mem>>) src(%dma_wait3A_97 : memref<80xi32, #tpu.memory_space<hbm>>) dst(%arg7 : memref<80xi32, #tpu.memory_space<vmem>>)
        tpu.yield
      }) : () -> ()
      %dma_start3A = arith.constant 0 : i32
      %dma_start3A_89 = arith.constant 0 : i32
      %dma_start3A_90 = tpu.memref_slice %arg2[%dma_start3A, %dma_start3A_89] : memref<10240x64xf32, #tpu.memory_space<hbm>> -> memref<10240x64xf32, #tpu.memory_space<hbm>>
      tpu.enqueue_indirect_dma source(%dma_start3A_90 : memref<10240x64xf32, #tpu.memory_space<hbm>>) target(%arg8 : memref<80x64xf32, #tpu.memory_space<vmem>>) offsets(%arg6 : memref<80xi32, #tpu.memory_space<vmem>>) semaphore(%arg11 : memref<!tpu.dma_semaphore, #tpu.memory_space<semaphore_mem>>)
      %dma_wait3A = arith.constant 0 : i32
      %dma_wait3A_91 = arith.constant 0 : i32
      %dma_wait3A_92 = tpu.memref_slice %arg2[%dma_wait3A, %dma_wait3A_91] : memref<10240x64xf32, #tpu.memory_space<hbm>> -> memref<10240x64xf32, #tpu.memory_space<hbm>>
      tpu.wait_indirect_dma semaphore(%arg11 : memref<!tpu.dma_semaphore, #tpu.memory_space<semaphore_mem>>) src(%dma_wait3A_92 : memref<10240x64xf32, #tpu.memory_space<hbm>>) dst(%arg8 : memref<80x64xf32, #tpu.memory_space<vmem>>)
      "tpu.region"() ({
        %run_scoped3A = tpu.sem_alloc : memref<!tpu.dma_semaphore, #tpu.memory_space<semaphore_mem>>
        %dma_start3A_94 = arith.constant 0 : i32
        %dma_start3A_95 = arith.constant 0 : i32
        %dma_start3A_96 = tpu.memref_slice %arg10[%dma_start3A_94, %dma_start3A_95] : memref<10240x64xf32, #tpu.memory_space<vmem_shared>> -> memref<10240x64xf32, #tpu.memory_space<vmem_shared>>
        tpu.enqueue_indirect_dma source(%arg8 : memref<80x64xf32, #tpu.memory_space<vmem>>) target(%dma_start3A_96 : memref<10240x64xf32, #tpu.memory_space<vmem_shared>>) offsets(%arg7 : memref<80xi32, #tpu.memory_space<vmem>>) semaphore(%run_scoped3A : memref<!tpu.dma_semaphore, #tpu.memory_space<semaphore_mem>>) {add = true}
        %dma_wait3A_97 = arith.constant 0 : i32
        %dma_wait3A_98 = arith.constant 0 : i32
        %dma_wait3A_99 = tpu.memref_slice %arg10[%dma_wait3A_97, %dma_wait3A_98] : memref<10240x64xf32, #tpu.memory_space<vmem_shared>> -> memref<10240x64xf32, #tpu.memory_space<vmem_shared>>
        tpu.wait_indirect_dma semaphore(%run_scoped3A : memref<!tpu.dma_semaphore, #tpu.memory_space<semaphore_mem>>) src(%arg8 : memref<80x64xf32, #tpu.memory_space<vmem>>) dst(%dma_wait3A_99 : memref<10240x64xf32, #tpu.memory_space<vmem_shared>>)
        tpu.yield
      }) : () -> ()
      %scan3A_93 = arith.constant 0 : i32
      scf.yield %scan3A_93 : i32
    }
    %scan3A_48 = arith.constant 125 : i32
    %barrier3A_49 = arith.constant 0 : index
    tpu.barrier barrier_id(%barrier3A_49)
    %mul3A_50 = arith.constant 640 : i32
    %mul3A_51 = arith.muli %arg1, %mul3A_50 : i32
    %add3A_52 = arith.constant 0 : i32
    %add3A_53 = arith.addi %mul3A_51, %add3A_52 : i32
    "tpu.region"() ({
      %run_scoped3A = tpu.sem_alloc : memref<!tpu.dma_semaphore, #tpu.memory_space<semaphore_mem>>
      %dma_start3A = arith.constant 0 : i32
      %dma_start3A_82 = tpu.memref_slice %arg10[%add3A_53, %dma_start3A] : memref<10240x64xf32, #tpu.memory_space<vmem_shared>> -> memref<80x64xf32, #tpu.memory_space<vmem_shared>>
      %dma_start3A_83 = arith.constant 0 : i32
      %dma_start3A_84 = tpu.memref_slice %arg10[%add3A_53, %dma_start3A_83] : memref<10240x64xf32, #tpu.memory_space<vmem_shared>> -> memref<80x64xf32, #tpu.memory_space<vmem_shared>>
      tpu.enqueue_dma source(%dma_start3A_84 : memref<80x64xf32, #tpu.memory_space<vmem_shared>>) target(%arg9 : memref<80x64xf32, #tpu.memory_space<vmem>>) target_semaphore(%run_scoped3A : memref<!tpu.dma_semaphore, #tpu.memory_space<semaphore_mem>>)
      %dma_wait3A = arith.constant 0 : i32
      %dma_wait3A_85 = tpu.memref_slice %arg10[%add3A_53, %dma_wait3A] : memref<10240x64xf32, #tpu.memory_space<vmem_shared>> -> memref<80x64xf32, #tpu.memory_space<vmem_shared>>
      %dma_wait3A_86 = arith.constant 0 : i32
      %dma_wait3A_87 = tpu.memref_slice %arg10[%add3A_53, %dma_wait3A_86] : memref<10240x64xf32, #tpu.memory_space<vmem_shared>> -> memref<80x64xf32, #tpu.memory_space<vmem_shared>>
      tpu.wait_dma2 semaphore(%run_scoped3A : memref<!tpu.dma_semaphore, #tpu.memory_space<semaphore_mem>>) src(%dma_wait3A_87 : memref<80x64xf32, #tpu.memory_space<vmem_shared>>) dst(%arg9 : memref<80x64xf32, #tpu.memory_space<vmem>>)
      tpu.yield
    }) : () -> ()
    "tpu.region"() ({
      %run_scoped3A = tpu.sem_alloc : memref<!tpu.dma_semaphore, #tpu.memory_space<semaphore_mem>>
      %dma_start3A = arith.constant 0 : i32
      %dma_start3A_82 = tpu.memref_slice %arg5[%arg0, %add3A_53, %dma_start3A] : memref<2x10240x64xf32, #tpu.memory_space<hbm>> -> memref<1x80x64xf32, #tpu.memory_space<hbm>>
      %dma_start3A_83 = tpu.memref_squeeze %dma_start3A_82 : memref<1x80x64xf32, #tpu.memory_space<hbm>> -> memref<80x64xf32, #tpu.memory_space<hbm>>
      %dma_start3A_84 = arith.constant 0 : i32
      %dma_start3A_85 = tpu.memref_slice %arg5[%arg0, %add3A_53, %dma_start3A_84] : memref<2x10240x64xf32, #tpu.memory_space<hbm>> -> memref<1x80x64xf32, #tpu.memory_space<hbm>>
      %dma_start3A_86 = tpu.memref_squeeze %dma_start3A_85 : memref<1x80x64xf32, #tpu.memory_space<hbm>> -> memref<80x64xf32, #tpu.memory_space<hbm>>
      tpu.enqueue_dma source(%arg9 : memref<80x64xf32, #tpu.memory_space<vmem>>) target(%dma_start3A_86 : memref<80x64xf32, #tpu.memory_space<hbm>>) target_semaphore(%run_scoped3A : memref<!tpu.dma_semaphore, #tpu.memory_space<semaphore_mem>>)
      %dma_wait3A = arith.constant 0 : i32
      %dma_wait3A_87 = tpu.memref_slice %arg5[%arg0, %add3A_53, %dma_wait3A] : memref<2x10240x64xf32, #tpu.memory_space<hbm>> -> memref<1x80x64xf32, #tpu.memory_space<hbm>>
      %dma_wait3A_88 = tpu.memref_squeeze %dma_wait3A_87 : memref<1x80x64xf32, #tpu.memory_space<hbm>> -> memref<80x64xf32, #tpu.memory_space<hbm>>
      %dma_wait3A_89 = arith.constant 0 : i32
      %dma_wait3A_90 = tpu.memref_slice %arg5[%arg0, %add3A_53, %dma_wait3A_89] : memref<2x10240x64xf32, #tpu.memory_space<hbm>> -> memref<1x80x64xf32, #tpu.memory_space<hbm>>
      %dma_wait3A_91 = tpu.memref_squeeze %dma_wait3A_90 : memref<1x80x64xf32, #tpu.memory_space<hbm>> -> memref<80x64xf32, #tpu.memory_space<hbm>>
      tpu.wait_dma2 semaphore(%run_scoped3A : memref<!tpu.dma_semaphore, #tpu.memory_space<semaphore_mem>>) src(%arg9 : memref<80x64xf32, #tpu.memory_space<vmem>>) dst(%dma_wait3A_91 : memref<80x64xf32, #tpu.memory_space<hbm>>)
      tpu.yield
    }) : () -> ()
    %mul3A_54 = arith.constant 640 : i32
    %mul3A_55 = arith.muli %arg1, %mul3A_54 : i32
    %add3A_56 = arith.constant 80 : i32
    %add3A_57 = arith.addi %mul3A_55, %add3A_56 : i32
    "tpu.region"() ({
      %run_scoped3A = tpu.sem_alloc : memref<!tpu.dma_semaphore, #tpu.memory_space<semaphore_mem>>
      %dma_start3A = arith.constant 0 : i32
      %dma_start3A_82 = tpu.memref_slice %arg10[%add3A_57, %dma_start3A] : memref<10240x64xf32, #tpu.memory_space<vmem_shared>> -> memref<80x64xf32, #tpu.memory_space<vmem_shared>>
      %dma_start3A_83 = arith.constant 0 : i32
      %dma_start3A_84 = tpu.memref_slice %arg10[%add3A_57, %dma_start3A_83] : memref<10240x64xf32, #tpu.memory_space<vmem_shared>> -> memref<80x64xf32, #tpu.memory_space<vmem_shared>>
      tpu.enqueue_dma source(%dma_start3A_84 : memref<80x64xf32, #tpu.memory_space<vmem_shared>>) target(%arg9 : memref<80x64xf32, #tpu.memory_space<vmem>>) target_semaphore(%run_scoped3A : memref<!tpu.dma_semaphore, #tpu.memory_space<semaphore_mem>>)
      %dma_wait3A = arith.constant 0 : i32
      %dma_wait3A_85 = tpu.memref_slice %arg10[%add3A_57, %dma_wait3A] : memref<10240x64xf32, #tpu.memory_space<vmem_shared>> -> memref<80x64xf32, #tpu.memory_space<vmem_shared>>
      %dma_wait3A_86 = arith.constant 0 : i32
      %dma_wait3A_87 = tpu.memref_slice %arg10[%add3A_57, %dma_wait3A_86] : memref<10240x64xf32, #tpu.memory_space<vmem_shared>> -> memref<80x64xf32, #tpu.memory_space<vmem_shared>>
      tpu.wait_dma2 semaphore(%run_scoped3A : memref<!tpu.dma_semaphore, #tpu.memory_space<semaphore_mem>>) src(%dma_wait3A_87 : memref<80x64xf32, #tpu.memory_space<vmem_shared>>) dst(%arg9 : memref<80x64xf32, #tpu.memory_space<vmem>>)
      tpu.yield
    }) : () -> ()
    "tpu.region"() ({
      %run_scoped3A = tpu.sem_alloc : memref<!tpu.dma_semaphore, #tpu.memory_space<semaphore_mem>>
      %dma_start3A = arith.constant 0 : i32
      %dma_start3A_82 = tpu.memref_slice %arg5[%arg0, %add3A_57, %dma_start3A] : memref<2x10240x64xf32, #tpu.memory_space<hbm>> -> memref<1x80x64xf32, #tpu.memory_space<hbm>>
      %dma_start3A_83 = tpu.memref_squeeze %dma_start3A_82 : memref<1x80x64xf32, #tpu.memory_space<hbm>> -> memref<80x64xf32, #tpu.memory_space<hbm>>
      %dma_start3A_84 = arith.constant 0 : i32
      %dma_start3A_85 = tpu.memref_slice %arg5[%arg0, %add3A_57, %dma_start3A_84] : memref<2x10240x64xf32, #tpu.memory_space<hbm>> -> memref<1x80x64xf32, #tpu.memory_space<hbm>>
      %dma_start3A_86 = tpu.memref_squeeze %dma_start3A_85 : memref<1x80x64xf32, #tpu.memory_space<hbm>> -> memref<80x64xf32, #tpu.memory_space<hbm>>
      tpu.enqueue_dma source(%arg9 : memref<80x64xf32, #tpu.memory_space<vmem>>) target(%dma_start3A_86 : memref<80x64xf32, #tpu.memory_space<hbm>>) target_semaphore(%run_scoped3A : memref<!tpu.dma_semaphore, #tpu.memory_space<semaphore_mem>>)
      %dma_wait3A = arith.constant 0 : i32
      %dma_wait3A_87 = tpu.memref_slice %arg5[%arg0, %add3A_57, %dma_wait3A] : memref<2x10240x64xf32, #tpu.memory_space<hbm>> -> memref<1x80x64xf32, #tpu.memory_space<hbm>>
      %dma_wait3A_88 = tpu.memref_squeeze %dma_wait3A_87 : memref<1x80x64xf32, #tpu.memory_space<hbm>> -> memref<80x64xf32, #tpu.memory_space<hbm>>
      %dma_wait3A_89 = arith.constant 0 : i32
      %dma_wait3A_90 = tpu.memref_slice %arg5[%arg0, %add3A_57, %dma_wait3A_89] : memref<2x10240x64xf32, #tpu.memory_space<hbm>> -> memref<1x80x64xf32, #tpu.memory_space<hbm>>
      %dma_wait3A_91 = tpu.memref_squeeze %dma_wait3A_90 : memref<1x80x64xf32, #tpu.memory_space<hbm>> -> memref<80x64xf32, #tpu.memory_space<hbm>>
      tpu.wait_dma2 semaphore(%run_scoped3A : memref<!tpu.dma_semaphore, #tpu.memory_space<semaphore_mem>>) src(%arg9 : memref<80x64xf32, #tpu.memory_space<vmem>>) dst(%dma_wait3A_91 : memref<80x64xf32, #tpu.memory_space<hbm>>)
      tpu.yield
    }) : () -> ()
    %mul3A_58 = arith.constant 640 : i32
    %mul3A_59 = arith.muli %arg1, %mul3A_58 : i32
    %add3A_60 = arith.constant 160 : i32
    %add3A_61 = arith.addi %mul3A_59, %add3A_60 : i32
    "tpu.region"() ({
      %run_scoped3A = tpu.sem_alloc : memref<!tpu.dma_semaphore, #tpu.memory_space<semaphore_mem>>
      %dma_start3A = arith.constant 0 : i32
      %dma_start3A_82 = tpu.memref_slice %arg10[%add3A_61, %dma_start3A] : memref<10240x64xf32, #tpu.memory_space<vmem_shared>> -> memref<80x64xf32, #tpu.memory_space<vmem_shared>>
      %dma_start3A_83 = arith.constant 0 : i32
      %dma_start3A_84 = tpu.memref_slice %arg10[%add3A_61, %dma_start3A_83] : memref<10240x64xf32, #tpu.memory_space<vmem_shared>> -> memref<80x64xf32, #tpu.memory_space<vmem_shared>>
      tpu.enqueue_dma source(%dma_start3A_84 : memref<80x64xf32, #tpu.memory_space<vmem_shared>>) target(%arg9 : memref<80x64xf32, #tpu.memory_space<vmem>>) target_semaphore(%run_scoped3A : memref<!tpu.dma_semaphore, #tpu.memory_space<semaphore_mem>>)
      %dma_wait3A = arith.constant 0 : i32
      %dma_wait3A_85 = tpu.memref_slice %arg10[%add3A_61, %dma_wait3A] : memref<10240x64xf32, #tpu.memory_space<vmem_shared>> -> memref<80x64xf32, #tpu.memory_space<vmem_shared>>
      %dma_wait3A_86 = arith.constant 0 : i32
      %dma_wait3A_87 = tpu.memref_slice %arg10[%add3A_61, %dma_wait3A_86] : memref<10240x64xf32, #tpu.memory_space<vmem_shared>> -> memref<80x64xf32, #tpu.memory_space<vmem_shared>>
      tpu.wait_dma2 semaphore(%run_scoped3A : memref<!tpu.dma_semaphore, #tpu.memory_space<semaphore_mem>>) src(%dma_wait3A_87 : memref<80x64xf32, #tpu.memory_space<vmem_shared>>) dst(%arg9 : memref<80x64xf32, #tpu.memory_space<vmem>>)
      tpu.yield
    }) : () -> ()
    "tpu.region"() ({
      %run_scoped3A = tpu.sem_alloc : memref<!tpu.dma_semaphore, #tpu.memory_space<semaphore_mem>>
      %dma_start3A = arith.constant 0 : i32
      %dma_start3A_82 = tpu.memref_slice %arg5[%arg0, %add3A_61, %dma_start3A] : memref<2x10240x64xf32, #tpu.memory_space<hbm>> -> memref<1x80x64xf32, #tpu.memory_space<hbm>>
      %dma_start3A_83 = tpu.memref_squeeze %dma_start3A_82 : memref<1x80x64xf32, #tpu.memory_space<hbm>> -> memref<80x64xf32, #tpu.memory_space<hbm>>
      %dma_start3A_84 = arith.constant 0 : i32
      %dma_start3A_85 = tpu.memref_slice %arg5[%arg0, %add3A_61, %dma_start3A_84] : memref<2x10240x64xf32, #tpu.memory_space<hbm>> -> memref<1x80x64xf32, #tpu.memory_space<hbm>>
      %dma_start3A_86 = tpu.memref_squeeze %dma_start3A_85 : memref<1x80x64xf32, #tpu.memory_space<hbm>> -> memref<80x64xf32, #tpu.memory_space<hbm>>
      tpu.enqueue_dma source(%arg9 : memref<80x64xf32, #tpu.memory_space<vmem>>) target(%dma_start3A_86 : memref<80x64xf32, #tpu.memory_space<hbm>>) target_semaphore(%run_scoped3A : memref<!tpu.dma_semaphore, #tpu.memory_space<semaphore_mem>>)
      %dma_wait3A = arith.constant 0 : i32
      %dma_wait3A_87 = tpu.memref_slice %arg5[%arg0, %add3A_61, %dma_wait3A] : memref<2x10240x64xf32, #tpu.memory_space<hbm>> -> memref<1x80x64xf32, #tpu.memory_space<hbm>>
      %dma_wait3A_88 = tpu.memref_squeeze %dma_wait3A_87 : memref<1x80x64xf32, #tpu.memory_space<hbm>> -> memref<80x64xf32, #tpu.memory_space<hbm>>
      %dma_wait3A_89 = arith.constant 0 : i32
      %dma_wait3A_90 = tpu.memref_slice %arg5[%arg0, %add3A_61, %dma_wait3A_89] : memref<2x10240x64xf32, #tpu.memory_space<hbm>> -> memref<1x80x64xf32, #tpu.memory_space<hbm>>
      %dma_wait3A_91 = tpu.memref_squeeze %dma_wait3A_90 : memref<1x80x64xf32, #tpu.memory_space<hbm>> -> memref<80x64xf32, #tpu.memory_space<hbm>>
      tpu.wait_dma2 semaphore(%run_scoped3A : memref<!tpu.dma_semaphore, #tpu.memory_space<semaphore_mem>>) src(%arg9 : memref<80x64xf32, #tpu.memory_space<vmem>>) dst(%dma_wait3A_91 : memref<80x64xf32, #tpu.memory_space<hbm>>)
      tpu.yield
    }) : () -> ()
    %mul3A_62 = arith.constant 640 : i32
    %mul3A_63 = arith.muli %arg1, %mul3A_62 : i32
    %add3A_64 = arith.constant 240 : i32
    %add3A_65 = arith.addi %mul3A_63, %add3A_64 : i32
    "tpu.region"() ({
      %run_scoped3A = tpu.sem_alloc : memref<!tpu.dma_semaphore, #tpu.memory_space<semaphore_mem>>
      %dma_start3A = arith.constant 0 : i32
      %dma_start3A_82 = tpu.memref_slice %arg10[%add3A_65, %dma_start3A] : memref<10240x64xf32, #tpu.memory_space<vmem_shared>> -> memref<80x64xf32, #tpu.memory_space<vmem_shared>>
      %dma_start3A_83 = arith.constant 0 : i32
      %dma_start3A_84 = tpu.memref_slice %arg10[%add3A_65, %dma_start3A_83] : memref<10240x64xf32, #tpu.memory_space<vmem_shared>> -> memref<80x64xf32, #tpu.memory_space<vmem_shared>>
      tpu.enqueue_dma source(%dma_start3A_84 : memref<80x64xf32, #tpu.memory_space<vmem_shared>>) target(%arg9 : memref<80x64xf32, #tpu.memory_space<vmem>>) target_semaphore(%run_scoped3A : memref<!tpu.dma_semaphore, #tpu.memory_space<semaphore_mem>>)
      %dma_wait3A = arith.constant 0 : i32
      %dma_wait3A_85 = tpu.memref_slice %arg10[%add3A_65, %dma_wait3A] : memref<10240x64xf32, #tpu.memory_space<vmem_shared>> -> memref<80x64xf32, #tpu.memory_space<vmem_shared>>
      %dma_wait3A_86 = arith.constant 0 : i32
      %dma_wait3A_87 = tpu.memref_slice %arg10[%add3A_65, %dma_wait3A_86] : memref<10240x64xf32, #tpu.memory_space<vmem_shared>> -> memref<80x64xf32, #tpu.memory_space<vmem_shared>>
      tpu.wait_dma2 semaphore(%run_scoped3A : memref<!tpu.dma_semaphore, #tpu.memory_space<semaphore_mem>>) src(%dma_wait3A_87 : memref<80x64xf32, #tpu.memory_space<vmem_shared>>) dst(%arg9 : memref<80x64xf32, #tpu.memory_space<vmem>>)
      tpu.yield
    }) : () -> ()
    "tpu.region"() ({
      %run_scoped3A = tpu.sem_alloc : memref<!tpu.dma_semaphore, #tpu.memory_space<semaphore_mem>>
      %dma_start3A = arith.constant 0 : i32
      %dma_start3A_82 = tpu.memref_slice %arg5[%arg0, %add3A_65, %dma_start3A] : memref<2x10240x64xf32, #tpu.memory_space<hbm>> -> memref<1x80x64xf32, #tpu.memory_space<hbm>>
      %dma_start3A_83 = tpu.memref_squeeze %dma_start3A_82 : memref<1x80x64xf32, #tpu.memory_space<hbm>> -> memref<80x64xf32, #tpu.memory_space<hbm>>
      %dma_start3A_84 = arith.constant 0 : i32
      %dma_start3A_85 = tpu.memref_slice %arg5[%arg0, %add3A_65, %dma_start3A_84] : memref<2x10240x64xf32, #tpu.memory_space<hbm>> -> memref<1x80x64xf32, #tpu.memory_space<hbm>>
      %dma_start3A_86 = tpu.memref_squeeze %dma_start3A_85 : memref<1x80x64xf32, #tpu.memory_space<hbm>> -> memref<80x64xf32, #tpu.memory_space<hbm>>
      tpu.enqueue_dma source(%arg9 : memref<80x64xf32, #tpu.memory_space<vmem>>) target(%dma_start3A_86 : memref<80x64xf32, #tpu.memory_space<hbm>>) target_semaphore(%run_scoped3A : memref<!tpu.dma_semaphore, #tpu.memory_space<semaphore_mem>>)
      %dma_wait3A = arith.constant 0 : i32
      %dma_wait3A_87 = tpu.memref_slice %arg5[%arg0, %add3A_65, %dma_wait3A] : memref<2x10240x64xf32, #tpu.memory_space<hbm>> -> memref<1x80x64xf32, #tpu.memory_space<hbm>>
      %dma_wait3A_88 = tpu.memref_squeeze %dma_wait3A_87 : memref<1x80x64xf32, #tpu.memory_space<hbm>> -> memref<80x64xf32, #tpu.memory_space<hbm>>
      %dma_wait3A_89 = arith.constant 0 : i32
      %dma_wait3A_90 = tpu.memref_slice %arg5[%arg0, %add3A_65, %dma_wait3A_89] : memref<2x10240x64xf32, #tpu.memory_space<hbm>> -> memref<1x80x64xf32, #tpu.memory_space<hbm>>
      %dma_wait3A_91 = tpu.memref_squeeze %dma_wait3A_90 : memref<1x80x64xf32, #tpu.memory_space<hbm>> -> memref<80x64xf32, #tpu.memory_space<hbm>>
      tpu.wait_dma2 semaphore(%run_scoped3A : memref<!tpu.dma_semaphore, #tpu.memory_space<semaphore_mem>>) src(%arg9 : memref<80x64xf32, #tpu.memory_space<vmem>>) dst(%dma_wait3A_91 : memref<80x64xf32, #tpu.memory_space<hbm>>)
      tpu.yield
    }) : () -> ()
    %mul3A_66 = arith.constant 640 : i32
    %mul3A_67 = arith.muli %arg1, %mul3A_66 : i32
    %add3A_68 = arith.constant 320 : i32
    %add3A_69 = arith.addi %mul3A_67, %add3A_68 : i32
    "tpu.region"() ({
      %run_scoped3A = tpu.sem_alloc : memref<!tpu.dma_semaphore, #tpu.memory_space<semaphore_mem>>
      %dma_start3A = arith.constant 0 : i32
      %dma_start3A_82 = tpu.memref_slice %arg10[%add3A_69, %dma_start3A] : memref<10240x64xf32, #tpu.memory_space<vmem_shared>> -> memref<80x64xf32, #tpu.memory_space<vmem_shared>>
      %dma_start3A_83 = arith.constant 0 : i32
      %dma_start3A_84 = tpu.memref_slice %arg10[%add3A_69, %dma_start3A_83] : memref<10240x64xf32, #tpu.memory_space<vmem_shared>> -> memref<80x64xf32, #tpu.memory_space<vmem_shared>>
      tpu.enqueue_dma source(%dma_start3A_84 : memref<80x64xf32, #tpu.memory_space<vmem_shared>>) target(%arg9 : memref<80x64xf32, #tpu.memory_space<vmem>>) target_semaphore(%run_scoped3A : memref<!tpu.dma_semaphore, #tpu.memory_space<semaphore_mem>>)
      %dma_wait3A = arith.constant 0 : i32
      %dma_wait3A_85 = tpu.memref_slice %arg10[%add3A_69, %dma_wait3A] : memref<10240x64xf32, #tpu.memory_space<vmem_shared>> -> memref<80x64xf32, #tpu.memory_space<vmem_shared>>
      %dma_wait3A_86 = arith.constant 0 : i32
      %dma_wait3A_87 = tpu.memref_slice %arg10[%add3A_69, %dma_wait3A_86] : memref<10240x64xf32, #tpu.memory_space<vmem_shared>> -> memref<80x64xf32, #tpu.memory_space<vmem_shared>>
      tpu.wait_dma2 semaphore(%run_scoped3A : memref<!tpu.dma_semaphore, #tpu.memory_space<semaphore_mem>>) src(%dma_wait3A_87 : memref<80x64xf32, #tpu.memory_space<vmem_shared>>) dst(%arg9 : memref<80x64xf32, #tpu.memory_space<vmem>>)
      tpu.yield
    }) : () -> ()
    "tpu.region"() ({
      %run_scoped3A = tpu.sem_alloc : memref<!tpu.dma_semaphore, #tpu.memory_space<semaphore_mem>>
      %dma_start3A = arith.constant 0 : i32
      %dma_start3A_82 = tpu.memref_slice %arg5[%arg0, %add3A_69, %dma_start3A] : memref<2x10240x64xf32, #tpu.memory_space<hbm>> -> memref<1x80x64xf32, #tpu.memory_space<hbm>>
      %dma_start3A_83 = tpu.memref_squeeze %dma_start3A_82 : memref<1x80x64xf32, #tpu.memory_space<hbm>> -> memref<80x64xf32, #tpu.memory_space<hbm>>
      %dma_start3A_84 = arith.constant 0 : i32
      %dma_start3A_85 = tpu.memref_slice %arg5[%arg0, %add3A_69, %dma_start3A_84] : memref<2x10240x64xf32, #tpu.memory_space<hbm>> -> memref<1x80x64xf32, #tpu.memory_space<hbm>>
      %dma_start3A_86 = tpu.memref_squeeze %dma_start3A_85 : memref<1x80x64xf32, #tpu.memory_space<hbm>> -> memref<80x64xf32, #tpu.memory_space<hbm>>
      tpu.enqueue_dma source(%arg9 : memref<80x64xf32, #tpu.memory_space<vmem>>) target(%dma_start3A_86 : memref<80x64xf32, #tpu.memory_space<hbm>>) target_semaphore(%run_scoped3A : memref<!tpu.dma_semaphore, #tpu.memory_space<semaphore_mem>>)
      %dma_wait3A = arith.constant 0 : i32
      %dma_wait3A_87 = tpu.memref_slice %arg5[%arg0, %add3A_69, %dma_wait3A] : memref<2x10240x64xf32, #tpu.memory_space<hbm>> -> memref<1x80x64xf32, #tpu.memory_space<hbm>>
      %dma_wait3A_88 = tpu.memref_squeeze %dma_wait3A_87 : memref<1x80x64xf32, #tpu.memory_space<hbm>> -> memref<80x64xf32, #tpu.memory_space<hbm>>
      %dma_wait3A_89 = arith.constant 0 : i32
      %dma_wait3A_90 = tpu.memref_slice %arg5[%arg0, %add3A_69, %dma_wait3A_89] : memref<2x10240x64xf32, #tpu.memory_space<hbm>> -> memref<1x80x64xf32, #tpu.memory_space<hbm>>
      %dma_wait3A_91 = tpu.memref_squeeze %dma_wait3A_90 : memref<1x80x64xf32, #tpu.memory_space<hbm>> -> memref<80x64xf32, #tpu.memory_space<hbm>>
      tpu.wait_dma2 semaphore(%run_scoped3A : memref<!tpu.dma_semaphore, #tpu.memory_space<semaphore_mem>>) src(%arg9 : memref<80x64xf32, #tpu.memory_space<vmem>>) dst(%dma_wait3A_91 : memref<80x64xf32, #tpu.memory_space<hbm>>)
      tpu.yield
    }) : () -> ()
    %mul3A_70 = arith.constant 640 : i32
    %mul3A_71 = arith.muli %arg1, %mul3A_70 : i32
    %add3A_72 = arith.constant 400 : i32
    %add3A_73 = arith.addi %mul3A_71, %add3A_72 : i32
    "tpu.region"() ({
      %run_scoped3A = tpu.sem_alloc : memref<!tpu.dma_semaphore, #tpu.memory_space<semaphore_mem>>
      %dma_start3A = arith.constant 0 : i32
      %dma_start3A_82 = tpu.memref_slice %arg10[%add3A_73, %dma_start3A] : memref<10240x64xf32, #tpu.memory_space<vmem_shared>> -> memref<80x64xf32, #tpu.memory_space<vmem_shared>>
      %dma_start3A_83 = arith.constant 0 : i32
      %dma_start3A_84 = tpu.memref_slice %arg10[%add3A_73, %dma_start3A_83] : memref<10240x64xf32, #tpu.memory_space<vmem_shared>> -> memref<80x64xf32, #tpu.memory_space<vmem_shared>>
      tpu.enqueue_dma source(%dma_start3A_84 : memref<80x64xf32, #tpu.memory_space<vmem_shared>>) target(%arg9 : memref<80x64xf32, #tpu.memory_space<vmem>>) target_semaphore(%run_scoped3A : memref<!tpu.dma_semaphore, #tpu.memory_space<semaphore_mem>>)
      %dma_wait3A = arith.constant 0 : i32
      %dma_wait3A_85 = tpu.memref_slice %arg10[%add3A_73, %dma_wait3A] : memref<10240x64xf32, #tpu.memory_space<vmem_shared>> -> memref<80x64xf32, #tpu.memory_space<vmem_shared>>
      %dma_wait3A_86 = arith.constant 0 : i32
      %dma_wait3A_87 = tpu.memref_slice %arg10[%add3A_73, %dma_wait3A_86] : memref<10240x64xf32, #tpu.memory_space<vmem_shared>> -> memref<80x64xf32, #tpu.memory_space<vmem_shared>>
      tpu.wait_dma2 semaphore(%run_scoped3A : memref<!tpu.dma_semaphore, #tpu.memory_space<semaphore_mem>>) src(%dma_wait3A_87 : memref<80x64xf32, #tpu.memory_space<vmem_shared>>) dst(%arg9 : memref<80x64xf32, #tpu.memory_space<vmem>>)
      tpu.yield
    }) : () -> ()
    "tpu.region"() ({
      %run_scoped3A = tpu.sem_alloc : memref<!tpu.dma_semaphore, #tpu.memory_space<semaphore_mem>>
      %dma_start3A = arith.constant 0 : i32
      %dma_start3A_82 = tpu.memref_slice %arg5[%arg0, %add3A_73, %dma_start3A] : memref<2x10240x64xf32, #tpu.memory_space<hbm>> -> memref<1x80x64xf32, #tpu.memory_space<hbm>>
      %dma_start3A_83 = tpu.memref_squeeze %dma_start3A_82 : memref<1x80x64xf32, #tpu.memory_space<hbm>> -> memref<80x64xf32, #tpu.memory_space<hbm>>
      %dma_start3A_84 = arith.constant 0 : i32
      %dma_start3A_85 = tpu.memref_slice %arg5[%arg0, %add3A_73, %dma_start3A_84] : memref<2x10240x64xf32, #tpu.memory_space<hbm>> -> memref<1x80x64xf32, #tpu.memory_space<hbm>>
      %dma_start3A_86 = tpu.memref_squeeze %dma_start3A_85 : memref<1x80x64xf32, #tpu.memory_space<hbm>> -> memref<80x64xf32, #tpu.memory_space<hbm>>
      tpu.enqueue_dma source(%arg9 : memref<80x64xf32, #tpu.memory_space<vmem>>) target(%dma_start3A_86 : memref<80x64xf32, #tpu.memory_space<hbm>>) target_semaphore(%run_scoped3A : memref<!tpu.dma_semaphore, #tpu.memory_space<semaphore_mem>>)
      %dma_wait3A = arith.constant 0 : i32
      %dma_wait3A_87 = tpu.memref_slice %arg5[%arg0, %add3A_73, %dma_wait3A] : memref<2x10240x64xf32, #tpu.memory_space<hbm>> -> memref<1x80x64xf32, #tpu.memory_space<hbm>>
      %dma_wait3A_88 = tpu.memref_squeeze %dma_wait3A_87 : memref<1x80x64xf32, #tpu.memory_space<hbm>> -> memref<80x64xf32, #tpu.memory_space<hbm>>
      %dma_wait3A_89 = arith.constant 0 : i32
      %dma_wait3A_90 = tpu.memref_slice %arg5[%arg0, %add3A_73, %dma_wait3A_89] : memref<2x10240x64xf32, #tpu.memory_space<hbm>> -> memref<1x80x64xf32, #tpu.memory_space<hbm>>
      %dma_wait3A_91 = tpu.memref_squeeze %dma_wait3A_90 : memref<1x80x64xf32, #tpu.memory_space<hbm>> -> memref<80x64xf32, #tpu.memory_space<hbm>>
      tpu.wait_dma2 semaphore(%run_scoped3A : memref<!tpu.dma_semaphore, #tpu.memory_space<semaphore_mem>>) src(%arg9 : memref<80x64xf32, #tpu.memory_space<vmem>>) dst(%dma_wait3A_91 : memref<80x64xf32, #tpu.memory_space<hbm>>)
      tpu.yield
    }) : () -> ()
    %mul3A_74 = arith.constant 640 : i32
    %mul3A_75 = arith.muli %arg1, %mul3A_74 : i32
    %add3A_76 = arith.constant 480 : i32
    %add3A_77 = arith.addi %mul3A_75, %add3A_76 : i32
    "tpu.region"() ({
      %run_scoped3A = tpu.sem_alloc : memref<!tpu.dma_semaphore, #tpu.memory_space<semaphore_mem>>
      %dma_start3A = arith.constant 0 : i32
      %dma_start3A_82 = tpu.memref_slice %arg10[%add3A_77, %dma_start3A] : memref<10240x64xf32, #tpu.memory_space<vmem_shared>> -> memref<80x64xf32, #tpu.memory_space<vmem_shared>>
      %dma_start3A_83 = arith.constant 0 : i32
      %dma_start3A_84 = tpu.memref_slice %arg10[%add3A_77, %dma_start3A_83] : memref<10240x64xf32, #tpu.memory_space<vmem_shared>> -> memref<80x64xf32, #tpu.memory_space<vmem_shared>>
      tpu.enqueue_dma source(%dma_start3A_84 : memref<80x64xf32, #tpu.memory_space<vmem_shared>>) target(%arg9 : memref<80x64xf32, #tpu.memory_space<vmem>>) target_semaphore(%run_scoped3A : memref<!tpu.dma_semaphore, #tpu.memory_space<semaphore_mem>>)
      %dma_wait3A = arith.constant 0 : i32
      %dma_wait3A_85 = tpu.memref_slice %arg10[%add3A_77, %dma_wait3A] : memref<10240x64xf32, #tpu.memory_space<vmem_shared>> -> memref<80x64xf32, #tpu.memory_space<vmem_shared>>
      %dma_wait3A_86 = arith.constant 0 : i32
      %dma_wait3A_87 = tpu.memref_slice %arg10[%add3A_77, %dma_wait3A_86] : memref<10240x64xf32, #tpu.memory_space<vmem_shared>> -> memref<80x64xf32, #tpu.memory_space<vmem_shared>>
      tpu.wait_dma2 semaphore(%run_scoped3A : memref<!tpu.dma_semaphore, #tpu.memory_space<semaphore_mem>>) src(%dma_wait3A_87 : memref<80x64xf32, #tpu.memory_space<vmem_shared>>) dst(%arg9 : memref<80x64xf32, #tpu.memory_space<vmem>>)
      tpu.yield
    }) : () -> ()
    "tpu.region"() ({
      %run_scoped3A = tpu.sem_alloc : memref<!tpu.dma_semaphore, #tpu.memory_space<semaphore_mem>>
      %dma_start3A = arith.constant 0 : i32
      %dma_start3A_82 = tpu.memref_slice %arg5[%arg0, %add3A_77, %dma_start3A] : memref<2x10240x64xf32, #tpu.memory_space<hbm>> -> memref<1x80x64xf32, #tpu.memory_space<hbm>>
      %dma_start3A_83 = tpu.memref_squeeze %dma_start3A_82 : memref<1x80x64xf32, #tpu.memory_space<hbm>> -> memref<80x64xf32, #tpu.memory_space<hbm>>
      %dma_start3A_84 = arith.constant 0 : i32
      %dma_start3A_85 = tpu.memref_slice %arg5[%arg0, %add3A_77, %dma_start3A_84] : memref<2x10240x64xf32, #tpu.memory_space<hbm>> -> memref<1x80x64xf32, #tpu.memory_space<hbm>>
      %dma_start3A_86 = tpu.memref_squeeze %dma_start3A_85 : memref<1x80x64xf32, #tpu.memory_space<hbm>> -> memref<80x64xf32, #tpu.memory_space<hbm>>
      tpu.enqueue_dma source(%arg9 : memref<80x64xf32, #tpu.memory_space<vmem>>) target(%dma_start3A_86 : memref<80x64xf32, #tpu.memory_space<hbm>>) target_semaphore(%run_scoped3A : memref<!tpu.dma_semaphore, #tpu.memory_space<semaphore_mem>>)
      %dma_wait3A = arith.constant 0 : i32
      %dma_wait3A_87 = tpu.memref_slice %arg5[%arg0, %add3A_77, %dma_wait3A] : memref<2x10240x64xf32, #tpu.memory_space<hbm>> -> memref<1x80x64xf32, #tpu.memory_space<hbm>>
      %dma_wait3A_88 = tpu.memref_squeeze %dma_wait3A_87 : memref<1x80x64xf32, #tpu.memory_space<hbm>> -> memref<80x64xf32, #tpu.memory_space<hbm>>
      %dma_wait3A_89 = arith.constant 0 : i32
      %dma_wait3A_90 = tpu.memref_slice %arg5[%arg0, %add3A_77, %dma_wait3A_89] : memref<2x10240x64xf32, #tpu.memory_space<hbm>> -> memref<1x80x64xf32, #tpu.memory_space<hbm>>
      %dma_wait3A_91 = tpu.memref_squeeze %dma_wait3A_90 : memref<1x80x64xf32, #tpu.memory_space<hbm>> -> memref<80x64xf32, #tpu.memory_space<hbm>>
      tpu.wait_dma2 semaphore(%run_scoped3A : memref<!tpu.dma_semaphore, #tpu.memory_space<semaphore_mem>>) src(%arg9 : memref<80x64xf32, #tpu.memory_space<vmem>>) dst(%dma_wait3A_91 : memref<80x64xf32, #tpu.memory_space<hbm>>)
      tpu.yield
    }) : () -> ()
    %mul3A_78 = arith.constant 640 : i32
    %mul3A_79 = arith.muli %arg1, %mul3A_78 : i32
    %add3A_80 = arith.constant 560 : i32
    %add3A_81 = arith.addi %mul3A_79, %add3A_80 : i32
    "tpu.region"() ({
      %run_scoped3A = tpu.sem_alloc : memref<!tpu.dma_semaphore, #tpu.memory_space<semaphore_mem>>
      %dma_start3A = arith.constant 0 : i32
      %dma_start3A_82 = tpu.memref_slice %arg10[%add3A_81, %dma_start3A] : memref<10240x64xf32, #tpu.memory_space<vmem_shared>> -> memref<80x64xf32, #tpu.memory_space<vmem_shared>>
      %dma_start3A_83 = arith.constant 0 : i32
      %dma_start3A_84 = tpu.memref_slice %arg10[%add3A_81, %dma_start3A_83] : memref<10240x64xf32, #tpu.memory_space<vmem_shared>> -> memref<80x64xf32, #tpu.memory_space<vmem_shared>>
      tpu.enqueue_dma source(%dma_start3A_84 : memref<80x64xf32, #tpu.memory_space<vmem_shared>>) target(%arg9 : memref<80x64xf32, #tpu.memory_space<vmem>>) target_semaphore(%run_scoped3A : memref<!tpu.dma_semaphore, #tpu.memory_space<semaphore_mem>>)
      %dma_wait3A = arith.constant 0 : i32
      %dma_wait3A_85 = tpu.memref_slice %arg10[%add3A_81, %dma_wait3A] : memref<10240x64xf32, #tpu.memory_space<vmem_shared>> -> memref<80x64xf32, #tpu.memory_space<vmem_shared>>
      %dma_wait3A_86 = arith.constant 0 : i32
      %dma_wait3A_87 = tpu.memref_slice %arg10[%add3A_81, %dma_wait3A_86] : memref<10240x64xf32, #tpu.memory_space<vmem_shared>> -> memref<80x64xf32, #tpu.memory_space<vmem_shared>>
      tpu.wait_dma2 semaphore(%run_scoped3A : memref<!tpu.dma_semaphore, #tpu.memory_space<semaphore_mem>>) src(%dma_wait3A_87 : memref<80x64xf32, #tpu.memory_space<vmem_shared>>) dst(%arg9 : memref<80x64xf32, #tpu.memory_space<vmem>>)
      tpu.yield
    }) : () -> ()
    "tpu.region"() ({
      %run_scoped3A = tpu.sem_alloc : memref<!tpu.dma_semaphore, #tpu.memory_space<semaphore_mem>>
      %dma_start3A = arith.constant 0 : i32
      %dma_start3A_82 = tpu.memref_slice %arg5[%arg0, %add3A_81, %dma_start3A] : memref<2x10240x64xf32, #tpu.memory_space<hbm>> -> memref<1x80x64xf32, #tpu.memory_space<hbm>>
      %dma_start3A_83 = tpu.memref_squeeze %dma_start3A_82 : memref<1x80x64xf32, #tpu.memory_space<hbm>> -> memref<80x64xf32, #tpu.memory_space<hbm>>
      %dma_start3A_84 = arith.constant 0 : i32
      %dma_start3A_85 = tpu.memref_slice %arg5[%arg0, %add3A_81, %dma_start3A_84] : memref<2x10240x64xf32, #tpu.memory_space<hbm>> -> memref<1x80x64xf32, #tpu.memory_space<hbm>>
      %dma_start3A_86 = tpu.memref_squeeze %dma_start3A_85 : memref<1x80x64xf32, #tpu.memory_space<hbm>> -> memref<80x64xf32, #tpu.memory_space<hbm>>
      tpu.enqueue_dma source(%arg9 : memref<80x64xf32, #tpu.memory_space<vmem>>) target(%dma_start3A_86 : memref<80x64xf32, #tpu.memory_space<hbm>>) target_semaphore(%run_scoped3A : memref<!tpu.dma_semaphore, #tpu.memory_space<semaphore_mem>>)
      %dma_wait3A = arith.constant 0 : i32
      %dma_wait3A_87 = tpu.memref_slice %arg5[%arg0, %add3A_81, %dma_wait3A] : memref<2x10240x64xf32, #tpu.memory_space<hbm>> -> memref<1x80x64xf32, #tpu.memory_space<hbm>>
      %dma_wait3A_88 = tpu.memref_squeeze %dma_wait3A_87 : memref<1x80x64xf32, #tpu.memory_space<hbm>> -> memref<80x64xf32, #tpu.memory_space<hbm>>
      %dma_wait3A_89 = arith.constant 0 : i32
      %dma_wait3A_90 = tpu.memref_slice %arg5[%arg0, %add3A_81, %dma_wait3A_89] : memref<2x10240x64xf32, #tpu.memory_space<hbm>> -> memref<1x80x64xf32, #tpu.memory_space<hbm>>
      %dma_wait3A_91 = tpu.memref_squeeze %dma_wait3A_90 : memref<1x80x64xf32, #tpu.memory_space<hbm>> -> memref<80x64xf32, #tpu.memory_space<hbm>>
      tpu.wait_dma2 semaphore(%run_scoped3A : memref<!tpu.dma_semaphore, #tpu.memory_space<semaphore_mem>>) src(%arg9 : memref<80x64xf32, #tpu.memory_space<vmem>>) dst(%dma_wait3A_91 : memref<80x64xf32, #tpu.memory_space<hbm>>)
      tpu.yield
    }) : () -> ()
    return
  }
}

module attributes {stable_mosaic.version = 14 : i64} {
  func.func @_s1_body(%arg0: i32, %arg1: memref<2048x128xf32, #tpu.memory_space<vmem>>, %arg2: memref<128x128xf32, #tpu.memory_space<vmem>>, %arg3: memref<128x128xf32, #tpu.memory_space<vmem>>, %arg4: memref<2x2048x1xf32, #tpu.memory_space<vmem>>, %arg5: memref<2048x128xf32, #tpu.memory_space<vmem>>, %arg6: memref<2048x128xf32, #tpu.memory_space<vmem>>, %arg7: memref<2048x1xf32, #tpu.memory_space<vmem>>) attributes {dimension_semantics = [#tpu.dimension_semantics<arbitrary>], iteration_bounds = array<i64: 5>, scalar_prefetch = 0 : i64, scratch_operands = 0 : i64, tpu.core_type = #tpu.core_type<tc>, window_params = [{transform_indices = @transform_0, window_bounds = array<i64: 2048, 128>}, {pipeline_mode = #tpu.pipeline_mode<synchronous>, transform_indices = @transform_1, window_bounds = array<i64: 128, 128>}, {pipeline_mode = #tpu.pipeline_mode<synchronous>, transform_indices = @transform_2, window_bounds = array<i64: 128, 128>}, {transform_indices = @transform_3, window_bounds = array<i64: 2, 2048, 1>}, {transform_indices = @transform_4, window_bounds = array<i64: 2048, 128>}, {transform_indices = @transform_5, window_bounds = array<i64: 2048, 128>}, {transform_indices = @transform_6, window_bounds = array<i64: 2048, 1>}]} {
    %get3A = arith.constant 0 : index
    %get3A_0 = arith.constant 0 : index
    %get3A_1 = arith.constant 0 : index
    %get3A_2 = vector.load %arg4[%get3A, %get3A_0, %get3A_1] : memref<2x2048x1xf32, #tpu.memory_space<vmem>>, vector<2x2048x1xf32>
    %reduce_sum3A = arith.constant dense<0.000000e+00> : vector<2048x1xf32>
    %reduce_sum3A_3 = vector.multi_reduction <add>, %get3A_2, %reduce_sum3A [0] : vector<2x2048x1xf32> to vector<2048x1xf32>
    %gt3A = arith.constant 0.000000e+00 : f32
    %gt3A_4 = vector.broadcast %gt3A : f32 to vector<2048x1xf32>
    %gt3A_5 = arith.cmpf ogt, %reduce_sum3A_3, %gt3A_4 : vector<2048x1xf32>
    %max3A = arith.constant 9.99999996E-13 : f32
    %max3A_6 = vector.broadcast %max3A : f32 to vector<2048x1xf32>
    %max3A_7 = arith.maximumf %reduce_sum3A_3, %max3A_6 : vector<2048x1xf32>
    %rsqrt3A = math.rsqrt %max3A_7 : vector<2048x1xf32>
    %jit3A = arith.constant 0.000000e+00 : f32
    %broadcast_in_dim3A = vector.broadcast %jit3A : f32 to vector<2048x1xf32>
    %select_n3A = arith.select %gt3A_5, %rsqrt3A, %broadcast_in_dim3A : vector<2048x1xi1>, vector<2048x1xf32>
    %get3A_8 = arith.constant 0 : index
    %get3A_9 = arith.constant 0 : index
    %get3A_10 = vector.load %arg1[%get3A_8, %get3A_9] : memref<2048x128xf32, #tpu.memory_space<vmem>>, vector<2048x128xf32>
    %get3A_11 = arith.constant 0 : index
    %get3A_12 = arith.constant 0 : index
    %get3A_13 = vector.load %arg2[%get3A_11, %get3A_12] : memref<128x128xf32, #tpu.memory_space<vmem>>, vector<128x128xf32>
    %dot_general3A = arith.constant dense<0.000000e+00> : vector<2048x128xf32>
    %dot_general3A_14 = tpu.matmul %get3A_10, %get3A_13, %dot_general3A {dimension_numbers = #tpu.dot_dimension_numbers<[1], [0], [0], [1], [0, 0, 1, 1], [], []>, transpose_lhs_hint = false} : vector<2048x128xf32>, vector<128x128xf32>, vector<2048x128xf32> -> vector<2048x128xf32>
    %swap3A = arith.constant 0 : index
    %swap3A_15 = arith.constant 0 : index
    %swap3A_16 = vector.load %arg5[%swap3A, %swap3A_15] : memref<2048x128xf32, #tpu.memory_space<vmem>>, vector<2048x128xf32>
    tpu.vector_store %arg5[%swap3A, %swap3A_15], %dot_general3A_14 {strides = array<i32>} : memref<2048x128xf32, #tpu.memory_space<vmem>>, vector<2048x128xf32>,
    %get3A_17 = arith.constant 0 : index
    %get3A_18 = arith.constant 0 : index
    %get3A_19 = vector.load %arg3[%get3A_17, %get3A_18] : memref<128x128xf32, #tpu.memory_space<vmem>>, vector<128x128xf32>
    %dot_general3A_20 = arith.constant dense<0.000000e+00> : vector<2048x128xf32>
    %dot_general3A_21 = tpu.matmul %get3A_10, %get3A_19, %dot_general3A_20 {dimension_numbers = #tpu.dot_dimension_numbers<[1], [0], [0], [1], [0, 0, 1, 1], [], []>, transpose_lhs_hint = false} : vector<2048x128xf32>, vector<128x128xf32>, vector<2048x128xf32> -> vector<2048x128xf32>
    %mul3A = vector.broadcast %select_n3A : vector<2048x1xf32> to vector<2048x128xf32>
    %mul3A_22 = arith.mulf %mul3A, %dot_general3A_21 : vector<2048x128xf32>
    %swap3A_23 = arith.constant 0 : index
    %swap3A_24 = arith.constant 0 : index
    %swap3A_25 = vector.load %arg6[%swap3A_23, %swap3A_24] : memref<2048x128xf32, #tpu.memory_space<vmem>>, vector<2048x128xf32>
    tpu.vector_store %arg6[%swap3A_23, %swap3A_24], %mul3A_22 {strides = array<i32>} : memref<2048x128xf32, #tpu.memory_space<vmem>>, vector<2048x128xf32>,
    %swap3A_26 = arith.constant 0 : index
    %swap3A_27 = arith.constant 0 : index
    %swap3A_28 = vector.load %arg7[%swap3A_26, %swap3A_27] : memref<2048x1xf32, #tpu.memory_space<vmem>>, vector<2048x1xf32>
    tpu.vector_store %arg7[%swap3A_26, %swap3A_27], %select_n3A {strides = array<i32>} : memref<2048x1xf32, #tpu.memory_space<vmem>>, vector<2048x1xf32>,
    return
  }
  func.func @transform_0(%arg0: i32) -> (i32, i32) {
    %c0_i32 = arith.constant 0 : i32
    %c0_i32_0 = arith.constant 0 : i32
    return %arg0, %c0_i32 : i32, i32
  }
  func.func @transform_1(%arg0: i32) -> (i32, i32) {
    %c0_i32 = arith.constant 0 : i32
    %c0_i32_0 = arith.constant 0 : i32
    %c0_i32_1 = arith.constant 0 : i32
    return %c0_i32, %c0_i32_0 : i32, i32
  }
  func.func @transform_2(%arg0: i32) -> (i32, i32) {
    %c0_i32 = arith.constant 0 : i32
    %c0_i32_0 = arith.constant 0 : i32
    %c0_i32_1 = arith.constant 0 : i32
    return %c0_i32, %c0_i32_0 : i32, i32
  }
  func.func @transform_3(%arg0: i32) -> (i32, i32, i32) {
    %c0_i32 = arith.constant 0 : i32
    %c0_i32_0 = arith.constant 0 : i32
    %c0_i32_1 = arith.constant 0 : i32
    return %c0_i32, %arg0, %c0_i32_0 : i32, i32, i32
  }
  func.func @transform_4(%arg0: i32) -> (i32, i32) {
    %c0_i32 = arith.constant 0 : i32
    %c0_i32_0 = arith.constant 0 : i32
    return %arg0, %c0_i32 : i32, i32
  }
  func.func @transform_5(%arg0: i32) -> (i32, i32) {
    %c0_i32 = arith.constant 0 : i32
    %c0_i32_0 = arith.constant 0 : i32
    return %arg0, %c0_i32 : i32, i32
  }
  func.func @transform_6(%arg0: i32) -> (i32, i32) {
    %c0_i32 = arith.constant 0 : i32
    %c0_i32_0 = arith.constant 0 : i32
    return %arg0, %c0_i32 : i32, i32
  }
}

module attributes {stable_mosaic.version = 14 : i64} {
  func.func @_s2_body(%arg0: i32, %arg1: memref<2048x128xf32, #tpu.memory_space<vmem>>, %arg2: memref<2x2048x128xf32, #tpu.memory_space<vmem>>, %arg3: memref<2048x1xf32, #tpu.memory_space<vmem>>, %arg4: memref<1x128xf32, #tpu.memory_space<vmem>>, %arg5: memref<128x64xf32, #tpu.memory_space<vmem>>, %arg6: memref<128x64xf32, #tpu.memory_space<vmem>>, %arg7: memref<2048x64xf32, #tpu.memory_space<vmem>>, %arg8: memref<2048x64xf32, #tpu.memory_space<vmem>>) attributes {dimension_semantics = [#tpu.dimension_semantics<arbitrary>], iteration_bounds = array<i64: 5>, scalar_prefetch = 0 : i64, scratch_operands = 0 : i64, tpu.core_type = #tpu.core_type<tc>, window_params = [{transform_indices = @transform_0, window_bounds = array<i64: 2048, 128>}, {transform_indices = @transform_1, window_bounds = array<i64: 2, 2048, 128>}, {transform_indices = @transform_2, window_bounds = array<i64: 2048, 1>}, {pipeline_mode = #tpu.pipeline_mode<synchronous>, transform_indices = @transform_3, window_bounds = array<i64: 1, 128>}, {pipeline_mode = #tpu.pipeline_mode<synchronous>, transform_indices = @transform_4, window_bounds = array<i64: 128, 64>}, {pipeline_mode = #tpu.pipeline_mode<synchronous>, transform_indices = @transform_5, window_bounds = array<i64: 128, 64>}, {transform_indices = @transform_6, window_bounds = array<i64: 2048, 64>}, {transform_indices = @transform_7, window_bounds = array<i64: 2048, 64>}]} {
    %get3A = arith.constant 0 : index
    %get3A_0 = arith.constant 0 : index
    %get3A_1 = vector.load %arg3[%get3A, %get3A_0] : memref<2048x1xf32, #tpu.memory_space<vmem>>, vector<2048x1xf32>
    %get3A_2 = arith.constant 0 : index
    %get3A_3 = arith.constant 0 : index
    %get3A_4 = vector.load %arg1[%get3A_2, %get3A_3] : memref<2048x128xf32, #tpu.memory_space<vmem>>, vector<2048x128xf32>
    %get3A_5 = arith.constant 0 : index
    %get3A_6 = arith.constant 0 : index
    %get3A_7 = arith.constant 0 : index
    %get3A_8 = vector.load %arg2[%get3A_5, %get3A_6, %get3A_7] : memref<2x2048x128xf32, #tpu.memory_space<vmem>>, vector<1x2048x128xf32>
    %get3A_9 = vector.shape_cast %get3A_8 : vector<1x2048x128xf32> to vector<2048x128xf32>
    %get3A_10 = arith.constant 1 : index
    %get3A_11 = arith.constant 0 : index
    %get3A_12 = arith.constant 0 : index
    %get3A_13 = vector.load %arg2[%get3A_10, %get3A_11, %get3A_12] : memref<2x2048x128xf32, #tpu.memory_space<vmem>>, vector<1x2048x128xf32>
    %get3A_14 = vector.shape_cast %get3A_13 : vector<1x2048x128xf32> to vector<2048x128xf32>
    %add3A = arith.addf %get3A_9, %get3A_14 : vector<2048x128xf32>
    %mul3A = vector.broadcast %get3A_1 : vector<2048x1xf32> to vector<2048x128xf32>
    %mul3A_15 = arith.mulf %mul3A, %add3A : vector<2048x128xf32>
    %sub3A = arith.subf %get3A_4, %mul3A_15 : vector<2048x128xf32>
    %get3A_16 = arith.constant 0 : index
    %get3A_17 = arith.constant 0 : index
    %get3A_18 = vector.load %arg4[%get3A_16, %get3A_17] : memref<1x128xf32, #tpu.memory_space<vmem>>, vector<1x128xf32>
    %add3A_19 = vector.broadcast %get3A_18 : vector<1x128xf32> to vector<2048x128xf32>
    %add3A_20 = arith.addf %sub3A, %add3A_19 : vector<2048x128xf32>
    %max3A = arith.constant 0.000000e+00 : f32
    %max3A_21 = vector.broadcast %max3A : f32 to vector<2048x128xf32>
    %max3A_22 = arith.maximumf %add3A_20, %max3A_21 : vector<2048x128xf32>
    %get3A_23 = arith.constant 0 : index
    %get3A_24 = arith.constant 0 : index
    %get3A_25 = vector.load %arg5[%get3A_23, %get3A_24] : memref<128x64xf32, #tpu.memory_space<vmem>>, vector<128x64xf32>
    %dot_general3A = arith.constant dense<0.000000e+00> : vector<2048x64xf32>
    %dot_general3A_26 = tpu.matmul %max3A_22, %get3A_25, %dot_general3A {dimension_numbers = #tpu.dot_dimension_numbers<[1], [0], [0], [1], [0, 0, 1, 1], [], []>, transpose_lhs_hint = false} : vector<2048x128xf32>, vector<128x64xf32>, vector<2048x64xf32> -> vector<2048x64xf32>
    %swap3A = arith.constant 0 : index
    %swap3A_27 = arith.constant 0 : index
    %swap3A_28 = vector.load %arg7[%swap3A, %swap3A_27] : memref<2048x64xf32, #tpu.memory_space<vmem>>, vector<2048x64xf32>
    tpu.vector_store %arg7[%swap3A, %swap3A_27], %dot_general3A_26 {strides = array<i32>} : memref<2048x64xf32, #tpu.memory_space<vmem>>, vector<2048x64xf32>,
    %get3A_29 = arith.constant 0 : index
    %get3A_30 = arith.constant 0 : index
    %get3A_31 = vector.load %arg6[%get3A_29, %get3A_30] : memref<128x64xf32, #tpu.memory_space<vmem>>, vector<128x64xf32>
    %dot_general3A_32 = arith.constant dense<0.000000e+00> : vector<2048x64xf32>
    %dot_general3A_33 = tpu.matmul %max3A_22, %get3A_31, %dot_general3A_32 {dimension_numbers = #tpu.dot_dimension_numbers<[1], [0], [0], [1], [0, 0, 1, 1], [], []>, transpose_lhs_hint = false} : vector<2048x128xf32>, vector<128x64xf32>, vector<2048x64xf32> -> vector<2048x64xf32>
    %mul3A_34 = vector.broadcast %get3A_1 : vector<2048x1xf32> to vector<2048x64xf32>
    %mul3A_35 = arith.mulf %mul3A_34, %dot_general3A_33 : vector<2048x64xf32>
    %swap3A_36 = arith.constant 0 : index
    %swap3A_37 = arith.constant 0 : index
    %swap3A_38 = vector.load %arg8[%swap3A_36, %swap3A_37] : memref<2048x64xf32, #tpu.memory_space<vmem>>, vector<2048x64xf32>
    tpu.vector_store %arg8[%swap3A_36, %swap3A_37], %mul3A_35 {strides = array<i32>} : memref<2048x64xf32, #tpu.memory_space<vmem>>, vector<2048x64xf32>,
    return
  }
  func.func @transform_0(%arg0: i32) -> (i32, i32) {
    %c0_i32 = arith.constant 0 : i32
    %c0_i32_0 = arith.constant 0 : i32
    return %arg0, %c0_i32 : i32, i32
  }
  func.func @transform_1(%arg0: i32) -> (i32, i32, i32) {
    %c0_i32 = arith.constant 0 : i32
    %c0_i32_0 = arith.constant 0 : i32
    %c0_i32_1 = arith.constant 0 : i32
    return %c0_i32, %arg0, %c0_i32_0 : i32, i32, i32
  }
  func.func @transform_2(%arg0: i32) -> (i32, i32) {
    %c0_i32 = arith.constant 0 : i32
    %c0_i32_0 = arith.constant 0 : i32
    return %arg0, %c0_i32 : i32, i32
  }
  func.func @transform_3(%arg0: i32) -> (i32, i32) {
    %c0_i32 = arith.constant 0 : i32
    %c0_i32_0 = arith.constant 0 : i32
    %c0_i32_1 = arith.constant 0 : i32
    return %c0_i32, %c0_i32_0 : i32, i32
  }
  func.func @transform_4(%arg0: i32) -> (i32, i32) {
    %c0_i32 = arith.constant 0 : i32
    %c0_i32_0 = arith.constant 0 : i32
    %c0_i32_1 = arith.constant 0 : i32
    return %c0_i32, %c0_i32_0 : i32, i32
  }
  func.func @transform_5(%arg0: i32) -> (i32, i32) {
    %c0_i32 = arith.constant 0 : i32
    %c0_i32_0 = arith.constant 0 : i32
    %c0_i32_1 = arith.constant 0 : i32
    return %c0_i32, %c0_i32_0 : i32, i32
  }
  func.func @transform_6(%arg0: i32) -> (i32, i32) {
    %c0_i32 = arith.constant 0 : i32
    %c0_i32_0 = arith.constant 0 : i32
    return %arg0, %c0_i32 : i32, i32
  }
  func.func @transform_7(%arg0: i32) -> (i32, i32) {
    %c0_i32 = arith.constant 0 : i32
    %c0_i32_0 = arith.constant 0 : i32
    return %arg0, %c0_i32 : i32, i32
  }
}

module attributes {stable_mosaic.version = 14 : i64} {
  func.func @_s3_body(%arg0: i32, %arg1: memref<2000x64xf32, #tpu.memory_space<vmem>>, %arg2: memref<2x2000x64xf32, #tpu.memory_space<vmem>>, %arg3: memref<2000x1xf32, #tpu.memory_space<vmem>>, %arg4: memref<1x40xf32, #tpu.memory_space<vmem>>, %arg5: memref<2000x40xf32, #tpu.memory_space<vmem>>) attributes {dimension_semantics = [#tpu.dimension_semantics<arbitrary>], iteration_bounds = array<i64: 5>, scalar_prefetch = 0 : i64, scratch_operands = 0 : i64, tpu.core_type = #tpu.core_type<tc>, window_params = [{transform_indices = @transform_0, window_bounds = array<i64: 2000, 64>}, {transform_indices = @transform_1, window_bounds = array<i64: 2, 2000, 64>}, {transform_indices = @transform_2, window_bounds = array<i64: 2000, 1>}, {pipeline_mode = #tpu.pipeline_mode<synchronous>, transform_indices = @transform_3, window_bounds = array<i64: 1, 40>}, {transform_indices = @transform_4, window_bounds = array<i64: 2000, 40>}]} {
    %get3A = arith.constant 0 : index
    %get3A_0 = arith.constant 0 : index
    %get3A_1 = vector.load %arg1[%get3A, %get3A_0] : memref<2000x64xf32, #tpu.memory_space<vmem>>, vector<2000x40xf32>
    %get3A_2 = arith.constant 0 : index
    %get3A_3 = arith.constant 0 : index
    %get3A_4 = vector.load %arg3[%get3A_2, %get3A_3] : memref<2000x1xf32, #tpu.memory_space<vmem>>, vector<2000x1xf32>
    %get3A_5 = arith.constant 0 : index
    %get3A_6 = arith.constant 0 : index
    %get3A_7 = arith.constant 0 : index
    %get3A_8 = vector.load %arg2[%get3A_5, %get3A_6, %get3A_7] : memref<2x2000x64xf32, #tpu.memory_space<vmem>>, vector<1x2000x40xf32>
    %get3A_9 = vector.shape_cast %get3A_8 : vector<1x2000x40xf32> to vector<2000x40xf32>
    %get3A_10 = arith.constant 1 : index
    %get3A_11 = arith.constant 0 : index
    %get3A_12 = arith.constant 0 : index
    %get3A_13 = vector.load %arg2[%get3A_10, %get3A_11, %get3A_12] : memref<2x2000x64xf32, #tpu.memory_space<vmem>>, vector<1x2000x40xf32>
    %get3A_14 = vector.shape_cast %get3A_13 : vector<1x2000x40xf32> to vector<2000x40xf32>
    %add3A = arith.addf %get3A_9, %get3A_14 : vector<2000x40xf32>
    %mul3A = vector.broadcast %get3A_4 : vector<2000x1xf32> to vector<2000x40xf32>
    %mul3A_15 = arith.mulf %mul3A, %add3A : vector<2000x40xf32>
    %sub3A = arith.subf %get3A_1, %mul3A_15 : vector<2000x40xf32>
    %get3A_16 = arith.constant 0 : index
    %get3A_17 = arith.constant 0 : index
    %get3A_18 = vector.load %arg4[%get3A_16, %get3A_17] : memref<1x40xf32, #tpu.memory_space<vmem>>, vector<1x40xf32>
    %add3A_19 = vector.broadcast %get3A_18 : vector<1x40xf32> to vector<2000x40xf32>
    %add3A_20 = arith.addf %sub3A, %add3A_19 : vector<2000x40xf32>
    %swap3A = arith.constant 0 : index
    %swap3A_21 = arith.constant 0 : index
    %swap3A_22 = vector.load %arg5[%swap3A, %swap3A_21] : memref<2000x40xf32, #tpu.memory_space<vmem>>, vector<2000x40xf32>
    tpu.vector_store %arg5[%swap3A, %swap3A_21], %add3A_20 {strides = array<i32>} : memref<2000x40xf32, #tpu.memory_space<vmem>>, vector<2000x40xf32>,
    return
  }
  func.func @transform_0(%arg0: i32) -> (i32, i32) {
    %c0_i32 = arith.constant 0 : i32
    %c0_i32_0 = arith.constant 0 : i32
    return %arg0, %c0_i32 : i32, i32
  }
  func.func @transform_1(%arg0: i32) -> (i32, i32, i32) {
    %c0_i32 = arith.constant 0 : i32
    %c0_i32_0 = arith.constant 0 : i32
    %c0_i32_1 = arith.constant 0 : i32
    return %c0_i32, %arg0, %c0_i32_0 : i32, i32, i32
  }
  func.func @transform_2(%arg0: i32) -> (i32, i32) {
    %c0_i32 = arith.constant 0 : i32
    %c0_i32_0 = arith.constant 0 : i32
    return %arg0, %c0_i32 : i32, i32
  }
  func.func @transform_3(%arg0: i32) -> (i32, i32) {
    %c0_i32 = arith.constant 0 : i32
    %c0_i32_0 = arith.constant 0 : i32
    %c0_i32_1 = arith.constant 0 : i32
    return %c0_i32, %c0_i32_0 : i32, i32
  }
  func.func @transform_4(%arg0: i32) -> (i32, i32) {
    %c0_i32 = arith.constant 0 : i32
    %c0_i32_0 = arith.constant 0 : i32
    return %arg0, %c0_i32 : i32, i32
  }
}

</mosaic_0001>

<sc_bundles>
// kernel: kernel.11.cloned.1.call-start
scs
__scs_entry_jumppad:
0x0: {  	(pc) =	sbr.rel $0x88, $3  }
0x1: {  	(tag) =	ssettag $0x0;
	lr =	simm.s32 $0x1  }
0x2: {  	[smem:$0x3F99] =	sst lr;
	_ =	strace $0xD0000000  }
0x3: {  	_ = 	snop  }
0x4: {  	_ = 	snop  }
0x5: {  	_ = 	snop  }
0x6: {  	_ = 	snop  }
0x7: {  	_ = 	snop  }
__scs_overlays_trampoline_lowered:
0x8: {  	[smem:$0x3FA8] =	sst s0  }
0x9: {  	[smem:$0x3FA9] =	sst s1  }
0xa: {  	[smem:$0x3FAA] =	sst s2  }
0xb: {  	[smem:$0x3FAB] =	sst s3  }
0xc: {  	[smem:$0x3FAC] =	sst s4  }
0xd: {  	[smem:$0x3FAD] =	sst s5  }
0xe: {  	[smem:$0x3FAE] =	sst s6  }
0xf: {  	[smem:$0x3FAF] =	sst s7  }
0x10: {  	[smem:$0x3FB0] =	sst s8  }
0x11: {  	[smem:$0x3FB1] =	sst s9;
	s0 =	simm.s32 @!p0 $0x0  }
0x12: {  	s1 =	sld [smem:$0x3F97];
	s0 =	simm.s32 @p0 $0x1  }
0x13: {  	[smem:$0x3FB2] =	sst s0;
	s0 =	simm.s32 @!p1 $0x0  }
0x14: {  	s2 =	sld [smem:$0x3F96];
	s0 =	simm.s32 @p1 $0x1  }
0x15: {  	[smem:$0x3FB3] =	sst s0;
	s0 =	simm.s32 @!p2 $0x0  }
0x16: {  	s3 =	sld [smem:$0x3FDB];
	s0 =	simm.s32 @p2 $0x1  }
0x17: {  	s4 =	simm.s32 $0x1BF5;
	[smem:$0x3FB5] =	sst s0  }
0x18: {  	s0 =	sld [smem:$0x3F98];
	_ =	swait.ge [sflag:s4], $0x0  }
0x19: {  	s7 =	sld [smem:$0x3F99]  }
0x1a: {  	s8 =	sadd.s32 $0xFFFFE003, lr  }
0x1b: {  	s9 =	sadd.s32 $0xFFFFFEF7, lr;
	s5 =	simm.s32 $0xFFFFFFFF;
	p2 =	slt.u32 s8, $0xFFFFF086  }
0x1c: {  	p1 =	slt.u32 s9, $0xF7A;
	s5 =	simm.s32 @!p2 $0x0  }
0x1d: {  	s5 =	simm.s32 @p1 $0x1;
	p0 =	seq.s32 s7, s2  }
0x1e: {  	s7 =	smul.u32 @!p0 $0xF7A, s2;
	p2 =	seq.s32 @!p0 s5, $0x0  }
0x1f: {  	s9 =	smul.u32 $0xF7A, s1;
	s8 =	simm.s32 @!p0 $0x1BF5;
	p2 =	por !p2, p0  }
0x20: {  	[sflag:s8] =	ssyncset.s32 @!p0 $0xFFFFF086;
	s6 =	sadd.s32 @!p0 s3, s7;
	s7 =	simm.s32 @!p0 $0x108  }
0x21: {  	s3 =	sadd.s32 s3, s9;
	s6 =	sadd.s32 @!p0 $0x88, s6;
	s7 =	simm.s32 @p2 $0x1082  }
0x22: {  	[simem:s7], [sflag:s8] =	dma.local @!p0 [hbm:s6], $0xF7A  }
0x23: {  	s9 =	sor.u32 $0xD0000000, s2;
	s6 =	simm.s32 $0x108;
	_ =	swait.ge @!p0 [sflag:s8], $0x0  }
0x24: {  	s3 =	sadd.s32 $0x88, s3;
	s6 =	simm.s32 @!p1 $0x1082;
	[sflag:s4] =	ssyncset.s32 $0xFFFFF086  }
0x25: {  	[simem:s6], [sflag:s4] =	dma.local [hbm:s3], $0xF7A  }
0x26: {  	[smem:$0x3F99] =	sst s1;
	(tag) =	ssettag s2;
	_ =	strace s9  }
0x27: {  	s1 =	sld [smem:$0x3FA9]  }
0x28: {  	s2 =	sld [smem:$0x3FAA]  }
0x29: {  	s4 =	sld [smem:$0x3FAC]  }
0x2a: {  	p0 =	seq.s32 s5, $0x0;
	s5 =	sld [smem:$0x3FAD]  }
0x2b: {  	s6 =	sld [smem:$0x3FAE]  }
0x2c: {  	s7 =	sld [smem:$0x3FAF]  }
0x2d: {  	s3 =	simm.s32 $0x108;
	s8 =	sld [smem:$0x3FB0]  }
0x2e: {  	s3 =	simm.s32 @!p0 $0x1082;
	s9 =	sld [smem:$0x3FB1]  }
0x2f: {  	lr =	sadd.s32 s0, s3;
	s0 =	sld [smem:$0x3FA8]  }
0x30: {  	s3 =	sld [smem:$0x3FAB]  }
0x31: {  	[smem:$0x3FB4] =	sst s10  }
0x32: {  	s10 =	sld [smem:$0x3FB2];
	_ =	sdelay $0x3  }
0x33: {  	p0 =	seq.s32 s10, $0x1;
	s10 =	sld [smem:$0x3FB4];
	_ =	sdelay $0x3  }
0x34: {  	[smem:$0x3FB4] =	sst s10  }
0x35: {  	s10 =	sld [smem:$0x3FB3];
	_ =	sdelay $0x3  }
0x36: {  	p1 =	seq.s32 s10, $0x1;
	s10 =	sld [smem:$0x3FB4];
	_ =	sdelay $0x3  }
0x37: {  	[smem:$0x3FB4] =	sst s10  }
0x38: {  	s10 =	sld [smem:$0x3FB5]  }
0x39: {  	_ = 	snop;
	(pc) =	sbr.ind lr, $3  }
0x3a: {  	_ = 	snop  }
0x3b: {  	_ = 	snop  }
0x3c: {  	p2 =	seq.s32 s10, $0x1;
	s10 =	sld [smem:$0x3FB4]  }
0x3d: {  	_ =	shalt  }
0x3e: {  	_ =	shalt  }
0x3f: {  	_ =	shalt  }
0x40: {  	_ =	shalt  }
0x41: {  	_ =	shalt  }
0x42: {  	_ =	shalt  }
0x43: {  	_ =	shalt  }
0x44: {  	_ =	shalt  }
0x45: {  	_ =	shalt  }
0x46: {  	_ =	shalt  }
0x47: {  	_ =	shalt  }
0x48: {  	_ =	shalt  }
0x49: {  	_ =	shalt  }
0x4a: {  	_ =	shalt  }
0x4b: {  	_ =	shalt  }
0x4c: {  	_ =	shalt  }
0x4d: {  	_ =	shalt  }
0x4e: {  	_ =	shalt  }
0x4f: {  	_ =	shalt  }
0x50: {  	_ =	shalt  }
0x51: {  	_ =	shalt  }
0x52: {  	_ =	shalt  }
0x53: {  	_ =	shalt  }
0x54: {  	_ =	shalt  }
0x55: {  	_ =	shalt  }
0x56: {  	_ =	shalt  }
0x57: {  	_ =	shalt  }
0x58: {  	_ =	shalt  }
0x59: {  	_ =	shalt  }
0x5a: {  	_ =	shalt  }
0x5b: {  	_ =	shalt  }
0x5c: {  	_ =	shalt  }
0x5d: {  	_ =	shalt  }
0x5e: {  	_ =	shalt  }
0x5f: {  	_ =	shalt  }
0x60: {  	_ =	shalt  }
0x61: {  	_ =	shalt  }
0x62: {  	_ =	shalt  }
0x63: {  	_ =	shalt  }
0x64: {  	_ =	shalt  }
0x65: {  	_ =	shalt  }
0x66: {  	_ =	shalt  }
0x67: {  	_ =	shalt  }
0x68: {  	_ =	shalt  }
0x69: {  	_ =	shalt  }
0x6a: {  	_ =	shalt  }
0x6b: {  	_ =	shalt  }
0x6c: {  	_ =	shalt  }
0x6d: {  	_ =	shalt  }
0x6e: {  	_ =	shalt  }
0x6f: {  	_ =	shalt  }
0x70: {  	_ =	shalt  }
0x71: {  	_ =	shalt  }
0x72: {  	_ =	shalt  }
0x73: {  	_ =	shalt  }
0x74: {  	_ =	shalt  }
0x75: {  	_ =	shalt  }
0x76: {  	_ =	shalt  }
0x77: {  	_ =	shalt  }
0x78: {  	_ =	shalt  }
0x79: {  	_ =	shalt  }
0x7a: {  	_ =	shalt  }
0x7b: {  	_ =	shalt  }
0x7c: {  	_ =	shalt  }
0x7d: {  	_ =	shalt  }
0x7e: {  	_ =	shalt  }
0x7f: {  	_ =	shalt  }
0x80: {  	_ =	shalt  }
0x81: {  	_ =	shalt  }
0x82: {  	_ =	shalt  }
0x83: {  	_ =	shalt  }
0x84: {  	_ =	shalt  }
0x85: {  	_ =	shalt  }
0x86: {  	_ =	shalt  }
0x87: {  	_ =	shalt  }
.Lfunc_end0:
.L_simem_size_0:
called_computation.1_lowered:
.L_overlay_start_0:
0x88: {  	s2 =	sld [smem:$0x3FD9]  }
0x89: {  	s3 =	sld [smem:$0x3FFE];
	_ =	sdelay $0x1  }
0x8a: {  	s1 =	srdreg.scid  }
0x8b: {  	s0 =	sand.u32 $0x1, s1  }
0x8c: {  	s14 =	sshll.u32 s0, $0xA;
	s2 =	sadd.s32 s3, s2  }
0x8d: {  	s2 =	sadd.s32 s2, s14  }
0x8e: {  	[smem:$0x3FC0] =	sst s2  }
0x8f: {  	_ = 	snop  }
0x90: {  	s2 =	sld [smem:$0x3FD0];
	_ =	sdelay $0x2  }
0x91: {  	s15 =	simm.s32 $0xA;
	s4 =	simm.s32 $0x10  }
0x92: {  	[smem:s4], [sflag:s15] =	dma.local [hbm:s2], $0x1  }
0x93: {  	_ =	swait.eq [sflag:s15], $0x1  }
0x94: {  	[sflag:s15] =	ssyncset.done $0x0  }
0x95: {  	[sflag:s15] =	ssyncadd.s32 $0xFFFFFFFF  }
0x96: {  	s16 =	sld [smem:$0x11];
	(tm) =	ssettm $0x1  }
0x97: {  	s17 =	sld [smem:$0x3FFB];
	_ =	sdelay $0x3  }
0x98: {  	_ =	strace s17  }
0x99: {  	s3 =	sld [smem:$0x3FFC];
	_ =	sdelay $0x3  }
0x9a: {  	_ =	strace s3  }
0x9b: {  	s3 =	sld [smem:$0x3FFD];
	_ =	sdelay $0x3  }
0x9c: {  	_ =	strace s3  }
0x9d: {  	_ =	strace $0x8FFFFFFF  }
0x9e: {  	s18 =	sld [smem:$0x3FDB];
	_ =	sdelay $0x1  }
0x9f: {  	s19 =	simm.s32 $_scs_section_size  }
0xa0: {  	s5 =	simm.s32 $_size__tile_overlayer_lowered;
	s6 =	simm.s32 $_tile_overlayer_lowered  }
0xa1: {  	s22 =	simm.s32 $0x1BFF;
	s21 =	sshll.u32 s6, $0x1;
	s3 =	sadd.s32 s19, s18  }
0xa2: {  	s7 =	simm.s32 $0x0;
	s20 =	sshll.u32 s5, $0x1;
	s5 =	sadd.s32 s21, s3  }
0xa3: {  	[timem:s7], [sflag:s22] =	dma.local [hbm:s5], s20  }
0xa4: {  	_ =	swait.ge [sflag:s22], s20  }
0xa5: {  	s4 =	ssub.s32 $0x0, s20;
	[sflag:s22] =	ssyncset.done $0x0  }
0xa6: {  	[sflag:s22] =	ssyncadd.s32 s4;
	_ =	sdelay $0x1  }
0xa7: {  	s23 =	simm.s32 $0x1B8B  }
0xa8: {  	_ =	swait.ge [sflag:s23], $0x1  }
0xa9: {  	[sflag:s23] =	ssyncset.done $0x0  }
0xaa: {  	s25 =	simm.s32 $0x1B8E;
	s24 =	sld [smem:$0x3FFE];
	[sflag:s23] =	ssyncadd.s32 $0xFFFFFFFF  }
0xab: {  	s26 =	simm.s32 $execute0_lowered;
	[smem:$0x3FD2] =	sst s25  }
0xac: {  	s5 =	sshll.u32 s26, $0x1;
	_ =	strace $0x80000049;
	[dreg:$0x1] =	wrdreg $0xFFFFFFFF  }
0xad: {  	s28 =	simm.s32 $_size_execute0_lowered;
	s3 =	sadd.s32 s3, s5;
	[dreg:$0x0] =	wrdreg $0x0  }
0xae: {  	s5 =	sshll.u32 s28, $0x1;
	[dreg:$0x2] =	wrdreg s3  }
0xaf: {  	[dreg:$0x3] =	wrdreg s5  }
0xb0: {  	[dreg:$0x4] =	wrdreg $0xC0  }
0xb1: {  	_ =	task [dreg:s7], $0x5FFFF  }
0xb2: {  	[dreg:$0x1] =	wrdreg $0xFFFFFFFF  }
0xb3: {  	[dreg:$0x0] =	wrdreg $0x60  }
0xb4: {  	[dreg:$0x2] =	wrdreg s24  }
0xb5: {  	[dreg:$0x3] =	wrdreg s16  }
0xb6: {  	[dreg:$0x4] =	wrdreg $0x51000  }
0xb7: {  	[dreg:$0x5] =	wrdreg $0x9  }
0xb8: {  	_ =	task.clear_ibuf [dreg:s7], $0x6FFFF;
	_ =	strace $0x90000049  }
0xb9: {  	s29 =	simm.s32 $0x9;
	_ =	strace $0x8000004B  }
0xba: {  	_ =	swait.ge [sflag:s29], $0x1  }
0xbb: {  	[sflag:s29] =	ssyncadd.s32 $0xFFFFFFFF  }
0xbc: {  	_ =	strace $0x9000004B  }
0xbd: {  	_ =	sfence  }
0xbe: {  	s30 =	sld [smem:$0x0];
	_ =	sdelay $0x2  }
0xbf: {  	s31 =	sshll.u32 s1, $0xD;
	s1 =	sshrl.u32 s1, $0x2  }
0xc0: {  	s3 =	sand.u32 $0x4000, s31;
	s1 =	sadd.s32 s1, s30  }
0xc1: {  	s0 =	sor.u32 s3, s0;
	s1 =	sshll.u32 s1, $0x11  }
0xc2: {  	s0 =	sor.u32 s1, s0  }
0xc3: {  	s0 =	sadd.s32 $0x8F2B, s0  }
0xc4: {  	[sflag:s0] =	ssyncadd.remote.s32 $0x1  }
0xc5: {  	_ =	sfence.sel $0xFFFF  }
0xc6: {  	[dreg:$0x0] =	wrdreg $0xFFFFFFFF;
	(pc) =	sbr.abs _section_cstart, $3  }
0xc7: {  	[dreg:$0x1] =	wrdreg $0xFFFFFFFF  }
0xc8: {  	_ =	task.clear_ibuf [dreg:s7], $0x2FFFF;
	_ =	strace $0x9FFFFFFF  }
0xc9: {  	(tm) =	ssettm $0x7FFFFFFF  }
tec
execute0_lowered:
.L_overlay_start_1:
0x0: {  	(tag) =	ssettag $0x1  }
0x1: {  	s0 =	rddreg [dreg:$0x0]  }
0x2: {  	s23 =	rddreg [dreg:$0x1]  }
0x3: {  	s1 =	srdreg.scid;
	s7 =	stileid.u32  }
0x4: {  	s2 =	rddreg [dreg:$0x2];
	s5 =	smul.u32 $0x2710, s7  }
0x5: {  	s3 =	simm.s32 $0x0;
	s30 =	simm.s32 $0x1;
	s17 =	smul.u32 $0x50000, s7  }
0x6: {  	s31 =	simm.s32 $0x0;
	s1 =	sand.u32 $0x1, s1;
	s12 =	smul.u32 $0x14000, s7  }
0x7: {  	[smem:$0x7FF] =	sst s3;
	s4 =	smul.u32 $0x27100, s1;
	s6 =	ssub.s32 $0x2, s1  }
0x8: {  	_ =	strace $0x8000004A;
	s1 =	smul.u32 $0x140000, s1;
	s18 =	sshrl.u32 s6, $0x1  }
0x9: {  	s13 =	sor.u32 $0x2800, s12;
	s14 =	sadd.s32 $0x5000, s12;
	s15 =	sadd.s32 $0x7800, s12  }
0xa: {  	s16 =	sadd.s32 $0xA000, s12;
	s19 =	sadd.s32 $0x11800, s12;
	s5 =	sadd.s32 s5, s4  }
0xb: {  	s4 =	sadd.s32 $0xCC00, s0;
	s21 =	ssub.s32 s6, s18;
	s6 =	sadd.s32 s13, s2  }
0xc: {  	s7 =	sadd.s32 s14, s2;
	s8 =	sadd.s32 s15, s2;
	s18 =	sadd.s32 $0xF000, s12  }
0xd: {  	s9 =	sadd.s32 s16, s2;
	s20 =	sadd.s32 s12, s1;
	s13 =	sadd.s32 s1, s13  }
0xe: {  	s25 =	sadd.s32 s1, s14;
	s26 =	sadd.s32 s1, s15;
	s16 =	sadd.s32 s1, s16  }
0xf: {  	s24 =	sshrl.u32 s5, $0x3;
	s5 =	sshrl.u32 s17, $0x2;
	s17 =	sadd.s32 $0xC800, s12  }
0x10: {  	s11 =	sadd.s32 s18, s2;
	s29 =	sadd.s32 s1, s18;
	s12 =	sadd.s32 s19, s2  }
0x11: {  	s21 =	smax.u32 s21, $0x1;
	s22 =	sadd.s32 s24, s0;
	s0 =	sadd.s32 $0x34C00, s0  }
0x12: {  	s5 =	sadd.s32 s5, s2;
	s10 =	sadd.s32 s17, s2;
	s28 =	sadd.s32 s1, s17  }
0x13: {  	s1 =	sadd.s32 s1, s19;
	s19 =	sshrl.u32 s20, $0x3;
	s20 =	sshrl.u32 s13, $0x3  }
0x14: {  	s17 =	sshrl.u32 s25, $0x3;
	s23 =	sadd.s32 s24, s23;
	s24 =	simm.s32 $0x2900  }
0x15: {  	s14 =	sadd.s32 s0, s19;
	s15 =	sadd.s32 s0, s20;
	s18 =	sadd.s32 s0, s17  }
0x16: {  	s19 =	sshrl.u32 s26, $0x3;
	s20 =	sshrl.u32 s16, $0x3;
	s25 =	sshrl.u32 s28, $0x3  }
0x17: {  	s26 =	sshrl.u32 s29, $0x3;
	s1 =	sshrl.u32 s1, $0x3;
	[dreg:$0x4] =	wrdreg s14  }
0x18: {  	s22 =	sadd.s32 $0x2E00, s22;
	s28 =	simm.s32 $0x50;
	[dreg:$0x5] =	wrdreg s15  }
0x19: {  	s29 =	simm.s32 $0x100;
	[dreg:$0x6] =	wrdreg s18;
	s16 =	sadd.s32 s0, s19  }
0x1a: {  	s17 =	sadd.s32 s0, s20;
	s18 =	sadd.s32 s0, s25;
	s19 =	sadd.s32 s0, s26  }
0x1b: {  	v0 =	vimm.f32 $0.0e+00;
	s20 =	sadd.s32 s0, s1;
	s25 =	simm.s32 $0x2;
	s26 =	simm.s32 $0x80  }
.LBB2_1:
0x1c: {  	s0 =	simm.s32 $0x0;
	s1 =	simm.s32 $0x200  }
.LBB2_2:
0x1d: {  	p0 =	sne.s32 s1, $0x9E00;
	[tilespmem:s0+$0x2970] =	vst v0  }
0x1e: {  	[tilespmem:s0+$0x2900] =	vst v0  }
0x1f: {  	[tilespmem:s0+$0x2910] =	vst v0  }
.Ltmp0:
0x20: {  	[tilespmem:s0+$0x2920] =	vst v0;
	(pc) =	sbr.rel @p0 .LBB2_2-.Ltmp0, $4  }
0x21: {  	[tilespmem:s0+$0x2930] =	vst v0  }
0x22: {  	[tilespmem:s0+$0x2940] =	vst v0  }
0x23: {  	[tilespmem:s0+$0x2950] =	vst v0  }
0x24: {  	[tilespmem:s0+$0x2960] =	vst v0;
	s0 =	sshra.s32 s1, $0x2;
	s1 =	sadd.s32 $0x200, s1  }
0x25: {  	[tilespmem:s0+$0x2970] =	vst v0  }
0x26: {  	[tilespmem:s0+$0x2900] =	vst v0  }
0x27: {  	[tilespmem:s0+$0x2910] =	vst v0  }
0x28: {  	[tilespmem:s0+$0x2920] =	vst v0  }
0x29: {  	[tilespmem:s0+$0x2930] =	vst v0  }
0x2a: {  	[tilespmem:s0+$0x2940] =	vst v0  }
0x2b: {  	[tilespmem:s0+$0x2950] =	vst v0  }
0x2c: {  	[tilespmem:s0+$0x2960] =	vst v0  }
0x2d: {  	[spmem:s5] =	stream.linear.scatter [tilespmem:s24], [sflag:$0x2], $0x2800, $0x38;
	[tilespmem:$0x19100] =	vst v63  }
0x2e: {  	_ =	swait.ge [sflag:s25], $0x2800  }
0x2f: {  	[sflag:s25] =	ssyncset.done $0x0  }
0x30: {  	[sflag:s25] =	ssyncadd.s32 $0xFFFFD800  }
0x31: {  	[spmem:s6] =	stream.linear.scatter [tilespmem:s24], [sflag:$0x2], $0x2800, $0x38;
	[tilespmem:$0x19100] =	vst v63  }
0x32: {  	_ =	swait.ge [sflag:s25], $0x2800  }
0x33: {  	[sflag:s25] =	ssyncset.done $0x0  }
0x34: {  	[sflag:s25] =	ssyncadd.s32 $0xFFFFD800  }
0x35: {  	[spmem:s7] =	stream.linear.scatter [tilespmem:s24], [sflag:$0x2], $0x2800, $0x38;
	[tilespmem:$0x19100] =	vst v63  }
0x36: {  	_ =	swait.ge [sflag:s25], $0x2800  }
0x37: {  	[sflag:s25] =	ssyncset.done $0x0  }
0x38: {  	[sflag:s25] =	ssyncadd.s32 $0xFFFFD800  }
0x39: {  	[spmem:s8] =	stream.linear.scatter [tilespmem:s24], [sflag:$0x2], $0x2800, $0x38;
	[tilespmem:$0x19100] =	vst v63  }
0x3a: {  	_ =	swait.ge [sflag:s25], $0x2800  }
0x3b: {  	[sflag:s25] =	ssyncset.done $0x0  }
0x3c: {  	[sflag:s25] =	ssyncadd.s32 $0xFFFFD800  }
0x3d: {  	[spmem:s9] =	stream.linear.scatter [tilespmem:s24], [sflag:$0x2], $0x2800, $0x38;
	[tilespmem:$0x19100] =	vst v63  }
0x3e: {  	_ =	swait.ge [sflag:s25], $0x2800  }
0x3f: {  	[sflag:s25] =	ssyncset.done $0x0  }
0x40: {  	[sflag:s25] =	ssyncadd.s32 $0xFFFFD800  }
0x41: {  	[spmem:s10] =	stream.linear.scatter [tilespmem:s24], [sflag:$0x2], $0x2800, $0x38;
	[tilespmem:$0x19100] =	vst v63  }
0x42: {  	_ =	swait.ge [sflag:s25], $0x2800  }
0x43: {  	[sflag:s25] =	ssyncset.done $0x0  }
0x44: {  	[sflag:s25] =	ssyncadd.s32 $0xFFFFD800  }
0x45: {  	[spmem:s11] =	stream.linear.scatter [tilespmem:s24], [sflag:$0x2], $0x2800, $0x38;
	[tilespmem:$0x19100] =	vst v63  }
0x46: {  	_ =	swait.ge [sflag:s25], $0x2800  }
0x47: {  	[sflag:s25] =	ssyncset.done $0x0  }
0x48: {  	[sflag:s25] =	ssyncadd.s32 $0xFFFFD800  }
0x49: {  	[spmem:s12] =	stream.linear.scatter [tilespmem:s24], [sflag:$0x2], $0x2800, $0x38;
	[tilespmem:$0x19100] =	vst v63  }
0x4a: {  	_ =	swait.ge [sflag:s25], $0x2800  }
0x4b: {  	[sflag:s25] =	ssyncset.done $0x0  }
0x4c: {  	[sflag:s25] =	ssyncadd.s32 $0xFFFFD800  }
0x4d: {  	s14 =	sadd.s32 $0x0, s23;
	[bflag:$0x0] =	sbarrier.arrive $0xFFFF  }
0x4e: {  	[tilespmem:s3], [sflag:$0x2] =	stream.linear.gather [hbm4b:s14+s3], $0x50, $0x38;
	[tilespmem:$0x19100] =	vst v63  }
0x4f: {  	_ =	swait.ge [sflag:s25], $0x50  }
0x50: {  	[sflag:s25] =	ssyncset.done $0x0  }
0x51: {  	s15 =	sadd.s32 $0x0, s22;
	[sflag:s25] =	ssyncadd.s32 $0xFFFFFFB0  }
0x52: {  	[tilespmem:s26], [sflag:$0x2] =	stream.linear.gather [hbm4b:s15+s3], $0x50, $0x38;
	[tilespmem:$0x19100] =	vst v63  }
0x53: {  	_ =	swait.ge [sflag:s25], $0x50  }
0x54: {  	[sflag:s25] =	ssyncset.done $0x0  }
0x55: {  	[sflag:s25] =	ssyncadd.s32 $0xFFFFFFB0  }
0x56: {  	[tilespmem:s29], [sflag:$0x1] =	stream.indirect.gather [hbm4b:s4+s28], $0x80, s3, s28, $0xb8;
	[tilespmem:$0x19100] =	vst v63  }
0x57: {  	_ =	swait.ge [sflag:s30], $0x2800  }
0x58: {  	[sflag:s30] =	ssyncset.done $0x0  }
0x59: {  	[sflag:s30] =	ssyncadd.s32 $0xFFFFD800  }
0x5a: {  	[spmem:s2] =	stream.indirect.scatter.add.f32 [tilespmem:s29], [sflag:$0x2], $0x80, s26, s28, $0xb8;
	[tilespmem:$0x19100] =	vst v63  }
0x5b: {  	_ =	swait.ge [sflag:s25], $0x2800  }
0x5c: {  	s0 =	simm.s32 $0xA;
	s1 =	simm.s32 $0x14;
	[sflag:s25] =	ssyncset.done $0x0  }
.LBB2_4:
0x5d: {  	s13 =	sadd.s32 s0, s23  }
0x5e: {  	[sflag:s25] =	ssyncadd.s32 $0xFFFFD800;
	s14 =	smov.u32 s1;
	s15 =	sadd.s32 $0xA, s1  }
0x5f: {  	[tilespmem:s3], [sflag:$0x2] =	stream.linear.gather [hbm4b:s13+s3], $0x50, $0x38;
	[tilespmem:$0x19100] =	vst v63  }
0x60: {  	p0 =	sne.s32 s1, $0x4D8;
	_ =	swait.ge [sflag:s25], $0x50  }
0x61: {  	[sflag:s25] =	ssyncset.done $0x0  }
0x62: {  	s1 =	sadd.s32 s0, s22;
	s0 =	smov.u32 s14;
	[sflag:s25] =	ssyncadd.s32 $0xFFFFFFB0  }
0x63: {  	[tilespmem:s26], [sflag:$0x2] =	stream.linear.gather [hbm4b:s1+s3], $0x50, $0x38;
	[tilespmem:$0x19100] =	vst v63  }
0x64: {  	_ =	swait.ge [sflag:s25], $0x50  }
0x65: {  	[sflag:s25] =	ssyncset.done $0x0  }
0x66: {  	[sflag:s25] =	ssyncadd.s32 $0xFFFFFFB0  }
0x67: {  	[tilespmem:s29], [sflag:$0x1] =	stream.indirect.gather [hbm4b:s4+s28], $0x80, s3, s28, $0xb8;
	[tilespmem:$0x19100] =	vst v63  }
0x68: {  	_ =	swait.ge [sflag:s30], $0x2800  }
.Ltmp1:
0x69: {  	[sflag:s30] =	ssyncset.done $0x0;
	(pc) =	sbr.rel @p0 .LBB2_4-.Ltmp1, $4  }
0x6a: {  	[sflag:s30] =	ssyncadd.s32 $0xFFFFD800  }
0x6b: {  	[spmem:s2] =	stream.indirect.scatter.add.f32 [tilespmem:s29], [sflag:$0x2], $0x80, s26, s28, $0xb8;
	[tilespmem:$0x19100] =	vst v63  }
0x6c: {  	_ =	swait.ge [sflag:s25], $0x2800  }
0x6d: {  	s1 =	smov.u32 s15;
	[sflag:s25] =	ssyncset.done $0x0  }
0x6e: {  	s1 =	sadd.s32 s0, s23;
	[sflag:s25] =	ssyncadd.s32 $0xFFFFD800  }
0x6f: {  	[tilespmem:s3], [sflag:$0x2] =	stream.linear.gather [hbm4b:s1+s3], $0x50, $0x38;
	[tilespmem:$0x19100] =	vst v63  }
0x70: {  	_ =	swait.ge [sflag:s25], $0x50  }
0x71: {  	[sflag:s25] =	ssyncset.done $0x0  }
0x72: {  	s1 =	sadd.s32 s0, s22;
	[sflag:s25] =	ssyncadd.s32 $0xFFFFFFB0  }
0x73: {  	[tilespmem:s26], [sflag:$0x2] =	stream.linear.gather [hbm4b:s1+s3], $0x50, $0x38;
	[tilespmem:$0x19100] =	vst v63  }
0x74: {  	_ =	swait.ge [sflag:s25], $0x50  }
0x75: {  	[sflag:s25] =	ssyncset.done $0x0  }
0x76: {  	[sflag:s25] =	ssyncadd.s32 $0xFFFFFFB0  }
0x77: {  	[tilespmem:s29], [sflag:$0x1] =	stream.indirect.gather [hbm4b:s4+s28], $0x80, s3, s28, $0xb8;
	[tilespmem:$0x19100] =	vst v63  }
0x78: {  	_ =	swait.ge [sflag:s30], $0x2800  }
0x79: {  	[sflag:s30] =	ssyncset.done $0x0  }
0x7a: {  	[sflag:s30] =	ssyncadd.s32 $0xFFFFD800  }
0x7b: {  	[spmem:s2] =	stream.indirect.scatter.add.f32 [tilespmem:s29], [sflag:$0x2], $0x80, s26, s28, $0xb8;
	[tilespmem:$0x19100] =	vst v63  }
0x7c: {  	_ =	swait.ge [sflag:s25], $0x2800  }
0x7d: {  	[sflag:s25] =	ssyncset.done $0x0  }
0x7e: {  	[sflag:s25] =	ssyncadd.s32 $0xFFFFD800  }
0x7f: {  	[bflag:$0x0] =	sbarrier.arrive $0xFFFF  }
0x80: {  	[tilespmem:s24], [sflag:$0x2] =	stream.linear.gather [spmem:s5], $0x2800, $0x38;
	[tilespmem:$0x19100] =	vst v63  }
0x81: {  	_ =	swait.ge [sflag:s25], $0x2800  }
0x82: {  	[sflag:s25] =	ssyncset.done $0x0  }
0x83: {  	s13 =	rddreg [dreg:$0x4];
	[sflag:s25] =	ssyncadd.s32 $0xFFFFD800  }
0x84: {  	[hbm4b:s13+s3] =	stream.linear.scatter [tilespmem:s24], [sflag:$0x2], $0x2800, $0x38;
	[tilespmem:$0x19100] =	vst v63  }
0x85: {  	_ =	swait.ge [sflag:s25], $0x2800  }
0x86: {  	[sflag:s25] =	ssyncset.done $0x0  }
0x87: {  	[sflag:s25] =	ssyncadd.s32 $0xFFFFD800  }
0x88: {  	[tilespmem:s24], [sflag:$0x2] =	stream.linear.gather [spmem:s6], $0x2800, $0x38;
	[tilespmem:$0x19100] =	vst v63  }
0x89: {  	_ =	swait.ge [sflag:s25], $0x2800  }
0x8a: {  	[sflag:s25] =	ssyncset.done $0x0  }
0x8b: {  	s14 =	rddreg [dreg:$0x5];
	[sflag:s25] =	ssyncadd.s32 $0xFFFFD800  }
0x8c: {  	[hbm4b:s14+s3] =	stream.linear.scatter [tilespmem:s24], [sflag:$0x2], $0x2800, $0x38;
	[tilespmem:$0x19100] =	vst v63  }
0x8d: {  	_ =	swait.ge [sflag:s25], $0x2800  }
0x8e: {  	[sflag:s25] =	ssyncset.done $0x0  }
0x8f: {  	[sflag:s25] =	ssyncadd.s32 $0xFFFFD800  }
0x90: {  	[tilespmem:s24], [sflag:$0x2] =	stream.linear.gather [spmem:s7], $0x2800, $0x38;
	[tilespmem:$0x19100] =	vst v63  }
0x91: {  	_ =	swait.ge [sflag:s25], $0x2800  }
0x92: {  	[sflag:s25] =	ssyncset.done $0x0  }
0x93: {  	s15 =	rddreg [dreg:$0x6];
	[sflag:s25] =	ssyncadd.s32 $0xFFFFD800  }
0x94: {  	[hbm4b:s15+s3] =	stream.linear.scatter [tilespmem:s24], [sflag:$0x2], $0x2800, $0x38;
	[tilespmem:$0x19100] =	vst v63  }
0x95: {  	_ =	swait.ge [sflag:s25], $0x2800  }
0x96: {  	[sflag:s25] =	ssyncset.done $0x0  }
0x97: {  	[sflag:s25] =	ssyncadd.s32 $0xFFFFD800  }
0x98: {  	[tilespmem:s24], [sflag:$0x2] =	stream.linear.gather [spmem:s8], $0x2800, $0x38;
	[tilespmem:$0x19100] =	vst v63  }
0x99: {  	_ =	swait.ge [sflag:s25], $0x2800  }
0x9a: {  	[sflag:s25] =	ssyncset.done $0x0  }
0x9b: {  	[sflag:s25] =	ssyncadd.s32 $0xFFFFD800  }
0x9c: {  	[hbm4b:s16+s3] =	stream.linear.scatter [tilespmem:s24], [sflag:$0x2], $0x2800, $0x38;
	[tilespmem:$0x19100] =	vst v63  }
0x9d: {  	_ =	swait.ge [sflag:s25], $0x2800  }
0x9e: {  	[sflag:s25] =	ssyncset.done $0x0  }
0x9f: {  	[sflag:s25] =	ssyncadd.s32 $0xFFFFD800  }
0xa0: {  	[tilespmem:s24], [sflag:$0x2] =	stream.linear.gather [spmem:s9], $0x2800, $0x38;
	[tilespmem:$0x19100] =	vst v63  }
0xa1: {  	_ =	swait.ge [sflag:s25], $0x2800  }
0xa2: {  	[sflag:s25] =	ssyncset.done $0x0  }
0xa3: {  	[sflag:s25] =	ssyncadd.s32 $0xFFFFD800  }
0xa4: {  	[hbm4b:s17+s3] =	stream.linear.scatter [tilespmem:s24], [sflag:$0x2], $0x2800, $0x38;
	[tilespmem:$0x19100] =	vst v63  }
0xa5: {  	_ =	swait.ge [sflag:s25], $0x2800  }
0xa6: {  	[sflag:s25] =	ssyncset.done $0x0  }
0xa7: {  	[sflag:s25] =	ssyncadd.s32 $0xFFFFD800  }
0xa8: {  	[tilespmem:s24], [sflag:$0x2] =	stream.linear.gather [spmem:s10], $0x2800, $0x38;
	[tilespmem:$0x19100] =	vst v63  }
0xa9: {  	_ =	swait.ge [sflag:s25], $0x2800  }
0xaa: {  	[sflag:s25] =	ssyncset.done $0x0  }
0xab: {  	[sflag:s25] =	ssyncadd.s32 $0xFFFFD800  }
0xac: {  	[hbm4b:s18+s3] =	stream.linear.scatter [tilespmem:s24], [sflag:$0x2], $0x2800, $0x38;
	[tilespmem:$0x19100] =	vst v63  }
0xad: {  	_ =	swait.ge [sflag:s25], $0x2800  }
0xae: {  	[sflag:s25] =	ssyncset.done $0x0  }
0xaf: {  	[sflag:s25] =	ssyncadd.s32 $0xFFFFD800  }
0xb0: {  	[tilespmem:s24], [sflag:$0x2] =	stream.linear.gather [spmem:s11], $0x2800, $0x38;
	[tilespmem:$0x19100] =	vst v63  }
0xb1: {  	_ =	swait.ge [sflag:s25], $0x2800  }
0xb2: {  	[sflag:s25] =	ssyncset.done $0x0  }
0xb3: {  	[sflag:s25] =	ssyncadd.s32 $0xFFFFD800  }
0xb4: {  	[hbm4b:s19+s3] =	stream.linear.scatter [tilespmem:s24], [sflag:$0x2], $0x2800, $0x38;
	[tilespmem:$0x19100] =	vst v63  }
0xb5: {  	_ =	swait.ge [sflag:s25], $0x2800  }
0xb6: {  	[sflag:s25] =	ssyncset.done $0x0  }
0xb7: {  	[sflag:s25] =	ssyncadd.s32 $0xFFFFD800  }
0xb8: {  	[tilespmem:s24], [sflag:$0x2] =	stream.linear.gather [spmem:s12], $0x2800, $0x38;
	[tilespmem:$0x19100] =	vst v63  }
0xb9: {  	s31 =	sadd.s32 $0x1, s31;
	_ =	swait.ge [sflag:s25], $0x2800  }
0xba: {  	p0 =	sne.s32 s31, s21;
	[sflag:s25] =	ssyncset.done $0x0  }
.Ltmp2:
0xbb: {  	[sflag:s25] =	ssyncadd.s32 $0xFFFFD800;
	(pc) =	sbr.rel @p0 .LBB2_1-.Ltmp2, $4  }
0xbc: {  	[hbm4b:s20+s3] =	stream.linear.scatter [tilespmem:s24], [sflag:$0x2], $0x2800, $0x38;
	[tilespmem:$0x19100] =	vst v63  }
0xbd: {  	_ =	swait.ge [sflag:s25], $0x2800  }
0xbe: {  	[sflag:s25] =	ssyncset.done $0x0  }
0xbf: {  	[sflag:s25] =	ssyncadd.s32 $0xFFFFD800  }
0xc0: {  	_ =	sfence.sel $0x180000  }
0xc1: {  	[bflag:$0x0] =	sbarrier.arrive $0xFFFF  }
0xc2: {  	_ =	strace $0x9000004A  }
0xc3: {  	s0 =	stileid.u32;
	[bflag:$0x2] =	sbarrier.arrive $0xFFFF  }
0xc4: {  	p0 =	sne.s32 s0, $0x0;
	s0 =	rddreg [dreg:$0x3]  }
0xc5: {  	s0 =	sadd.s32 @!p0 $0x100000, s0  }
0xc6: {  	[sflag:s0] =	ssyncadd.tile.s32 @!p0 $0x1;
	_ =	shalt  }
.Lfunc_end2:
_tile_overlayer_lowered:
.L_overlay_start_2:
0xc7: {  	(tag) =	ssettag $0x2  }
0xc8: {  	s0 =	rddreg [dreg:$0x0];
	s2 =	stileid.u32  }
0xc9: {  	s1 =	rddreg [dreg:$0x1];
	p0 =	sne.s32 s2, $0x0  }
0xca: {  	s3 =	rddreg [dreg:$0x2];
	[bflag:$0x3] =	sbarrier.arrive $0xFFFF;
	s2 =	simm.s32 @!p0 $0x1C02  }
0xcb: {  	[timem:s3], [sflag:s2] =	dma.local @!p0 [hbm:s0], s1  }
0xcc: {  	s0 =	simm.s32 @!p0 $0x2  }
0xcd: {  	_ =	swait.ge @!p0 [sflag:s0], s1  }
0xce: {  	s1 =	ssub.s32 @!p0 $0x0, s1;
	[sflag:s0] =	ssyncset.done @!p0 $0x0  }
0xcf: {  	[sflag:s0] =	ssyncadd.s32 @!p0 s1  }
0xd0: {  	[bflag:$0x3] =	sbarrier.arrive $0xFFFF  }
0xd1: {  	_ =	shalt  }

// kernel: kernel.14.cloned.1.call-start
scs
__scs_entry_jumppad:
0x0: {  	(pc) =	sbr.rel $0x88, $3  }
0x1: {  	(tag) =	ssettag $0x0;
	lr =	simm.s32 $0x1  }
0x2: {  	[smem:$0x3F99] =	sst lr;
	_ =	strace $0xD0000000  }
0x3: {  	_ = 	snop  }
0x4: {  	_ = 	snop  }
0x5: {  	_ = 	snop  }
0x6: {  	_ = 	snop  }
0x7: {  	_ = 	snop  }
__scs_overlays_trampoline_lowered:
0x8: {  	[smem:$0x3FA8] =	sst s0  }
0x9: {  	[smem:$0x3FA9] =	sst s1  }
0xa: {  	[smem:$0x3FAA] =	sst s2  }
0xb: {  	[smem:$0x3FAB] =	sst s3  }
0xc: {  	[smem:$0x3FAC] =	sst s4  }
0xd: {  	[smem:$0x3FAD] =	sst s5  }
0xe: {  	[smem:$0x3FAE] =	sst s6  }
0xf: {  	[smem:$0x3FAF] =	sst s7  }
0x10: {  	[smem:$0x3FB0] =	sst s8  }
0x11: {  	[smem:$0x3FB1] =	sst s9;
	s0 =	simm.s32 @!p0 $0x0  }
0x12: {  	s1 =	sld [smem:$0x3F97];
	s0 =	simm.s32 @p0 $0x1  }
0x13: {  	[smem:$0x3FB2] =	sst s0;
	s0 =	simm.s32 @!p1 $0x0  }
0x14: {  	s2 =	sld [smem:$0x3F96];
	s0 =	simm.s32 @p1 $0x1  }
0x15: {  	[smem:$0x3FB3] =	sst s0;
	s0 =	simm.s32 @!p2 $0x0  }
0x16: {  	s3 =	sld [smem:$0x3FDB];
	s0 =	simm.s32 @p2 $0x1  }
0x17: {  	s4 =	simm.s32 $0x1BF5;
	[smem:$0x3FB5] =	sst s0  }
0x18: {  	s0 =	sld [smem:$0x3F98];
	_ =	swait.ge [sflag:s4], $0x0  }
0x19: {  	s7 =	sld [smem:$0x3F99]  }
0x1a: {  	s8 =	sadd.s32 $0xFFFFE003, lr  }
0x1b: {  	s9 =	sadd.s32 $0xFFFFFEF7, lr;
	s5 =	simm.s32 $0xFFFFFFFF;
	p2 =	slt.u32 s8, $0xFFFFF086  }
0x1c: {  	p1 =	slt.u32 s9, $0xF7A;
	s5 =	simm.s32 @!p2 $0x0  }
0x1d: {  	s5 =	simm.s32 @p1 $0x1;
	p0 =	seq.s32 s7, s2  }
0x1e: {  	s7 =	smul.u32 @!p0 $0xF7A, s2;
	p2 =	seq.s32 @!p0 s5, $0x0  }
0x1f: {  	s9 =	smul.u32 $0xF7A, s1;
	s8 =	simm.s32 @!p0 $0x1BF5;
	p2 =	por !p2, p0  }
0x20: {  	[sflag:s8] =	ssyncset.s32 @!p0 $0xFFFFF086;
	s6 =	sadd.s32 @!p0 s3, s7;
	s7 =	simm.s32 @!p0 $0x108  }
0x21: {  	s3 =	sadd.s32 s3, s9;
	s6 =	sadd.s32 @!p0 $0x88, s6;
	s7 =	simm.s32 @p2 $0x1082  }
0x22: {  	[simem:s7], [sflag:s8] =	dma.local @!p0 [hbm:s6], $0xF7A  }
0x23: {  	s9 =	sor.u32 $0xD0000000, s2;
	s6 =	simm.s32 $0x108;
	_ =	swait.ge @!p0 [sflag:s8], $0x0  }
0x24: {  	s3 =	sadd.s32 $0x88, s3;
	s6 =	simm.s32 @!p1 $0x1082;
	[sflag:s4] =	ssyncset.s32 $0xFFFFF086  }
0x25: {  	[simem:s6], [sflag:s4] =	dma.local [hbm:s3], $0xF7A  }
0x26: {  	[smem:$0x3F99] =	sst s1;
	(tag) =	ssettag s2;
	_ =	strace s9  }
0x27: {  	s1 =	sld [smem:$0x3FA9]  }
0x28: {  	s2 =	sld [smem:$0x3FAA]  }
0x29: {  	s4 =	sld [smem:$0x3FAC]  }
0x2a: {  	p0 =	seq.s32 s5, $0x0;
	s5 =	sld [smem:$0x3FAD]  }
0x2b: {  	s6 =	sld [smem:$0x3FAE]  }
0x2c: {  	s7 =	sld [smem:$0x3FAF]  }
0x2d: {  	s3 =	simm.s32 $0x108;
	s8 =	sld [smem:$0x3FB0]  }
0x2e: {  	s3 =	simm.s32 @!p0 $0x1082;
	s9 =	sld [smem:$0x3FB1]  }
0x2f: {  	lr =	sadd.s32 s0, s3;
	s0 =	sld [smem:$0x3FA8]  }
0x30: {  	s3 =	sld [smem:$0x3FAB]  }
0x31: {  	[smem:$0x3FB4] =	sst s10  }
0x32: {  	s10 =	sld [smem:$0x3FB2];
	_ =	sdelay $0x3  }
0x33: {  	p0 =	seq.s32 s10, $0x1;
	s10 =	sld [smem:$0x3FB4];
	_ =	sdelay $0x3  }
0x34: {  	[smem:$0x3FB4] =	sst s10  }
0x35: {  	s10 =	sld [smem:$0x3FB3];
	_ =	sdelay $0x3  }
0x36: {  	p1 =	seq.s32 s10, $0x1;
	s10 =	sld [smem:$0x3FB4];
	_ =	sdelay $0x3  }
0x37: {  	[smem:$0x3FB4] =	sst s10  }
0x38: {  	s10 =	sld [smem:$0x3FB5]  }
0x39: {  	_ = 	snop;
	(pc) =	sbr.ind lr, $3  }
0x3a: {  	_ = 	snop  }
0x3b: {  	_ = 	snop  }
0x3c: {  	p2 =	seq.s32 s10, $0x1;
	s10 =	sld [smem:$0x3FB4]  }
0x3d: {  	_ =	shalt  }
0x3e: {  	_ =	shalt  }
0x3f: {  	_ =	shalt  }
0x40: {  	_ =	shalt  }
0x41: {  	_ =	shalt  }
0x42: {  	_ =	shalt  }
0x43: {  	_ =	shalt  }
0x44: {  	_ =	shalt  }
0x45: {  	_ =	shalt  }
0x46: {  	_ =	shalt  }
0x47: {  	_ =	shalt  }
0x48: {  	_ =	shalt  }
0x49: {  	_ =	shalt  }
0x4a: {  	_ =	shalt  }
0x4b: {  	_ =	shalt  }
0x4c: {  	_ =	shalt  }
0x4d: {  	_ =	shalt  }
0x4e: {  	_ =	shalt  }
0x4f: {  	_ =	shalt  }
0x50: {  	_ =	shalt  }
0x51: {  	_ =	shalt  }
0x52: {  	_ =	shalt  }
0x53: {  	_ =	shalt  }
0x54: {  	_ =	shalt  }
0x55: {  	_ =	shalt  }
0x56: {  	_ =	shalt  }
0x57: {  	_ =	shalt  }
0x58: {  	_ =	shalt  }
0x59: {  	_ =	shalt  }
0x5a: {  	_ =	shalt  }
0x5b: {  	_ =	shalt  }
0x5c: {  	_ =	shalt  }
0x5d: {  	_ =	shalt  }
0x5e: {  	_ =	shalt  }
0x5f: {  	_ =	shalt  }
0x60: {  	_ =	shalt  }
0x61: {  	_ =	shalt  }
0x62: {  	_ =	shalt  }
0x63: {  	_ =	shalt  }
0x64: {  	_ =	shalt  }
0x65: {  	_ =	shalt  }
0x66: {  	_ =	shalt  }
0x67: {  	_ =	shalt  }
0x68: {  	_ =	shalt  }
0x69: {  	_ =	shalt  }
0x6a: {  	_ =	shalt  }
0x6b: {  	_ =	shalt  }
0x6c: {  	_ =	shalt  }
0x6d: {  	_ =	shalt  }
0x6e: {  	_ =	shalt  }
0x6f: {  	_ =	shalt  }
0x70: {  	_ =	shalt  }
0x71: {  	_ =	shalt  }
0x72: {  	_ =	shalt  }
0x73: {  	_ =	shalt  }
0x74: {  	_ =	shalt  }
0x75: {  	_ =	shalt  }
0x76: {  	_ =	shalt  }
0x77: {  	_ =	shalt  }
0x78: {  	_ =	shalt  }
0x79: {  	_ =	shalt  }
0x7a: {  	_ =	shalt  }
0x7b: {  	_ =	shalt  }
0x7c: {  	_ =	shalt  }
0x7d: {  	_ =	shalt  }
0x7e: {  	_ =	shalt  }
0x7f: {  	_ =	shalt  }
0x80: {  	_ =	shalt  }
0x81: {  	_ =	shalt  }
0x82: {  	_ =	shalt  }
0x83: {  	_ =	shalt  }
0x84: {  	_ =	shalt  }
0x85: {  	_ =	shalt  }
0x86: {  	_ =	shalt  }
0x87: {  	_ =	shalt  }
.Lfunc_end0:
.L_simem_size_0:
called_computation.2_lowered:
.L_overlay_start_0:
0x88: {  	s2 =	sld [smem:$0x3FD9]  }
0x89: {  	s3 =	sld [smem:$0x3FFE];
	_ =	sdelay $0x1  }
0x8a: {  	s1 =	srdreg.scid  }
0x8b: {  	s0 =	sand.u32 $0x1, s1  }
0x8c: {  	s14 =	sshll.u32 s0, $0xA;
	s2 =	sadd.s32 s3, s2  }
0x8d: {  	s2 =	sadd.s32 s2, s14  }
0x8e: {  	[smem:$0x3FC0] =	sst s2  }
0x8f: {  	_ = 	snop  }
0x90: {  	s2 =	sld [smem:$0x3FD0];
	_ =	sdelay $0x2  }
0x91: {  	s15 =	simm.s32 $0xA;
	s4 =	simm.s32 $0x10  }
0x92: {  	[smem:s4], [sflag:s15] =	dma.local [hbm:s2], $0x1  }
0x93: {  	_ =	swait.eq [sflag:s15], $0x1  }
0x94: {  	[sflag:s15] =	ssyncset.done $0x0  }
0x95: {  	[sflag:s15] =	ssyncadd.s32 $0xFFFFFFFF  }
0x96: {  	s16 =	sld [smem:$0x11];
	(tm) =	ssettm $0x1  }
0x97: {  	s17 =	sld [smem:$0x3FFB];
	_ =	sdelay $0x3  }
0x98: {  	_ =	strace s17  }
0x99: {  	s3 =	sld [smem:$0x3FFC];
	_ =	sdelay $0x3  }
0x9a: {  	_ =	strace s3  }
0x9b: {  	s3 =	sld [smem:$0x3FFD];
	_ =	sdelay $0x3  }
0x9c: {  	_ =	strace s3  }
0x9d: {  	_ =	strace $0x8FFFFFFF  }
0x9e: {  	s18 =	sld [smem:$0x3FDB];
	_ =	sdelay $0x1  }
0x9f: {  	s19 =	simm.s32 $_scs_section_size  }
0xa0: {  	s5 =	simm.s32 $_size__tile_overlayer_lowered;
	s6 =	simm.s32 $_tile_overlayer_lowered  }
0xa1: {  	s22 =	simm.s32 $0x1BFF;
	s21 =	sshll.u32 s6, $0x1;
	s3 =	sadd.s32 s19, s18  }
0xa2: {  	s7 =	simm.s32 $0x0;
	s20 =	sshll.u32 s5, $0x1;
	s5 =	sadd.s32 s21, s3  }
0xa3: {  	[timem:s7], [sflag:s22] =	dma.local [hbm:s5], s20  }
0xa4: {  	_ =	swait.ge [sflag:s22], s20  }
0xa5: {  	s4 =	ssub.s32 $0x0, s20;
	[sflag:s22] =	ssyncset.done $0x0  }
0xa6: {  	[sflag:s22] =	ssyncadd.s32 s4;
	_ =	sdelay $0x1  }
0xa7: {  	s23 =	simm.s32 $0x1B8B  }
0xa8: {  	_ =	swait.ge [sflag:s23], $0x1  }
0xa9: {  	[sflag:s23] =	ssyncset.done $0x0  }
0xaa: {  	s25 =	simm.s32 $0x1B8E;
	s24 =	sld [smem:$0x3FFE];
	[sflag:s23] =	ssyncadd.s32 $0xFFFFFFFF  }
0xab: {  	s26 =	simm.s32 $execute0_lowered;
	[smem:$0x3FD2] =	sst s25  }
0xac: {  	s5 =	sshll.u32 s26, $0x1;
	_ =	strace $0x8000004C;
	[dreg:$0x1] =	wrdreg $0xFFFFFFFF  }
0xad: {  	s28 =	simm.s32 $_size_execute0_lowered;
	s3 =	sadd.s32 s3, s5;
	[dreg:$0x0] =	wrdreg $0x0  }
0xae: {  	s5 =	sshll.u32 s28, $0x1;
	[dreg:$0x2] =	wrdreg s3  }
0xaf: {  	[dreg:$0x3] =	wrdreg s5  }
0xb0: {  	[dreg:$0x4] =	wrdreg $0xC0  }
0xb1: {  	_ =	task [dreg:s7], $0x5FFFF  }
0xb2: {  	[dreg:$0x1] =	wrdreg $0xFFFFFFFF  }
0xb3: {  	[dreg:$0x0] =	wrdreg $0x60  }
0xb4: {  	[dreg:$0x2] =	wrdreg s24  }
0xb5: {  	[dreg:$0x3] =	wrdreg s16  }
0xb6: {  	[dreg:$0x4] =	wrdreg $0x28A00  }
0xb7: {  	[dreg:$0x5] =	wrdreg $0x9  }
0xb8: {  	_ =	task.clear_ibuf [dreg:s7], $0x6FFFF;
	_ =	strace $0x9000004C  }
0xb9: {  	s29 =	simm.s32 $0x9;
	_ =	strace $0x8000004E  }
0xba: {  	_ =	swait.ge [sflag:s29], $0x1  }
0xbb: {  	[sflag:s29] =	ssyncadd.s32 $0xFFFFFFFF  }
0xbc: {  	_ =	strace $0x9000004E  }
0xbd: {  	_ =	sfence  }
0xbe: {  	s30 =	sld [smem:$0x0];
	_ =	sdelay $0x2  }
0xbf: {  	s31 =	sshll.u32 s1, $0xD;
	s1 =	sshrl.u32 s1, $0x2  }
0xc0: {  	s3 =	sand.u32 $0x4000, s31;
	s1 =	sadd.s32 s1, s30  }
0xc1: {  	s0 =	sor.u32 s3, s0;
	s1 =	sshll.u32 s1, $0x11  }
0xc2: {  	s0 =	sor.u32 s1, s0  }
0xc3: {  	s0 =	sadd.s32 $0x8F2B, s0  }
0xc4: {  	[sflag:s0] =	ssyncadd.remote.s32 $0x1  }
0xc5: {  	_ =	sfence.sel $0xFFFF  }
0xc6: {  	[dreg:$0x0] =	wrdreg $0xFFFFFFFF;
	(pc) =	sbr.abs _section_cstart, $3  }
0xc7: {  	[dreg:$0x1] =	wrdreg $0xFFFFFFFF  }
0xc8: {  	_ =	task.clear_ibuf [dreg:s7], $0x2FFFF;
	_ =	strace $0x9FFFFFFF  }
0xc9: {  	(tm) =	ssettm $0x7FFFFFFF  }
tec
execute0_lowered:
.L_overlay_start_1:
0x0: {  	(tag) =	ssettag $0x1  }
0x1: {  	s0 =	rddreg [dreg:$0x0]  }
0x2: {  	s23 =	rddreg [dreg:$0x1];
	s1 =	srdreg.scid  }
0x3: {  	s2 =	rddreg [dreg:$0x2];
	s18 =	stileid.u32  }
0x4: {  	s3 =	simm.s32 $0x0;
	s29 =	simm.s32 $0x1;
	s5 =	smul.u32 $0x2710, s18  }
0x5: {  	s30 =	simm.s32 $0x0;
	s9 =	sand.u32 $0x1, s1;
	s12 =	smul.u32 $0xA000, s18  }
0x6: {  	[smem:$0x7FF] =	sst s3;
	s4 =	smul.u32 $0x27100, s9;
	s19 =	ssub.s32 $0x2, s9  }
0x7: {  	_ =	strace $0x8000004D;
	s18 =	smul.u32 $0xA0000, s9;
	s6 =	sshrl.u32 s19, $0x1  }
0x8: {  	s13 =	sor.u32 $0x1400, s12;
	s14 =	sadd.s32 $0x2800, s12;
	s15 =	sadd.s32 $0x3C00, s12  }
0x9: {  	s16 =	sadd.s32 $0x5000, s12;
	s17 =	sadd.s32 $0x6400, s12;
	s4 =	sadd.s32 s5, s4  }
0xa: {  	s21 =	ssub.s32 s19, s6;
	s5 =	sadd.s32 s12, s2;
	s6 =	sadd.s32 s13, s2  }
0xb: {  	s7 =	sadd.s32 s14, s2;
	s8 =	sadd.s32 s15, s2;
	s9 =	sadd.s32 s16, s2  }
0xc: {  	s10 =	sadd.s32 s17, s2;
	s19 =	sadd.s32 $0x7800, s12;
	s20 =	sadd.s32 s12, s18  }
0xd: {  	s13 =	sadd.s32 s18, s13;
	s12 =	sadd.s32 $0x8C00, s12;
	s26 =	sadd.s32 s18, s14  }
0xe: {  	s15 =	sadd.s32 s18, s15;
	s16 =	sadd.s32 s18, s16;
	s28 =	sadd.s32 s18, s17  }
0xf: {  	s24 =	sshrl.u32 s4, $0x3;
	s4 =	sadd.s32 $0xCC00, s0;
	s11 =	sadd.s32 s19, s2  }
0x10: {  	s20 =	sshrl.u32 s20, $0x3;
	s25 =	sshrl.u32 s13, $0x3;
	s19 =	sadd.s32 s18, s19  }
0x11: {  	s18 =	sadd.s32 s18, s12;
	s12 =	sadd.s32 s12, s2;
	s1 =	sshrl.u32 s26, $0x3  }
0x12: {  	s13 =	sshrl.u32 s15, $0x3;
	s14 =	sshrl.u32 s16, $0x3;
	s26 =	sshrl.u32 s28, $0x3  }
0x13: {  	s21 =	smax.u32 s21, $0x1;
	s28 =	simm.s32 $0xA0;
	s22 =	sadd.s32 s24, s0  }
0x14: {  	s0 =	sadd.s32 $0x20C00, s0;
	s19 =	sshrl.u32 s19, $0x3;
	s23 =	sadd.s32 s24, s23  }
0x15: {  	s24 =	simm.s32 $0x14A0;
	s20 =	sadd.s32 s0, s20;
	s31 =	sadd.s32 s0, s25  }
0x16: {  	s15 =	sadd.s32 s0, s1;
	s16 =	sadd.s32 s0, s13;
	s17 =	sadd.s32 s0, s14  }
0x17: {  	s19 =	sadd.s32 s0, s19;
	s22 =	sadd.s32 $0x2E00, s22;
	[dreg:$0x4] =	wrdreg s20  }
0x18: {  	s25 =	simm.s32 $0x2;
	[dreg:$0x5] =	wrdreg s31;
	s31 =	sshrl.u32 s18, $0x3  }
0x19: {  	v0 =	vimm.f32 $0.0e+00;
	s18 =	sadd.s32 s0, s26;
	s26 =	simm.s32 $0x50;
	s20 =	sadd.s32 s0, s31  }
.LBB2_1:
0x1a: {  	s0 =	simm.s32 $0x100;
	s31 =	simm.s32 $0x0  }
.LBB2_2:
0x1b: {  	p0 =	sne.s32 s0, $0x4F00;
	[tilespmem:s31+$0x14D0] =	vst v0;
	s1 =	smov.u32 s0;
	s0 =	sadd.s32 $0x100, s0  }
.Ltmp0:
0x1c: {  	[tilespmem:s31+$0x14C0] =	vst v0;
	(pc) =	sbr.rel @p0 .LBB2_2-.Ltmp0, $3  }
0x1d: {  	[tilespmem:s31+$0x14A0] =	vst v0  }
0x1e: {  	[tilespmem:s31+$0x14B0] =	vst v0;
	_ =	sdelay $0x1  }
0x1f: {  	s31 =	sshra.s32 s1, $0x2  }
0x20: {  	[tilespmem:s31+$0x14D0] =	vst v0  }
0x21: {  	[tilespmem:s31+$0x14C0] =	vst v0  }
0x22: {  	[tilespmem:s31+$0x14A0] =	vst v0  }
0x23: {  	[tilespmem:s31+$0x14B0] =	vst v0  }
0x24: {  	[spmem:s5] =	stream.linear.scatter [tilespmem:s24], [sflag:$0x2], $0x1400, $0x38;
	[tilespmem:$0xC8A0] =	vst v63  }
0x25: {  	_ =	swait.ge [sflag:s25], $0x1400  }
0x26: {  	[sflag:s25] =	ssyncset.done $0x0  }
0x27: {  	[sflag:s25] =	ssyncadd.s32 $0xFFFFEC00  }
0x28: {  	[spmem:s6] =	stream.linear.scatter [tilespmem:s24], [sflag:$0x2], $0x1400, $0x38;
	[tilespmem:$0xC8A0] =	vst v63  }
0x29: {  	_ =	swait.ge [sflag:s25], $0x1400  }
0x2a: {  	[sflag:s25] =	ssyncset.done $0x0  }
0x2b: {  	[sflag:s25] =	ssyncadd.s32 $0xFFFFEC00  }
0x2c: {  	[spmem:s7] =	stream.linear.scatter [tilespmem:s24], [sflag:$0x2], $0x1400, $0x38;
	[tilespmem:$0xC8A0] =	vst v63  }
0x2d: {  	_ =	swait.ge [sflag:s25], $0x1400  }
0x2e: {  	[sflag:s25] =	ssyncset.done $0x0  }
0x2f: {  	[sflag:s25] =	ssyncadd.s32 $0xFFFFEC00  }
0x30: {  	[spmem:s8] =	stream.linear.scatter [tilespmem:s24], [sflag:$0x2], $0x1400, $0x38;
	[tilespmem:$0xC8A0] =	vst v63  }
0x31: {  	_ =	swait.ge [sflag:s25], $0x1400  }
0x32: {  	[sflag:s25] =	ssyncset.done $0x0  }
0x33: {  	[sflag:s25] =	ssyncadd.s32 $0xFFFFEC00  }
0x34: {  	[spmem:s9] =	stream.linear.scatter [tilespmem:s24], [sflag:$0x2], $0x1400, $0x38;
	[tilespmem:$0xC8A0] =	vst v63  }
0x35: {  	_ =	swait.ge [sflag:s25], $0x1400  }
0x36: {  	[sflag:s25] =	ssyncset.done $0x0  }
0x37: {  	[sflag:s25] =	ssyncadd.s32 $0xFFFFEC00  }
0x38: {  	[spmem:s10] =	stream.linear.scatter [tilespmem:s24], [sflag:$0x2], $0x1400, $0x38;
	[tilespmem:$0xC8A0] =	vst v63  }
0x39: {  	_ =	swait.ge [sflag:s25], $0x1400  }
0x3a: {  	[sflag:s25] =	ssyncset.done $0x0  }
0x3b: {  	[sflag:s25] =	ssyncadd.s32 $0xFFFFEC00  }
0x3c: {  	[spmem:s11] =	stream.linear.scatter [tilespmem:s24], [sflag:$0x2], $0x1400, $0x38;
	[tilespmem:$0xC8A0] =	vst v63  }
0x3d: {  	_ =	swait.ge [sflag:s25], $0x1400  }
0x3e: {  	[sflag:s25] =	ssyncset.done $0x0  }
0x3f: {  	[sflag:s25] =	ssyncadd.s32 $0xFFFFEC00  }
0x40: {  	[spmem:s12] =	stream.linear.scatter [tilespmem:s24], [sflag:$0x2], $0x1400, $0x38;
	[tilespmem:$0xC8A0] =	vst v63  }
0x41: {  	_ =	swait.ge [sflag:s25], $0x1400  }
0x42: {  	[sflag:s25] =	ssyncset.done $0x0  }
0x43: {  	[sflag:s25] =	ssyncadd.s32 $0xFFFFEC00  }
0x44: {  	s0 =	sadd.s32 $0x0, s23;
	[bflag:$0x0] =	sbarrier.arrive $0xFFFF  }
0x45: {  	[tilespmem:s3], [sflag:$0x2] =	stream.linear.gather [hbm4b:s0+s3], $0x50, $0x38;
	[tilespmem:$0xC8A0] =	vst v63  }
0x46: {  	_ =	swait.ge [sflag:s25], $0x50  }
0x47: {  	[sflag:s25] =	ssyncset.done $0x0  }
0x48: {  	s14 =	sadd.s32 $0x0, s22;
	[sflag:s25] =	ssyncadd.s32 $0xFFFFFFB0  }
0x49: {  	[tilespmem:s26], [sflag:$0x2] =	stream.linear.gather [hbm4b:s14+s3], $0x50, $0x38;
	[tilespmem:$0xC8A0] =	vst v63  }
0x4a: {  	_ =	swait.ge [sflag:s25], $0x50  }
0x4b: {  	[sflag:s25] =	ssyncset.done $0x0  }
0x4c: {  	[sflag:s25] =	ssyncadd.s32 $0xFFFFFFB0  }
0x4d: {  	[tilespmem:s28], [sflag:$0x1] =	stream.indirect.gather [hbm4b:s4+s26], $0x40, s3, s26, $0xb8;
	[tilespmem:$0xC8A0] =	vst v63  }
0x4e: {  	_ =	swait.ge [sflag:s29], $0x1400  }
0x4f: {  	[sflag:s29] =	ssyncset.done $0x0  }
0x50: {  	[sflag:s29] =	ssyncadd.s32 $0xFFFFEC00  }
0x51: {  	[spmem:s2] =	stream.indirect.scatter.add.f32 [tilespmem:s28], [sflag:$0x2], $0x40, s26, s26, $0xb8;
	[tilespmem:$0xC8A0] =	vst v63  }
0x52: {  	_ =	swait.ge [sflag:s25], $0x1400  }
0x53: {  	s31 =	simm.s32 $0xA;
	s0 =	simm.s32 $0x14;
	[sflag:s25] =	ssyncset.done $0x0  }
.LBB2_4:
0x54: {  	s1 =	sadd.s32 s31, s23  }
0x55: {  	[sflag:s25] =	ssyncadd.s32 $0xFFFFEC00;
	s13 =	smov.u32 s0;
	s14 =	sadd.s32 $0xA, s0  }
0x56: {  	[tilespmem:s3], [sflag:$0x2] =	stream.linear.gather [hbm4b:s1+s3], $0x50, $0x38;
	[tilespmem:$0xC8A0] =	vst v63  }
0x57: {  	p0 =	sne.s32 s0, $0x4D8;
	_ =	swait.ge [sflag:s25], $0x50  }
0x58: {  	[sflag:s25] =	ssyncset.done $0x0  }
0x59: {  	s0 =	sadd.s32 s31, s22;
	s31 =	smov.u32 s13;
	[sflag:s25] =	ssyncadd.s32 $0xFFFFFFB0  }
0x5a: {  	[tilespmem:s26], [sflag:$0x2] =	stream.linear.gather [hbm4b:s0+s3], $0x50, $0x38;
	[tilespmem:$0xC8A0] =	vst v63  }
0x5b: {  	_ =	swait.ge [sflag:s25], $0x50  }
0x5c: {  	[sflag:s25] =	ssyncset.done $0x0  }
0x5d: {  	[sflag:s25] =	ssyncadd.s32 $0xFFFFFFB0  }
0x5e: {  	[tilespmem:s28], [sflag:$0x1] =	stream.indirect.gather [hbm4b:s4+s26], $0x40, s3, s26, $0xb8;
	[tilespmem:$0xC8A0] =	vst v63  }
0x5f: {  	_ =	swait.ge [sflag:s29], $0x1400  }
.Ltmp1:
0x60: {  	[sflag:s29] =	ssyncset.done $0x0;
	(pc) =	sbr.rel @p0 .LBB2_4-.Ltmp1, $4  }
0x61: {  	[sflag:s29] =	ssyncadd.s32 $0xFFFFEC00  }
0x62: {  	[spmem:s2] =	stream.indirect.scatter.add.f32 [tilespmem:s28], [sflag:$0x2], $0x40, s26, s26, $0xb8;
	[tilespmem:$0xC8A0] =	vst v63  }
0x63: {  	_ =	swait.ge [sflag:s25], $0x1400  }
0x64: {  	s0 =	smov.u32 s14;
	[sflag:s25] =	ssyncset.done $0x0  }
0x65: {  	s0 =	sadd.s32 s31, s23;
	[sflag:s25] =	ssyncadd.s32 $0xFFFFEC00  }
0x66: {  	[tilespmem:s3], [sflag:$0x2] =	stream.linear.gather [hbm4b:s0+s3], $0x50, $0x38;
	[tilespmem:$0xC8A0] =	vst v63  }
0x67: {  	_ =	swait.ge [sflag:s25], $0x50  }
0x68: {  	[sflag:s25] =	ssyncset.done $0x0  }
0x69: {  	s13 =	sadd.s32 s31, s22;
	[sflag:s25] =	ssyncadd.s32 $0xFFFFFFB0  }
0x6a: {  	[tilespmem:s26], [sflag:$0x2] =	stream.linear.gather [hbm4b:s13+s3], $0x50, $0x38;
	[tilespmem:$0xC8A0] =	vst v63  }
0x6b: {  	_ =	swait.ge [sflag:s25], $0x50  }
0x6c: {  	[sflag:s25] =	ssyncset.done $0x0  }
0x6d: {  	[sflag:s25] =	ssyncadd.s32 $0xFFFFFFB0  }
0x6e: {  	[tilespmem:s28], [sflag:$0x1] =	stream.indirect.gather [hbm4b:s4+s26], $0x40, s3, s26, $0xb8;
	[tilespmem:$0xC8A0] =	vst v63  }
0x6f: {  	_ =	swait.ge [sflag:s29], $0x1400  }
0x70: {  	[sflag:s29] =	ssyncset.done $0x0  }
0x71: {  	[sflag:s29] =	ssyncadd.s32 $0xFFFFEC00  }
0x72: {  	[spmem:s2] =	stream.indirect.scatter.add.f32 [tilespmem:s28], [sflag:$0x2], $0x40, s26, s26, $0xb8;
	[tilespmem:$0xC8A0] =	vst v63  }
0x73: {  	_ =	swait.ge [sflag:s25], $0x1400  }
0x74: {  	[sflag:s25] =	ssyncset.done $0x0  }
0x75: {  	[sflag:s25] =	ssyncadd.s32 $0xFFFFEC00  }
0x76: {  	[bflag:$0x0] =	sbarrier.arrive $0xFFFF  }
0x77: {  	[tilespmem:s24], [sflag:$0x2] =	stream.linear.gather [spmem:s5], $0x1400, $0x38;
	[tilespmem:$0xC8A0] =	vst v63  }
0x78: {  	_ =	swait.ge [sflag:s25], $0x1400  }
0x79: {  	[sflag:s25] =	ssyncset.done $0x0  }
0x7a: {  	s14 =	rddreg [dreg:$0x4];
	[sflag:s25] =	ssyncadd.s32 $0xFFFFEC00  }
0x7b: {  	[hbm4b:s14+s3] =	stream.linear.scatter [tilespmem:s24], [sflag:$0x2], $0x1400, $0x38;
	[tilespmem:$0xC8A0] =	vst v63  }
0x7c: {  	_ =	swait.ge [sflag:s25], $0x1400  }
0x7d: {  	[sflag:s25] =	ssyncset.done $0x0  }
0x7e: {  	[sflag:s25] =	ssyncadd.s32 $0xFFFFEC00  }
0x7f: {  	[tilespmem:s24], [sflag:$0x2] =	stream.linear.gather [spmem:s6], $0x1400, $0x38;
	[tilespmem:$0xC8A0] =	vst v63  }
0x80: {  	_ =	swait.ge [sflag:s25], $0x1400  }
0x81: {  	[sflag:s25] =	ssyncset.done $0x0  }
0x82: {  	s31 =	rddreg [dreg:$0x5];
	[sflag:s25] =	ssyncadd.s32 $0xFFFFEC00  }
0x83: {  	[hbm4b:s31+s3] =	stream.linear.scatter [tilespmem:s24], [sflag:$0x2], $0x1400, $0x38;
	[tilespmem:$0xC8A0] =	vst v63  }
0x84: {  	_ =	swait.ge [sflag:s25], $0x1400  }
0x85: {  	[sflag:s25] =	ssyncset.done $0x0  }
0x86: {  	[sflag:s25] =	ssyncadd.s32 $0xFFFFEC00  }
0x87: {  	[tilespmem:s24], [sflag:$0x2] =	stream.linear.gather [spmem:s7], $0x1400, $0x38;
	[tilespmem:$0xC8A0] =	vst v63  }
0x88: {  	_ =	swait.ge [sflag:s25], $0x1400  }
0x89: {  	[sflag:s25] =	ssyncset.done $0x0  }
0x8a: {  	[sflag:s25] =	ssyncadd.s32 $0xFFFFEC00  }
0x8b: {  	[hbm4b:s15+s3] =	stream.linear.scatter [tilespmem:s24], [sflag:$0x2], $0x1400, $0x38;
	[tilespmem:$0xC8A0] =	vst v63  }
0x8c: {  	_ =	swait.ge [sflag:s25], $0x1400  }
0x8d: {  	[sflag:s25] =	ssyncset.done $0x0  }
0x8e: {  	[sflag:s25] =	ssyncadd.s32 $0xFFFFEC00  }
0x8f: {  	[tilespmem:s24], [sflag:$0x2] =	stream.linear.gather [spmem:s8], $0x1400, $0x38;
	[tilespmem:$0xC8A0] =	vst v63  }
0x90: {  	_ =	swait.ge [sflag:s25], $0x1400  }
0x91: {  	[sflag:s25] =	ssyncset.done $0x0  }
0x92: {  	[sflag:s25] =	ssyncadd.s32 $0xFFFFEC00  }
0x93: {  	[hbm4b:s16+s3] =	stream.linear.scatter [tilespmem:s24], [sflag:$0x2], $0x1400, $0x38;
	[tilespmem:$0xC8A0] =	vst v63  }
0x94: {  	_ =	swait.ge [sflag:s25], $0x1400  }
0x95: {  	[sflag:s25] =	ssyncset.done $0x0  }
0x96: {  	[sflag:s25] =	ssyncadd.s32 $0xFFFFEC00  }
0x97: {  	[tilespmem:s24], [sflag:$0x2] =	stream.linear.gather [spmem:s9], $0x1400, $0x38;
	[tilespmem:$0xC8A0] =	vst v63  }
0x98: {  	_ =	swait.ge [sflag:s25], $0x1400  }
0x99: {  	[sflag:s25] =	ssyncset.done $0x0  }
0x9a: {  	[sflag:s25] =	ssyncadd.s32 $0xFFFFEC00  }
0x9b: {  	[hbm4b:s17+s3] =	stream.linear.scatter [tilespmem:s24], [sflag:$0x2], $0x1400, $0x38;
	[tilespmem:$0xC8A0] =	vst v63  }
0x9c: {  	_ =	swait.ge [sflag:s25], $0x1400  }
0x9d: {  	[sflag:s25] =	ssyncset.done $0x0  }
0x9e: {  	[sflag:s25] =	ssyncadd.s32 $0xFFFFEC00  }
0x9f: {  	[tilespmem:s24], [sflag:$0x2] =	stream.linear.gather [spmem:s10], $0x1400, $0x38;
	[tilespmem:$0xC8A0] =	vst v63  }
0xa0: {  	_ =	swait.ge [sflag:s25], $0x1400  }
0xa1: {  	[sflag:s25] =	ssyncset.done $0x0  }
0xa2: {  	[sflag:s25] =	ssyncadd.s32 $0xFFFFEC00  }
0xa3: {  	[hbm4b:s18+s3] =	stream.linear.scatter [tilespmem:s24], [sflag:$0x2], $0x1400, $0x38;
	[tilespmem:$0xC8A0] =	vst v63  }
0xa4: {  	_ =	swait.ge [sflag:s25], $0x1400  }
0xa5: {  	[sflag:s25] =	ssyncset.done $0x0  }
0xa6: {  	[sflag:s25] =	ssyncadd.s32 $0xFFFFEC00  }
0xa7: {  	[tilespmem:s24], [sflag:$0x2] =	stream.linear.gather [spmem:s11], $0x1400, $0x38;
	[tilespmem:$0xC8A0] =	vst v63  }
0xa8: {  	_ =	swait.ge [sflag:s25], $0x1400  }
0xa9: {  	[sflag:s25] =	ssyncset.done $0x0  }
0xaa: {  	[sflag:s25] =	ssyncadd.s32 $0xFFFFEC00  }
0xab: {  	[hbm4b:s19+s3] =	stream.linear.scatter [tilespmem:s24], [sflag:$0x2], $0x1400, $0x38;
	[tilespmem:$0xC8A0] =	vst v63  }
0xac: {  	_ =	swait.ge [sflag:s25], $0x1400  }
0xad: {  	[sflag:s25] =	ssyncset.done $0x0  }
0xae: {  	[sflag:s25] =	ssyncadd.s32 $0xFFFFEC00  }
0xaf: {  	[tilespmem:s24], [sflag:$0x2] =	stream.linear.gather [spmem:s12], $0x1400, $0x38;
	[tilespmem:$0xC8A0] =	vst v63  }
0xb0: {  	s30 =	sadd.s32 $0x1, s30;
	_ =	swait.ge [sflag:s25], $0x1400  }
0xb1: {  	p0 =	sne.s32 s30, s21;
	[sflag:s25] =	ssyncset.done $0x0  }
.Ltmp2:
0xb2: {  	[sflag:s25] =	ssyncadd.s32 $0xFFFFEC00;
	(pc) =	sbr.rel @p0 .LBB2_1-.Ltmp2, $4  }
0xb3: {  	[hbm4b:s20+s3] =	stream.linear.scatter [tilespmem:s24], [sflag:$0x2], $0x1400, $0x38;
	[tilespmem:$0xC8A0] =	vst v63  }
0xb4: {  	_ =	swait.ge [sflag:s25], $0x1400  }
0xb5: {  	[sflag:s25] =	ssyncset.done $0x0  }
0xb6: {  	[sflag:s25] =	ssyncadd.s32 $0xFFFFEC00  }
0xb7: {  	_ =	sfence.sel $0x180000  }
0xb8: {  	[bflag:$0x0] =	sbarrier.arrive $0xFFFF  }
0xb9: {  	_ =	strace $0x9000004D  }
0xba: {  	s0 =	stileid.u32;
	[bflag:$0x2] =	sbarrier.arrive $0xFFFF  }
0xbb: {  	p0 =	sne.s32 s0, $0x0;
	s0 =	rddreg [dreg:$0x3]  }
0xbc: {  	s0 =	sadd.s32 @!p0 $0x100000, s0  }
0xbd: {  	[sflag:s0] =	ssyncadd.tile.s32 @!p0 $0x1;
	_ =	shalt  }
.Lfunc_end2:
_tile_overlayer_lowered:
.L_overlay_start_2:
0xbe: {  	(tag) =	ssettag $0x2  }
0xbf: {  	s0 =	rddreg [dreg:$0x0];
	s2 =	stileid.u32  }
0xc0: {  	s1 =	rddreg [dreg:$0x1];
	p0 =	sne.s32 s2, $0x0  }
0xc1: {  	s3 =	rddreg [dreg:$0x2];
	[bflag:$0x3] =	sbarrier.arrive $0xFFFF;
	s2 =	simm.s32 @!p0 $0x1C02  }
0xc2: {  	[timem:s3], [sflag:s2] =	dma.local @!p0 [hbm:s0], s1  }
0xc3: {  	s0 =	simm.s32 @!p0 $0x2  }
0xc4: {  	_ =	swait.ge @!p0 [sflag:s0], s1  }
0xc5: {  	s1 =	ssub.s32 @!p0 $0x0, s1;
	[sflag:s0] =	ssyncset.done @!p0 $0x0  }
0xc6: {  	[sflag:s0] =	ssyncadd.s32 @!p0 s1  }
0xc7: {  	[bflag:$0x3] =	sbarrier.arrive $0xFFFF  }
0xc8: {  	_ =	shalt  }

// kernel: kernel.8.cloned.1.call-start
scs
__scs_entry_jumppad:
0x0: {  	(pc) =	sbr.rel $0x88, $3  }
0x1: {  	(tag) =	ssettag $0x0;
	lr =	simm.s32 $0x1  }
0x2: {  	[smem:$0x3F99] =	sst lr;
	_ =	strace $0xD0000000  }
0x3: {  	_ = 	snop  }
0x4: {  	_ = 	snop  }
0x5: {  	_ = 	snop  }
0x6: {  	_ = 	snop  }
0x7: {  	_ = 	snop  }
__scs_overlays_trampoline_lowered:
0x8: {  	[smem:$0x3FA8] =	sst s0  }
0x9: {  	[smem:$0x3FA9] =	sst s1  }
0xa: {  	[smem:$0x3FAA] =	sst s2  }
0xb: {  	[smem:$0x3FAB] =	sst s3  }
0xc: {  	[smem:$0x3FAC] =	sst s4  }
0xd: {  	[smem:$0x3FAD] =	sst s5  }
0xe: {  	[smem:$0x3FAE] =	sst s6  }
0xf: {  	[smem:$0x3FAF] =	sst s7  }
0x10: {  	[smem:$0x3FB0] =	sst s8  }
0x11: {  	[smem:$0x3FB1] =	sst s9;
	s0 =	simm.s32 @!p0 $0x0  }
0x12: {  	s1 =	sld [smem:$0x3F97];
	s0 =	simm.s32 @p0 $0x1  }
0x13: {  	[smem:$0x3FB2] =	sst s0;
	s0 =	simm.s32 @!p1 $0x0  }
0x14: {  	s2 =	sld [smem:$0x3F96];
	s0 =	simm.s32 @p1 $0x1  }
0x15: {  	[smem:$0x3FB3] =	sst s0;
	s0 =	simm.s32 @!p2 $0x0  }
0x16: {  	s3 =	sld [smem:$0x3FDB];
	s0 =	simm.s32 @p2 $0x1  }
0x17: {  	s4 =	simm.s32 $0x1BF5;
	[smem:$0x3FB5] =	sst s0  }
0x18: {  	s0 =	sld [smem:$0x3F98];
	_ =	swait.ge [sflag:s4], $0x0  }
0x19: {  	s7 =	sld [smem:$0x3F99]  }
0x1a: {  	s8 =	sadd.s32 $0xFFFFE003, lr  }
0x1b: {  	s9 =	sadd.s32 $0xFFFFFEF7, lr;
	s5 =	simm.s32 $0xFFFFFFFF;
	p2 =	slt.u32 s8, $0xFFFFF086  }
0x1c: {  	p1 =	slt.u32 s9, $0xF7A;
	s5 =	simm.s32 @!p2 $0x0  }
0x1d: {  	s5 =	simm.s32 @p1 $0x1;
	p0 =	seq.s32 s7, s2  }
0x1e: {  	s7 =	smul.u32 @!p0 $0xF7A, s2;
	p2 =	seq.s32 @!p0 s5, $0x0  }
0x1f: {  	s9 =	smul.u32 $0xF7A, s1;
	s8 =	simm.s32 @!p0 $0x1BF5;
	p2 =	por !p2, p0  }
0x20: {  	[sflag:s8] =	ssyncset.s32 @!p0 $0xFFFFF086;
	s6 =	sadd.s32 @!p0 s3, s7;
	s7 =	simm.s32 @!p0 $0x108  }
0x21: {  	s3 =	sadd.s32 s3, s9;
	s6 =	sadd.s32 @!p0 $0x88, s6;
	s7 =	simm.s32 @p2 $0x1082  }
0x22: {  	[simem:s7], [sflag:s8] =	dma.local @!p0 [hbm:s6], $0xF7A  }
0x23: {  	s9 =	sor.u32 $0xD0000000, s2;
	s6 =	simm.s32 $0x108;
	_ =	swait.ge @!p0 [sflag:s8], $0x0  }
0x24: {  	s3 =	sadd.s32 $0x88, s3;
	s6 =	simm.s32 @!p1 $0x1082;
	[sflag:s4] =	ssyncset.s32 $0xFFFFF086  }
0x25: {  	[simem:s6], [sflag:s4] =	dma.local [hbm:s3], $0xF7A  }
0x26: {  	[smem:$0x3F99] =	sst s1;
	(tag) =	ssettag s2;
	_ =	strace s9  }
0x27: {  	s1 =	sld [smem:$0x3FA9]  }
0x28: {  	s2 =	sld [smem:$0x3FAA]  }
0x29: {  	s4 =	sld [smem:$0x3FAC]  }
0x2a: {  	p0 =	seq.s32 s5, $0x0;
	s5 =	sld [smem:$0x3FAD]  }
0x2b: {  	s6 =	sld [smem:$0x3FAE]  }
0x2c: {  	s7 =	sld [smem:$0x3FAF]  }
0x2d: {  	s3 =	simm.s32 $0x108;
	s8 =	sld [smem:$0x3FB0]  }
0x2e: {  	s3 =	simm.s32 @!p0 $0x1082;
	s9 =	sld [smem:$0x3FB1]  }
0x2f: {  	lr =	sadd.s32 s0, s3;
	s0 =	sld [smem:$0x3FA8]  }
0x30: {  	s3 =	sld [smem:$0x3FAB]  }
0x31: {  	[smem:$0x3FB4] =	sst s10  }
0x32: {  	s10 =	sld [smem:$0x3FB2];
	_ =	sdelay $0x3  }
0x33: {  	p0 =	seq.s32 s10, $0x1;
	s10 =	sld [smem:$0x3FB4];
	_ =	sdelay $0x3  }
0x34: {  	[smem:$0x3FB4] =	sst s10  }
0x35: {  	s10 =	sld [smem:$0x3FB3];
	_ =	sdelay $0x3  }
0x36: {  	p1 =	seq.s32 s10, $0x1;
	s10 =	sld [smem:$0x3FB4];
	_ =	sdelay $0x3  }
0x37: {  	[smem:$0x3FB4] =	sst s10  }
0x38: {  	s10 =	sld [smem:$0x3FB5]  }
0x39: {  	_ = 	snop;
	(pc) =	sbr.ind lr, $3  }
0x3a: {  	_ = 	snop  }
0x3b: {  	_ = 	snop  }
0x3c: {  	p2 =	seq.s32 s10, $0x1;
	s10 =	sld [smem:$0x3FB4]  }
0x3d: {  	_ =	shalt  }
0x3e: {  	_ =	shalt  }
0x3f: {  	_ =	shalt  }
0x40: {  	_ =	shalt  }
0x41: {  	_ =	shalt  }
0x42: {  	_ =	shalt  }
0x43: {  	_ =	shalt  }
0x44: {  	_ =	shalt  }
0x45: {  	_ =	shalt  }
0x46: {  	_ =	shalt  }
0x47: {  	_ =	shalt  }
0x48: {  	_ =	shalt  }
0x49: {  	_ =	shalt  }
0x4a: {  	_ =	shalt  }
0x4b: {  	_ =	shalt  }
0x4c: {  	_ =	shalt  }
0x4d: {  	_ =	shalt  }
0x4e: {  	_ =	shalt  }
0x4f: {  	_ =	shalt  }
0x50: {  	_ =	shalt  }
0x51: {  	_ =	shalt  }
0x52: {  	_ =	shalt  }
0x53: {  	_ =	shalt  }
0x54: {  	_ =	shalt  }
0x55: {  	_ =	shalt  }
0x56: {  	_ =	shalt  }
0x57: {  	_ =	shalt  }
0x58: {  	_ =	shalt  }
0x59: {  	_ =	shalt  }
0x5a: {  	_ =	shalt  }
0x5b: {  	_ =	shalt  }
0x5c: {  	_ =	shalt  }
0x5d: {  	_ =	shalt  }
0x5e: {  	_ =	shalt  }
0x5f: {  	_ =	shalt  }
0x60: {  	_ =	shalt  }
0x61: {  	_ =	shalt  }
0x62: {  	_ =	shalt  }
0x63: {  	_ =	shalt  }
0x64: {  	_ =	shalt  }
0x65: {  	_ =	shalt  }
0x66: {  	_ =	shalt  }
0x67: {  	_ =	shalt  }
0x68: {  	_ =	shalt  }
0x69: {  	_ =	shalt  }
0x6a: {  	_ =	shalt  }
0x6b: {  	_ =	shalt  }
0x6c: {  	_ =	shalt  }
0x6d: {  	_ =	shalt  }
0x6e: {  	_ =	shalt  }
0x6f: {  	_ =	shalt  }
0x70: {  	_ =	shalt  }
0x71: {  	_ =	shalt  }
0x72: {  	_ =	shalt  }
0x73: {  	_ =	shalt  }
0x74: {  	_ =	shalt  }
0x75: {  	_ =	shalt  }
0x76: {  	_ =	shalt  }
0x77: {  	_ =	shalt  }
0x78: {  	_ =	shalt  }
0x79: {  	_ =	shalt  }
0x7a: {  	_ =	shalt  }
0x7b: {  	_ =	shalt  }
0x7c: {  	_ =	shalt  }
0x7d: {  	_ =	shalt  }
0x7e: {  	_ =	shalt  }
0x7f: {  	_ =	shalt  }
0x80: {  	_ =	shalt  }
0x81: {  	_ =	shalt  }
0x82: {  	_ =	shalt  }
0x83: {  	_ =	shalt  }
0x84: {  	_ =	shalt  }
0x85: {  	_ =	shalt  }
0x86: {  	_ =	shalt  }
0x87: {  	_ =	shalt  }
.Lfunc_end0:
.L_simem_size_0:
called_computation_lowered:
.L_overlay_start_0:
0x88: {  	s2 =	sld [smem:$0x3FD9]  }
0x89: {  	s3 =	sld [smem:$0x3FFE];
	_ =	sdelay $0x1  }
0x8a: {  	s1 =	srdreg.scid  }
0x8b: {  	s0 =	sand.u32 $0x1, s1  }
0x8c: {  	s14 =	sshll.u32 s0, $0xA;
	s2 =	sadd.s32 s3, s2  }
0x8d: {  	s2 =	sadd.s32 s2, s14  }
0x8e: {  	[smem:$0x3FC0] =	sst s2  }
0x8f: {  	_ = 	snop  }
0x90: {  	s2 =	sld [smem:$0x3FD0];
	_ =	sdelay $0x2  }
0x91: {  	s15 =	simm.s32 $0xA;
	s4 =	simm.s32 $0x10  }
0x92: {  	[smem:s4], [sflag:s15] =	dma.local [hbm:s2], $0x1  }
0x93: {  	_ =	swait.eq [sflag:s15], $0x1  }
0x94: {  	[sflag:s15] =	ssyncset.done $0x0  }
0x95: {  	s16 =	sld [smem:$0x10];
	[sflag:s15] =	ssyncadd.s32 $0xFFFFFFFF  }
0x96: {  	s17 =	sld [smem:$0x11];
	(tm) =	ssettm $0x1  }
0x97: {  	s18 =	sld [smem:$0x3FFB];
	_ =	sdelay $0x3  }
0x98: {  	_ =	strace s18  }
0x99: {  	s4 =	sld [smem:$0x3FFC];
	_ =	sdelay $0x3  }
0x9a: {  	_ =	strace s4  }
0x9b: {  	s4 =	sld [smem:$0x3FFD];
	_ =	sdelay $0x3  }
0x9c: {  	_ =	strace s4  }
0x9d: {  	_ =	strace $0x8FFFFFFF  }
0x9e: {  	s19 =	sld [smem:$0x3FDB];
	_ =	sdelay $0x1  }
0x9f: {  	s5 =	simm.s32 $_scs_section_size  }
0xa0: {  	s6 =	simm.s32 $_size__tile_overlayer_lowered;
	s7 =	simm.s32 $_tile_overlayer_lowered  }
0xa1: {  	s22 =	simm.s32 $0x1BFF;
	s21 =	sshll.u32 s7, $0x1;
	s4 =	sadd.s32 s5, s19  }
0xa2: {  	s8 =	simm.s32 $0x0;
	s20 =	sshll.u32 s6, $0x1;
	s6 =	sadd.s32 s21, s4  }
0xa3: {  	[timem:s8], [sflag:s22] =	dma.local [hbm:s6], s20  }
0xa4: {  	_ =	swait.ge [sflag:s22], s20  }
0xa5: {  	s5 =	ssub.s32 $0x0, s20;
	[sflag:s22] =	ssyncset.done $0x0  }
0xa6: {  	[sflag:s22] =	ssyncadd.s32 s5;
	_ =	sdelay $0x1  }
0xa7: {  	s23 =	simm.s32 $0x1B8B  }
0xa8: {  	_ =	swait.ge [sflag:s23], $0x1  }
0xa9: {  	[sflag:s23] =	ssyncset.done $0x0  }
0xaa: {  	s25 =	simm.s32 $0x1B8E;
	s24 =	sld [smem:$0x3FFE];
	[sflag:s23] =	ssyncadd.s32 $0xFFFFFFFF  }
0xab: {  	s26 =	simm.s32 $execute0_lowered;
	[smem:$0x3FD2] =	sst s25  }
0xac: {  	s6 =	sshll.u32 s26, $0x1;
	_ =	strace $0x80000046;
	[dreg:$0x1] =	wrdreg $0xFFFFFFFF  }
0xad: {  	s28 =	simm.s32 $_size_execute0_lowered;
	s4 =	sadd.s32 s4, s6;
	[dreg:$0x0] =	wrdreg $0x0  }
0xae: {  	s6 =	sshll.u32 s28, $0x1;
	[dreg:$0x2] =	wrdreg s4  }
0xaf: {  	[dreg:$0x3] =	wrdreg s6  }
0xb0: {  	[dreg:$0x4] =	wrdreg $0xC0  }
0xb1: {  	_ =	task [dreg:s8], $0x5FFFF  }
0xb2: {  	[dreg:$0x1] =	wrdreg $0xFFFFFFFF  }
0xb3: {  	[dreg:$0x0] =	wrdreg $0x60  }
0xb4: {  	[dreg:$0x2] =	wrdreg s17  }
0xb5: {  	[dreg:$0x3] =	wrdreg s16  }
0xb6: {  	[dreg:$0x4] =	wrdreg s24  }
0xb7: {  	[dreg:$0x5] =	wrdreg $0xA3000  }
0xb8: {  	[dreg:$0x6] =	wrdreg $0x9  }
0xb9: {  	_ =	task.clear_ibuf [dreg:s8], $0x7FFFF;
	_ =	strace $0x90000046  }
0xba: {  	s29 =	simm.s32 $0x9;
	_ =	strace $0x80000048  }
0xbb: {  	_ =	swait.ge [sflag:s29], $0x1  }
0xbc: {  	[sflag:s29] =	ssyncadd.s32 $0xFFFFFFFF  }
0xbd: {  	_ =	strace $0x90000048  }
0xbe: {  	_ =	sfence  }
0xbf: {  	s30 =	sld [smem:$0x0];
	_ =	sdelay $0x2  }
0xc0: {  	s31 =	sshll.u32 s1, $0xD;
	s1 =	sshrl.u32 s1, $0x2  }
0xc1: {  	s3 =	sand.u32 $0x4000, s31;
	s1 =	sadd.s32 s1, s30  }
0xc2: {  	s0 =	sor.u32 s3, s0;
	s1 =	sshll.u32 s1, $0x11  }
0xc3: {  	s0 =	sor.u32 s1, s0  }
0xc4: {  	s0 =	sadd.s32 $0x8F2B, s0  }
0xc5: {  	[sflag:s0] =	ssyncadd.remote.s32 $0x1  }
0xc6: {  	_ =	sfence.sel $0xFFFF  }
0xc7: {  	[dreg:$0x0] =	wrdreg $0xFFFFFFFF;
	(pc) =	sbr.abs _section_cstart, $3  }
0xc8: {  	[dreg:$0x1] =	wrdreg $0xFFFFFFFF  }
0xc9: {  	_ =	task.clear_ibuf [dreg:s8], $0x2FFFF;
	_ =	strace $0x9FFFFFFF  }
0xca: {  	(tm) =	ssettm $0x7FFFFFFF  }
0xcb: {  	_ =	shalt  }
tec
execute0_lowered:
.L_overlay_start_1:
0x0: {  	(tag) =	ssettag $0x1  }
0x1: {  	s4 =	rddreg [dreg:$0x0]  }
0x2: {  	s5 =	rddreg [dreg:$0x1]  }
0x3: {  	s6 =	rddreg [dreg:$0x2]  }
0x4: {  	s2 =	rddreg [dreg:$0x3]  }
0x5: {  	s1 =	srdreg.scid;
	s0 =	rddreg [dreg:$0x4];
	s3 =	simm.s32 $0x0  }
0x6: {  	s13 =	simm.s32 $0x50;
	s14 =	simm.s32 $0xA280;
	s15 =	simm.s32 $0x4F00  }
0x7: {  	s16 =	simm.s32 $0x0;
	s7 =	sand.u32 $0x1, s1;
	s1 =	stileid.u32  }
0x8: {  	[smem:$0x7FF] =	sst s3;
	s8 =	smul.u32 $0x2800, s7;
	s9 =	sshll.u32 s7, $0x4  }
0x9: {  	s10 =	sshll.u32 s1, $0xA;
	_ =	strace $0x80000047;
	s9 =	sor.u32 s1, s9  }
0xa: {  	s7 =	ssub.s32 $0x2, s7;
	s8 =	sadd.s32 s10, s8;
	s9 =	smul.u32 $0x4E2, s9  }
0xb: {  	p0 =	sgt.u32 s1, $0x9;
	s31 =	sshrl.u32 s7, $0x1;
	s8 =	sshrl.u32 s8, $0x3  }
0xc: {  	s12 =	ssub.s32 s7, s31;
	s8 =	sadd.s32 s8, s6;
	s11 =	sadd.s32 s9, s6  }
0xd: {  	v0 =	vlaneseq.u32;
	s4 =	sadd.s32 s4, s9;
	s5 =	sadd.s32 s5, s9;
	s6 =	sadd.s32 s10, s2  }
0xe: {  	v1 =	vimm.f32 $0.0e+00;
	v6 =	vimm.s32 $0x0;
	v2 =	vor.u32 $0x10, v0;
	s9 =	smax.u32 s12, $0x1;
	s10 =	simm.s32 $0x1;
	s12 =	simm.s32 $0x7680  }
0xf: {  	v3 =	vor.u32 $0x20, v0;
	v4 =	vor.u32 $0x30, v0;
	v5 =	vor.u32 $0x40, v0;
	s7 =	sadd.s32 $0x2400, s8;
	s8 =	sadd.s32 $0x2E00, s11;
	s11 =	simm.s32 $0x2780  }
.LBB2_1:
0x10: {  	[tilespmem:s3], [sflag:$0x1] =	stream.linear.gather [hbm4b:s4+s3], $0x2710, $0x38;
	[tilespmem:$0xA580] =	vst v63  }
0x11: {  	_ =	swait.ge [sflag:s10], $0x2710  }
0x12: {  	[sflag:s10] =	ssyncset.done $0x0  }
0x13: {  	[sflag:s10] =	ssyncadd.s32 $0xFFFFD8F0  }
0x14: {  	[tilespmem:s11], [sflag:$0x1] =	stream.linear.gather [hbm4b:s5+s3], $0x2710, $0x38;
	[tilespmem:$0xA580] =	vst v63  }
0x15: {  	_ =	swait.ge [sflag:s10], $0x2710  }
0x16: {  	[sflag:s10] =	ssyncset.done $0x0  }
0x17: {  	[sflag:s10] =	ssyncadd.s32 $0xFFFFD8F0  }
0x18: {  	[tilespmem:$0x9E80] =	vst v1  }
0x19: {  	[tilespmem:$0x9E90] =	vst v1  }
0x1a: {  	[tilespmem:$0x9EA0] =	vst v1  }
0x1b: {  	[tilespmem:$0x9EB0] =	vst v1  }
0x1c: {  	[tilespmem:$0x9EC0] =	vst v1  }
0x1d: {  	[tilespmem:$0x9ED0] =	vst v1  }
0x1e: {  	[tilespmem:$0x9EE0] =	vst v1  }
0x1f: {  	[tilespmem:$0x9EF0] =	vst v1  }
0x20: {  	[tilespmem:$0x9F00] =	vst v1  }
0x21: {  	[tilespmem:$0x9F10] =	vst v1  }
0x22: {  	[tilespmem:$0x9F20] =	vst v1  }
0x23: {  	[tilespmem:$0x9F30] =	vst v1  }
0x24: {  	[tilespmem:$0x9F40] =	vst v1  }
0x25: {  	[tilespmem:$0x9F50] =	vst v1  }
0x26: {  	[tilespmem:$0x9F60] =	vst v1  }
0x27: {  	[tilespmem:$0x9F70] =	vst v1  }
0x28: {  	[tilespmem:$0x9F80] =	vst v1  }
0x29: {  	[tilespmem:$0x9F90] =	vst v1  }
0x2a: {  	[tilespmem:$0x9FA0] =	vst v1  }
0x2b: {  	[tilespmem:$0x9FB0] =	vst v1  }
0x2c: {  	[tilespmem:$0x9FC0] =	vst v1  }
0x2d: {  	[tilespmem:$0x9FD0] =	vst v1  }
0x2e: {  	[tilespmem:$0x9FE0] =	vst v1  }
0x2f: {  	[tilespmem:$0x9FF0] =	vst v1  }
0x30: {  	[tilespmem:$0xA000] =	vst v1  }
0x31: {  	[tilespmem:$0xA010] =	vst v1  }
0x32: {  	[tilespmem:$0xA020] =	vst v1  }
0x33: {  	[tilespmem:$0xA030] =	vst v1  }
0x34: {  	[tilespmem:$0xA040] =	vst v1  }
0x35: {  	[tilespmem:$0xA050] =	vst v1  }
0x36: {  	[tilespmem:$0xA060] =	vst v1  }
0x37: {  	[tilespmem:$0xA070] =	vst v1  }
0x38: {  	[tilespmem:$0xA080] =	vst v1  }
0x39: {  	[tilespmem:$0xA090] =	vst v1  }
0x3a: {  	[tilespmem:$0xA0A0] =	vst v1  }
0x3b: {  	[tilespmem:$0xA0B0] =	vst v1  }
0x3c: {  	[tilespmem:$0xA0C0] =	vst v1  }
0x3d: {  	[tilespmem:$0xA0D0] =	vst v1  }
0x3e: {  	[tilespmem:$0xA0E0] =	vst v1  }
0x3f: {  	[tilespmem:$0xA0F0] =	vst v1  }
0x40: {  	[tilespmem:$0xA100] =	vst v1  }
0x41: {  	[tilespmem:$0xA110] =	vst v1  }
0x42: {  	[tilespmem:$0xA120] =	vst v1  }
0x43: {  	[tilespmem:$0xA130] =	vst v1  }
0x44: {  	[tilespmem:$0xA140] =	vst v1  }
0x45: {  	[tilespmem:$0xA150] =	vst v1  }
0x46: {  	[tilespmem:$0xA160] =	vst v1  }
0x47: {  	[tilespmem:$0xA170] =	vst v1  }
0x48: {  	[tilespmem:$0xA180] =	vst v1  }
0x49: {  	[tilespmem:$0xA190] =	vst v1  }
0x4a: {  	[tilespmem:$0xA1A0] =	vst v1  }
0x4b: {  	[tilespmem:$0xA1B0] =	vst v1  }
0x4c: {  	[tilespmem:$0xA1C0] =	vst v1  }
0x4d: {  	[tilespmem:$0xA1D0] =	vst v1  }
0x4e: {  	[tilespmem:$0xA1E0] =	vst v1  }
0x4f: {  	[tilespmem:$0xA1F0] =	vst v1  }
0x50: {  	[tilespmem:$0xA200] =	vst v1  }
0x51: {  	[tilespmem:$0xA210] =	vst v1  }
0x52: {  	[tilespmem:$0xA220] =	vst v1  }
0x53: {  	[tilespmem:$0xA230] =	vst v1  }
0x54: {  	[tilespmem:$0xA240] =	vst v1  }
0x55: {  	[tilespmem:$0xA250] =	vst v1  }
0x56: {  	[tilespmem:$0xA260] =	vst v1  }
0x57: {  	[tilespmem:$0xA270] =	vst v1  }
0x58: {  	[tilespmem:$0xA280] =	vst v0  }
0x59: {  	[tilespmem:$0xA290] =	vst v2  }
0x5a: {  	[tilespmem:$0xA2A0] =	vst v3  }
0x5b: {  	[tilespmem:$0xA2B0] =	vst v4  }
0x5c: {  	s17 =	simm.s32 $0x0;
	s18 =	simm.s32 $0x200;
	[tilespmem:$0xA2C0] =	vst v5  }
.LBB2_2:
0x5d: {  	p1 =	sne.s32 s18, $0x9E00;
	[tilespmem:s17+$0x76F0] =	vst v1  }
0x5e: {  	[tilespmem:s17+$0x7680] =	vst v1  }
0x5f: {  	[tilespmem:s17+$0x7690] =	vst v1  }
.Ltmp0:
0x60: {  	[tilespmem:s17+$0x76A0] =	vst v1;
	(pc) =	sbr.rel @p1 .LBB2_2-.Ltmp0, $4  }
0x61: {  	[tilespmem:s17+$0x76B0] =	vst v1  }
0x62: {  	[tilespmem:s17+$0x76C0] =	vst v1  }
0x63: {  	[tilespmem:s17+$0x76D0] =	vst v1  }
0x64: {  	[tilespmem:s17+$0x76E0] =	vst v1;
	s17 =	sshra.s32 s18, $0x2;
	s18 =	sadd.s32 $0x200, s18  }
0x65: {  	[tilespmem:s17+$0x76F0] =	vst v1  }
0x66: {  	[tilespmem:s17+$0x7680] =	vst v1  }
0x67: {  	[tilespmem:s17+$0x7690] =	vst v1  }
0x68: {  	[tilespmem:s17+$0x76A0] =	vst v1  }
0x69: {  	[tilespmem:s17+$0x76B0] =	vst v1  }
0x6a: {  	[tilespmem:s17+$0x76C0] =	vst v1  }
0x6b: {  	[tilespmem:s17+$0x76D0] =	vst v1  }
0x6c: {  	[tilespmem:s17+$0x76E0] =	vst v1;
	s17 =	simm.s32 @!p0 $0x9E80  }
0x6d: {  	[spmem:s6] =	stream.linear.scatter @!p0 [tilespmem:s17], [sflag:$0x1], $0x400, $0x38;
	[tilespmem:$0xA580] =	vst v63  }
0x6e: {  	s17 =	simm.s32 @!p0 $0x1  }
0x6f: {  	_ =	swait.ge @!p0 [sflag:s17], $0x400  }
0x70: {  	[sflag:s17] =	ssyncset.done @!p0 $0x0  }
0x71: {  	[sflag:s17] =	ssyncadd.s32 @!p0 $0xFFFFFC00  }
0x72: {  	s17 =	simm.s32 $0x0;
	[bflag:$0x0] =	sbarrier.arrive $0xFFFF  }
0x73: {  	v8 =	vld [tilespmem:s17+$0x0]  }
0x74: {  	v7 =	vld [tilespmem:s17+$0x2780];
	_ =	sdelay $0x4  }
0x75: {  	vm0 =	vne.s32 v8, v7  }
0x76: {  	v9 =	vsel vm0, $0x3F800000, v6  }
0x77: {  	s18 =	simm.s32 $0x80;
	s19 =	simm.s32 $0x10;
	v7 =	vnsel vm0, $0x27FF, v7;
	[tilespmem:v8+s12+$0x0] =	vst.idx.add.f32.msk $0xffff, v9  }
.LBB2_4:
0x78: {  	p1 =	sne.s32 s18, $0x9C00;
	v8 =	vld [tilespmem:s19+$0x0];
	[tilespmem:s17+$0x4F00] =	vst v7;
	s20 =	smov.u32 s18;
	s18 =	sadd.s32 $0x40, s18  }
0x79: {  	s17 =	smov.u32 s19;
	v7 =	vld [tilespmem:s19+$0x2780];
	_ =	sdelay $0x2  }
.Ltmp1:
0x7a: {  	(pc) =	sbr.rel @p1 .LBB2_4-.Ltmp1, $4  }
0x7b: {  	_ = 	snop  }
0x7c: {  	vm0 =	vne.s32 v8, v7  }
0x7d: {  	v9 =	vsel vm0, $0x3F800000, v6;
	v7 =	vnsel vm0, $0x27FF, v7  }
0x7e: {  	s19 =	sshra.s32 s20, $0x2;
	[tilespmem:v8+s12+$0x0] =	vst.idx.add.f32.msk $0xffff, v9  }
0x7f: {  	v8 =	vld [tilespmem:s19+$0x0];
	[tilespmem:s17+$0x4F00] =	vst v7  }
0x80: {  	v7 =	vld [tilespmem:s19+$0x2780];
	_ =	sdelay $0x4  }
0x81: {  	vm0 =	vne.s32 v8, v7  }
0x82: {  	v9 =	vsel vm0, $0x3F800000, v6  }
0x83: {  	v7 =	vnsel vm0, $0x27FF, v7;
	[tilespmem:v8+s12+$0x0] =	vst.idx.add.f32.msk $0xffff, v9  }
0x84: {  	[tilespmem:s19+$0x4F00] =	vst v7  }
0x85: {  	[spmem:s2] =	stream.indirect.scatter.add.f32 [tilespmem:s12], [sflag:$0x1], $0x80, s14, s13, $0xb8;
	[tilespmem:$0xA580] =	vst v63  }
0x86: {  	_ =	swait.ge [sflag:s10], $0x2800  }
0x87: {  	[sflag:s10] =	ssyncset.done $0x0  }
0x88: {  	[sflag:s10] =	ssyncadd.s32 $0xFFFFD800  }
0x89: {  	s17 =	simm.s32 @!p0 $0x9E80;
	s18 =	simm.s32 @!p0 $0x1;
	[bflag:$0x0] =	sbarrier.arrive $0xFFFF  }
0x8a: {  	[tilespmem:s17], [sflag:$0x1] =	stream.linear.gather @!p0 [spmem:s6], $0x400, $0x38;
	[tilespmem:$0xA580] =	vst v63  }
0x8b: {  	_ =	swait.ge @!p0 [sflag:s18], $0x400  }
0x8c: {  	[sflag:s18] =	ssyncset.done @!p0 $0x0  }
0x8d: {  	s19 =	simm.s32 @!p0 $0x0;
	[sflag:s18] =	ssyncadd.s32 @!p0 $0xFFFFFC00  }
0x8e: {  	[hbm4b:s7+s19] =	stream.linear.scatter @!p0 [tilespmem:s17], [sflag:$0x1], $0x400, $0x38;
	[tilespmem:$0xA580] =	vst v63  }
0x8f: {  	s16 =	sadd.s32 $0x1, s16;
	_ =	swait.ge @!p0 [sflag:s18], $0x400  }
0x90: {  	p1 =	sne.s32 s16, s9;
	[sflag:s18] =	ssyncset.done @!p0 $0x0  }
.Ltmp2:
0x91: {  	[sflag:s18] =	ssyncadd.s32 @!p0 $0xFFFFFC00;
	(pc) =	sbr.rel @p1 .LBB2_1-.Ltmp2, $4  }
0x92: {  	[hbm4b:s8+s3] =	stream.linear.scatter [tilespmem:s15], [sflag:$0x1], $0x2710, $0x38;
	[tilespmem:$0xA580] =	vst v63  }
0x93: {  	_ =	swait.ge [sflag:s10], $0x2710  }
0x94: {  	[sflag:s10] =	ssyncset.done $0x0  }
0x95: {  	[sflag:s10] =	ssyncadd.s32 $0xFFFFD8F0  }
0x96: {  	_ =	sfence.sel $0x180000  }
0x97: {  	[bflag:$0x0] =	sbarrier.arrive $0xFFFF  }
0x98: {  	p0 =	sne.s32 s1, $0x0;
	_ =	strace $0x90000047  }
0x99: {  	s0 =	sadd.s32 @!p0 $0x100000, s0;
	[bflag:$0x2] =	sbarrier.arrive $0xFFFF  }
0x9a: {  	[sflag:s0] =	ssyncadd.tile.s32 @!p0 $0x1;
	_ =	shalt  }
.Lfunc_end2:
_tile_overlayer_lowered:
.L_overlay_start_2:
0x9b: {  	(tag) =	ssettag $0x2  }
0x9c: {  	s0 =	rddreg [dreg:$0x0];
	s2 =	stileid.u32  }
0x9d: {  	s1 =	rddreg [dreg:$0x1];
	p0 =	sne.s32 s2, $0x0  }
0x9e: {  	s3 =	rddreg [dreg:$0x2];
	[bflag:$0x3] =	sbarrier.arrive $0xFFFF;
	s2 =	simm.s32 @!p0 $0x1C01  }
0x9f: {  	[timem:s3], [sflag:s2] =	dma.local @!p0 [hbm:s0], s1  }
0xa0: {  	s0 =	simm.s32 @!p0 $0x1  }
0xa1: {  	_ =	swait.ge @!p0 [sflag:s0], s1  }
0xa2: {  	s1 =	ssub.s32 @!p0 $0x0, s1;
	[sflag:s0] =	ssyncset.done @!p0 $0x0  }
0xa3: {  	[sflag:s0] =	ssyncadd.s32 @!p0 s1  }
0xa4: {  	[bflag:$0x3] =	sbarrier.arrive $0xFFFF  }
0xa5: {  	_ =	shalt  }

</sc_bundles>
